<compile_context>
chip_gen: v7x
topology: tpu7x:2x2x1
jax: 0.10.2.dev20260603
libtpu: 0.0.44.dev20260713+nightly
codegen_flags: <defaults>
</compile_context>

<pallas_src>
import functools

import jax
import jax.numpy as jnp
from jax import lax
from jax.experimental import pallas as pl
from jax.experimental.pallas import tpu as pltpu
from jax.experimental.pallas import tpu_sc as plsc

VOCAB = 1000000
SIZE = 64
WINDOW = 5
NEG = 10
PAD = VOCAB
B = 16384

CW = 2 * WINDOW
DCOLS = 2 * CW + 2 + NEG
NC = 2
NS = 16
NW = NC * NS
L = 16
ROWS_W = B // NW
CHUNK = 32
NCHUNK = ROWS_W // CHUNK
NIDX = CHUNK * CW
NVEC = SIZE // L
PIECES = [(0, NIDX)]

_mesh = plsc.VectorSubcoreMesh(core_axis_name="c", subcore_axis_name="s")


@functools.partial(
    pl.kernel,
    mesh=_mesh,
    compiler_params=pltpu.CompilerParams(
        use_tc_tiling_on_sc=False, needs_layout_passes=False),
    out_type=jax.ShapeDtypeStruct((NW, 2, L), jnp.float32),
    scratch_types=[
        pltpu.VMEM((ROWS_W * DCOLS,), jnp.int32),
        pltpu.VMEM((ROWS_W * CW,), jnp.int32),
        pltpu.VMEM((ROWS_W * CW,), jnp.int32),
        pltpu.VMEM((ROWS_W,), jnp.int32),
        pltpu.VMEM((2, NIDX, SIZE), jnp.float32),
        pltpu.VMEM((2, NIDX, SIZE), jnp.float32),
        pltpu.VMEM((2, CHUNK, SIZE), jnp.float32),
        pltpu.VMEM((2, L), jnp.float32),
        pltpu.SemaphoreType.DMA,
        pltpu.SemaphoreType.DMA,
    ],
)
def _cbow_sc(data_hbm, ctx_hbm, neg_hbm, word_hbm, emb0_hbm, emb1_hbm,
             out_hbm,
             data_v, ctx_idx_v, neg_idx_v, word_idx_v,
             ctx_rows, neg_rows, word_rows,
             acc_v, sem0, sem1):
    wid = lax.axis_index("s") * NC + lax.axis_index("c")
    base = wid * ROWS_W
    sems = [sem0, sem1]
    iota = lax.iota(jnp.int32, L)

    pltpu.sync_copy(data_hbm.at[pl.ds(base * DCOLS, ROWS_W * DCOLS)], data_v)
    pltpu.sync_copy(ctx_hbm.at[pl.ds(base * CW, ROWS_W * CW)], ctx_idx_v)
    pltpu.sync_copy(neg_hbm.at[pl.ds(base * CW, ROWS_W * CW)], neg_idx_v)
    pltpu.sync_copy(word_hbm.at[pl.ds(base, ROWS_W)], word_idx_v)

    zero = jnp.zeros((L,), jnp.float32)
    acc_v[0, :] = zero
    acc_v[1, :] = zero

    def copies(g, buf, sem):
        gbase = g * NIDX
        out = []
        for off, n in PIECES:
            out.append(pltpu.make_async_copy(
                emb0_hbm.at[ctx_idx_v.at[pl.ds(gbase + off, n)]],
                ctx_rows.at[buf, pl.ds(off, n)], sem))
            out.append(pltpu.make_async_copy(
                emb1_hbm.at[neg_idx_v.at[pl.ds(gbase + off, n)]],
                neg_rows.at[buf, pl.ds(off, n)], sem))
        out.append(pltpu.make_async_copy(
            emb1_hbm.at[word_idx_v.at[pl.ds(g * CHUNK, CHUNK)]],
            word_rows.at[buf], sem))
        return out

    def fire(g, buf, sem):
        for c in copies(g, buf, sem):
            c.start()

    def drain(g, buf, sem):
        for c in copies(g, buf, sem):
            c.wait()

    def compute(g, buf):
        cbase = g * CHUNK
        lane0 = iota == 0
        hi_lanes = iota >= (L - NEG)

        def row_body(r, carry):
            accp, accn = carry
            lvec = data_v[pl.ds((cbase + r) * DCOLS + 8, L)]
            len_s = jnp.sum(jnp.where(iota == 2, lvec, 0))
            inv_len = 1.0 / jnp.full((L,), len_s.astype(jnp.float32))
            mvec = data_v[pl.ds((cbase + r) * DCOLS + (DCOLS - L), L)]
            cm = []
            for k in range(NVEC):
                s = ctx_rows[buf, r * CW, pl.ds(k * L, L)]
                for w in range(1, CW):
                    s = s + ctx_rows[buf, r * CW + w, pl.ds(k * L, L)]
                cm.append(s * inv_len)
            dot = cm[0] * word_rows[buf, r, pl.ds(0, L)]
            for k in range(1, NVEC):
                dot = dot + cm[k] * word_rows[buf, r, pl.ds(k * L, L)]
            p = jnp.sum(dot)
            sig_p = 1.0 / (1.0 + jnp.exp(jnp.full((L,), -p)))
            t = jnp.where(lane0, 1.0 - sig_p, 0.0)
            accp = accp + t * t
            nv = jnp.zeros((L,), jnp.float32)
            for j in range(NEG):
                nd = cm[0] * neg_rows[buf, r * CW + j, pl.ds(0, L)]
                for k in range(1, NVEC):
                    nd = nd + cm[k] * neg_rows[buf, r * CW + j, pl.ds(k * L, L)]
                nj = jnp.sum(nd)
                nv = jnp.where(iota == (L - NEG + j), jnp.full((L,), nj), nv)
            m = jnp.where(hi_lanes, mvec, 0).astype(jnp.float32)
            v = m / (1.0 + jnp.exp(-nv))
            accn = accn + v * v
            return accp, accn

        accp, accn = lax.fori_loop(0, CHUNK, row_body,
                                   (acc_v[0, :], acc_v[1, :]))
        acc_v[0, :] = accp
        acc_v[1, :] = accn

    fire(0, 0, sem0)

    def chunk_pair(g2, _):
        for par in range(2):
            g = g2 + par

            @pl.when(g + 1 < NCHUNK)
            def _():
                fire(g + 1, 1 - par, sems[1 - par])

            drain(g, par, sems[par])
            compute(g, par)
        return 0

    lax.fori_loop(0, NCHUNK // 2, lambda i, c: chunk_pair(i * 2, c), 0)

    pltpu.sync_copy(acc_v, out_hbm.at[wid])


def kernel(data, emb0, emb1):
    data = data.astype(jnp.int32)
    ctx = data[:, 0:CW].reshape(-1)
    word = data[:, CW + 1]
    neg = data[:, CW + 2:CW + 2 + NEG].reshape(-1)
    part = _cbow_sc(data.reshape(-1), ctx, neg, word, emb0, emb1)
    s = jnp.sum(part, axis=(0, 2)) * (0.5 / B)
    return (s[0], s[1])

# --- scband reference (transcript-rebuilt; emitter-appended) ---
"""Pipeline reference for scband-cbow-62122406969989 (READ-ONLY COPY).

The authoritative reference and input builder live on the scoring server;
editing this copy changes nothing except your own understanding.
"""

import jax, jax.numpy as jnp
import numpy as np

VOCAB = 1000000
SIZE = 64
WINDOW = 5
NEG = 10
PAD = VOCAB
B = 16384


def setup_inputs(seed: int = 0) -> dict:
    key = jax.random.key(seed)
    k1, k2, k3, k4, k5, k6, k7 = jax.random.split(key, 7)
    # data layout: [ctx_indices(2W) | ctx_len(1) | word_idx(1) | neg_indices(NEG) | neg_mask(NEG)]
    ctx = jax.random.randint(k1, (B, 2 * WINDOW), 0, VOCAB + 1)
    lens = jax.random.randint(k2, (B, 1), 1, 2 * WINDOW + 1)
    word = jax.random.randint(k3, (B, 1), 0, VOCAB)
    neg = jax.random.randint(k4, (B, NEG), 0, VOCAB)
    mask = jax.random.randint(k5, (B, NEG), 0, 2)
    data = jnp.concatenate([ctx, lens, word, neg, mask], axis=1)
    emb0 = jax.random.uniform(k6, (VOCAB + 1, SIZE), minval=-0.5 / SIZE, maxval=0.5 / SIZE, dtype=jnp.float32)
    emb0 = emb0.at[PAD].set(0.0)
    # NOTE: original torch code zero-inits emb1 which is degenerate for benchmarking;
    # we use small random values so the compute path is non-trivial.
    emb1 = jax.random.normal(k7, (VOCAB, SIZE), dtype=jnp.float32) * 0.01
    return {"data": data, "emb0": emb0, "emb1": emb1}


def cbow_mean(x, lens):
    # sum over context dim, divide by per-row context length (CBOWMean.forward)
    s = jnp.sum(x, axis=1, keepdims=True)
    return s / lens[:, None, None]


def reference(data, emb0, emb1):
    # emulate self.emb0_lookup.weight.data[pad_idx].fill_(0)
    emb0 = emb0.at[PAD].set(0.0)
    ctx_indices = data[:, 0:2 * WINDOW]
    ctx_lens = data[:, 2 * WINDOW].astype(jnp.float32)
    word_idx = data[:, 2 * WINDOW + 1]
    neg_indices = data[:, 2 * WINDOW + 2:2 * WINDOW + 2 + NEG]
    neg_mask = data[:, 2 * WINDOW + 2 + NEG:].astype(jnp.float32)

    c_embs = jnp.take(emb0, ctx_indices, axis=0)   # [B, 2W, D]
    w_embs = jnp.take(emb1, word_idx, axis=0)      # [B, D]
    n_embs = jnp.take(emb1, neg_indices, axis=0)   # [B, NEG, D]

    c_embs = cbow_mean(c_embs, ctx_lens)           # [B, 1, D]

    pos_ips = jnp.sum(c_embs[:, 0, :] * w_embs, axis=1)            # [B]
    neg_ips = jnp.einsum('bnd,bd->bn', n_embs, c_embs[:, 0, :])    # [B, NEG]

    pos_logits = jax.nn.sigmoid(pos_ips)
    neg_logits = jax.nn.sigmoid(neg_ips) * neg_mask

    pos_loss = jnp.mean(0.5 * jnp.power(1.0 - pos_logits, 2))
    neg_loss = jnp.mean(jnp.sum(0.5 * jnp.power(neg_logits, 2), axis=1))
    return (pos_loss, neg_loss)

if __name__ == "__main__":
    import jax
    _d = setup_inputs()
    print(jax.jit(kernel)(*tuple(_d.values())))

</pallas_src>

<mosaic_0001>
#map = affine_map<(d0, d1) -> (0)>
#map1 = affine_map<(d0, d1) -> (0, 0)>
#map2 = affine_map<(d0, d1) -> (0, 0, 0)>
module attributes {stable_mosaic.version = 14 : i64} {
  func.func @_cbow_sc(%arg0: i32, %arg1: i32, %arg2: memref<524288xi32, #tpu.memory_space<hbm>>, %arg3: memref<163840xi32, #tpu.memory_space<hbm>>, %arg4: memref<163840xi32, #tpu.memory_space<hbm>>, %arg5: memref<16384xi32, #tpu.memory_space<hbm>>, %arg6: memref<1000001x64xf32, #tpu.memory_space<hbm>>, %arg7: memref<1000000x64xf32, #tpu.memory_space<hbm>>, %arg8: memref<32x2x16xf32, #tpu.memory_space<hbm>>, %arg9: memref<16384xi32, #tpu.memory_space<vmem>>, %arg10: memref<5120xi32, #tpu.memory_space<vmem>>, %arg11: memref<5120xi32, #tpu.memory_space<vmem>>, %arg12: memref<512xi32, #tpu.memory_space<vmem>>, %arg13: memref<2x320x64xf32, #tpu.memory_space<vmem>>, %arg14: memref<2x320x64xf32, #tpu.memory_space<vmem>>, %arg15: memref<2x32x64xf32, #tpu.memory_space<vmem>>, %arg16: memref<2x16xf32, #tpu.memory_space<vmem>>, %arg17: memref<!tpu.dma_semaphore, #tpu.memory_space<semaphore_mem>>, %arg18: memref<!tpu.dma_semaphore, #tpu.memory_space<semaphore_mem>>) attributes {dimension_semantics = [#tpu.dimension_semantics<core_parallel>, #tpu.dimension_semantics<subcore_parallel>], iteration_bounds = array<i64: 2, 16>, scalar_prefetch = 0 : i64, scratch_operands = 10 : i64, tpu.core_type = #tpu.core_type<sc_vector_subcore>, window_params = [{transform_indices = #map}, {transform_indices = #map}, {transform_indices = #map}, {transform_indices = #map}, {transform_indices = #map1}, {transform_indices = #map1}, {transform_indices = #map2}]} {
    %mul3A = arith.constant 2 : i32
    %mul3A_0 = arith.muli %arg1, %mul3A : i32
    %add3A = arith.addi %mul3A_0, %arg0 : i32
    %mul3A_1 = arith.constant 512 : i32
    %mul3A_2 = arith.muli %add3A, %mul3A_1 : i32
    %iota3A = tpu.iota {dimensions = array<i32: 0>} : vector<16xi32>
    %mul3A_3 = arith.constant 32 : i32
    %mul3A_4 = arith.muli %mul3A_2, %mul3A_3 : i32
    "tpu.region"() ({
      %run_scoped3A = tpu.sem_alloc : memref<!tpu.dma_semaphore, #tpu.memory_space<semaphore_mem>>
      %dma_start3A_52 = tpu.memref_slice %arg2[%mul3A_4] : memref<524288xi32, #tpu.memory_space<hbm>> -> memref<16384xi32, #tpu.memory_space<hbm>>
      %dma_start3A_53 = tpu.memref_slice %arg2[%mul3A_4] : memref<524288xi32, #tpu.memory_space<hbm>> -> memref<16384xi32, #tpu.memory_space<hbm>>
      tpu.enqueue_dma source(%dma_start3A_53 : memref<16384xi32, #tpu.memory_space<hbm>>) target(%arg9 : memref<16384xi32, #tpu.memory_space<vmem>>) target_semaphore(%run_scoped3A : memref<!tpu.dma_semaphore, #tpu.memory_space<semaphore_mem>>)
      %dma_wait3A = tpu.memref_slice %arg2[%mul3A_4] : memref<524288xi32, #tpu.memory_space<hbm>> -> memref<16384xi32, #tpu.memory_space<hbm>>
      %dma_wait3A_54 = tpu.memref_slice %arg2[%mul3A_4] : memref<524288xi32, #tpu.memory_space<hbm>> -> memref<16384xi32, #tpu.memory_space<hbm>>
      tpu.wait_dma2 semaphore(%run_scoped3A : memref<!tpu.dma_semaphore, #tpu.memory_space<semaphore_mem>>) src(%dma_wait3A_54 : memref<16384xi32, #tpu.memory_space<hbm>>) dst(%arg9 : memref<16384xi32, #tpu.memory_space<vmem>>)
      tpu.yield
    }) : () -> ()
    %mul3A_5 = arith.constant 10 : i32
    %mul3A_6 = arith.muli %mul3A_2, %mul3A_5 : i32
    "tpu.region"() ({
      %run_scoped3A = tpu.sem_alloc : memref<!tpu.dma_semaphore, #tpu.memory_space<semaphore_mem>>
      %dma_start3A_52 = tpu.memref_slice %arg3[%mul3A_6] : memref<163840xi32, #tpu.memory_space<hbm>> -> memref<5120xi32, #tpu.memory_space<hbm>>
      %dma_start3A_53 = tpu.memref_slice %arg3[%mul3A_6] : memref<163840xi32, #tpu.memory_space<hbm>> -> memref<5120xi32, #tpu.memory_space<hbm>>
      tpu.enqueue_dma source(%dma_start3A_53 : memref<5120xi32, #tpu.memory_space<hbm>>) target(%arg10 : memref<5120xi32, #tpu.memory_space<vmem>>) target_semaphore(%run_scoped3A : memref<!tpu.dma_semaphore, #tpu.memory_space<semaphore_mem>>)
      %dma_wait3A = tpu.memref_slice %arg3[%mul3A_6] : memref<163840xi32, #tpu.memory_space<hbm>> -> memref<5120xi32, #tpu.memory_space<hbm>>
      %dma_wait3A_54 = tpu.memref_slice %arg3[%mul3A_6] : memref<163840xi32, #tpu.memory_space<hbm>> -> memref<5120xi32, #tpu.memory_space<hbm>>
      tpu.wait_dma2 semaphore(%run_scoped3A : memref<!tpu.dma_semaphore, #tpu.memory_space<semaphore_mem>>) src(%dma_wait3A_54 : memref<5120xi32, #tpu.memory_space<hbm>>) dst(%arg10 : memref<5120xi32, #tpu.memory_space<vmem>>)
      tpu.yield
    }) : () -> ()
    %mul3A_7 = arith.constant 10 : i32
    %mul3A_8 = arith.muli %mul3A_2, %mul3A_7 : i32
    "tpu.region"() ({
      %run_scoped3A = tpu.sem_alloc : memref<!tpu.dma_semaphore, #tpu.memory_space<semaphore_mem>>
      %dma_start3A_52 = tpu.memref_slice %arg4[%mul3A_8] : memref<163840xi32, #tpu.memory_space<hbm>> -> memref<5120xi32, #tpu.memory_space<hbm>>
      %dma_start3A_53 = tpu.memref_slice %arg4[%mul3A_8] : memref<163840xi32, #tpu.memory_space<hbm>> -> memref<5120xi32, #tpu.memory_space<hbm>>
      tpu.enqueue_dma source(%dma_start3A_53 : memref<5120xi32, #tpu.memory_space<hbm>>) target(%arg11 : memref<5120xi32, #tpu.memory_space<vmem>>) target_semaphore(%run_scoped3A : memref<!tpu.dma_semaphore, #tpu.memory_space<semaphore_mem>>)
      %dma_wait3A = tpu.memref_slice %arg4[%mul3A_8] : memref<163840xi32, #tpu.memory_space<hbm>> -> memref<5120xi32, #tpu.memory_space<hbm>>
      %dma_wait3A_54 = tpu.memref_slice %arg4[%mul3A_8] : memref<163840xi32, #tpu.memory_space<hbm>> -> memref<5120xi32, #tpu.memory_space<hbm>>
      tpu.wait_dma2 semaphore(%run_scoped3A : memref<!tpu.dma_semaphore, #tpu.memory_space<semaphore_mem>>) src(%dma_wait3A_54 : memref<5120xi32, #tpu.memory_space<hbm>>) dst(%arg11 : memref<5120xi32, #tpu.memory_space<vmem>>)
      tpu.yield
    }) : () -> ()
    "tpu.region"() ({
      %run_scoped3A = tpu.sem_alloc : memref<!tpu.dma_semaphore, #tpu.memory_space<semaphore_mem>>
      %dma_start3A_52 = tpu.memref_slice %arg5[%mul3A_2] : memref<16384xi32, #tpu.memory_space<hbm>> -> memref<512xi32, #tpu.memory_space<hbm>>
      %dma_start3A_53 = tpu.memref_slice %arg5[%mul3A_2] : memref<16384xi32, #tpu.memory_space<hbm>> -> memref<512xi32, #tpu.memory_space<hbm>>
      tpu.enqueue_dma source(%dma_start3A_53 : memref<512xi32, #tpu.memory_space<hbm>>) target(%arg12 : memref<512xi32, #tpu.memory_space<vmem>>) target_semaphore(%run_scoped3A : memref<!tpu.dma_semaphore, #tpu.memory_space<semaphore_mem>>)
      %dma_wait3A = tpu.memref_slice %arg5[%mul3A_2] : memref<16384xi32, #tpu.memory_space<hbm>> -> memref<512xi32, #tpu.memory_space<hbm>>
      %dma_wait3A_54 = tpu.memref_slice %arg5[%mul3A_2] : memref<16384xi32, #tpu.memory_space<hbm>> -> memref<512xi32, #tpu.memory_space<hbm>>
      tpu.wait_dma2 semaphore(%run_scoped3A : memref<!tpu.dma_semaphore, #tpu.memory_space<semaphore_mem>>) src(%dma_wait3A_54 : memref<512xi32, #tpu.memory_space<hbm>>) dst(%arg12 : memref<512xi32, #tpu.memory_space<vmem>>)
      tpu.yield
    }) : () -> ()
    %broadcast_in_dim3A = arith.constant 0.000000e+00 : f32
    %broadcast_in_dim3A_9 = vector.broadcast %broadcast_in_dim3A : f32 to vector<16xf32>
    %swap3A = arith.constant 0 : i32
    %swap3A_10 = arith.index_cast %swap3A : i32 to index
    %swap3A_11 = arith.constant 0 : index
    %swap3A_12 = tpu.vector_load %arg16[%swap3A_10, %swap3A_11] {strides = array<i32>} : memref<2x16xf32, #tpu.memory_space<vmem>>, vector<16xf32>,
    tpu.vector_store %arg16[%swap3A_10, %swap3A_11], %broadcast_in_dim3A_9 {strides = array<i32>} : memref<2x16xf32, #tpu.memory_space<vmem>>, vector<16xf32>,
    %swap3A_13 = arith.constant 1 : i32
    %swap3A_14 = arith.index_cast %swap3A_13 : i32 to index
    %swap3A_15 = arith.constant 0 : index
    %swap3A_16 = tpu.vector_load %arg16[%swap3A_14, %swap3A_15] {strides = array<i32>} : memref<2x16xf32, #tpu.memory_space<vmem>>, vector<16xf32>,
    tpu.vector_store %arg16[%swap3A_14, %swap3A_15], %broadcast_in_dim3A_9 {strides = array<i32>} : memref<2x16xf32, #tpu.memory_space<vmem>>, vector<16xf32>,
    %dma_start3A = arith.constant 0 : i32
    %dma_start3A_17 = arith.constant 0 : i32
    %dma_start3A_18 = arith.constant 0 : i32
    %dma_start3A_19 = tpu.memref_slice %arg13[%dma_start3A, %dma_start3A_17, %dma_start3A_18] : memref<2x320x64xf32, #tpu.memory_space<vmem>> -> memref<1x320x64xf32, #tpu.memory_space<vmem>>
    %dma_start3A_20 = tpu.memref_squeeze %dma_start3A_19 : memref<1x320x64xf32, #tpu.memory_space<vmem>> -> memref<320x64xf32, #tpu.memory_space<vmem>>
    %dma_start3A_21 = arith.constant 0 : i32
    %dma_start3A_22 = tpu.memref_slice %arg10[%dma_start3A_21] : memref<5120xi32, #tpu.memory_space<vmem>> -> memref<320xi32, #tpu.memory_space<vmem>>
    %dma_start3A_23 = arith.constant 0 : i32
    %dma_start3A_24 = arith.constant 0 : i32
    %dma_start3A_25 = tpu.memref_slice %arg6[%dma_start3A_23, %dma_start3A_24] : memref<1000001x64xf32, #tpu.memory_space<hbm>> -> memref<1000001x64xf32, #tpu.memory_space<hbm>>
    tpu.enqueue_indirect_dma source(%dma_start3A_25 : memref<1000001x64xf32, #tpu.memory_space<hbm>>) target(%dma_start3A_20 : memref<320x64xf32, #tpu.memory_space<vmem>>) offsets(%dma_start3A_22 : memref<320xi32, #tpu.memory_space<vmem>>) semaphore(%arg17 : memref<!tpu.dma_semaphore, #tpu.memory_space<semaphore_mem>>)
    %dma_start3A_26 = arith.constant 0 : i32
    %dma_start3A_27 = arith.constant 0 : i32
    %dma_start3A_28 = arith.constant 0 : i32
    %dma_start3A_29 = tpu.memref_slice %arg14[%dma_start3A_26, %dma_start3A_27, %dma_start3A_28] : memref<2x320x64xf32, #tpu.memory_space<vmem>> -> memref<1x320x64xf32, #tpu.memory_space<vmem>>
    %dma_start3A_30 = tpu.memref_squeeze %dma_start3A_29 : memref<1x320x64xf32, #tpu.memory_space<vmem>> -> memref<320x64xf32, #tpu.memory_space<vmem>>
    %dma_start3A_31 = arith.constant 0 : i32
    %dma_start3A_32 = tpu.memref_slice %arg11[%dma_start3A_31] : memref<5120xi32, #tpu.memory_space<vmem>> -> memref<320xi32, #tpu.memory_space<vmem>>
    %dma_start3A_33 = arith.constant 0 : i32
    %dma_start3A_34 = arith.constant 0 : i32
    %dma_start3A_35 = tpu.memref_slice %arg7[%dma_start3A_33, %dma_start3A_34] : memref<1000000x64xf32, #tpu.memory_space<hbm>> -> memref<1000000x64xf32, #tpu.memory_space<hbm>>
    tpu.enqueue_indirect_dma source(%dma_start3A_35 : memref<1000000x64xf32, #tpu.memory_space<hbm>>) target(%dma_start3A_30 : memref<320x64xf32, #tpu.memory_space<vmem>>) offsets(%dma_start3A_32 : memref<320xi32, #tpu.memory_space<vmem>>) semaphore(%arg17 : memref<!tpu.dma_semaphore, #tpu.memory_space<semaphore_mem>>)
    %dma_start3A_36 = arith.constant 0 : i32
    %dma_start3A_37 = arith.constant 0 : i32
    %dma_start3A_38 = arith.constant 0 : i32
    %dma_start3A_39 = tpu.memref_slice %arg15[%dma_start3A_36, %dma_start3A_37, %dma_start3A_38] : memref<2x32x64xf32, #tpu.memory_space<vmem>> -> memref<1x32x64xf32, #tpu.memory_space<vmem>>
    %dma_start3A_40 = tpu.memref_squeeze %dma_start3A_39 : memref<1x32x64xf32, #tpu.memory_space<vmem>> -> memref<32x64xf32, #tpu.memory_space<vmem>>
    %dma_start3A_41 = arith.constant 0 : i32
    %dma_start3A_42 = tpu.memref_slice %arg12[%dma_start3A_41] : memref<512xi32, #tpu.memory_space<vmem>> -> memref<32xi32, #tpu.memory_space<vmem>>
    %dma_start3A_43 = arith.constant 0 : i32
    %dma_start3A_44 = arith.constant 0 : i32
    %dma_start3A_45 = tpu.memref_slice %arg7[%dma_start3A_43, %dma_start3A_44] : memref<1000000x64xf32, #tpu.memory_space<hbm>> -> memref<1000000x64xf32, #tpu.memory_space<hbm>>
    tpu.enqueue_indirect_dma source(%dma_start3A_45 : memref<1000000x64xf32, #tpu.memory_space<hbm>>) target(%dma_start3A_40 : memref<32x64xf32, #tpu.memory_space<vmem>>) offsets(%dma_start3A_42 : memref<32xi32, #tpu.memory_space<vmem>>) semaphore(%arg17 : memref<!tpu.dma_semaphore, #tpu.memory_space<semaphore_mem>>)
    %scan3A = arith.constant 0 : i32
    %scan3A_46 = arith.constant 0 : i32
    %scan3A_47 = arith.constant 8 : i32
    %scan3A_48 = arith.addi %scan3A_46, %scan3A_47 : i32
    %scan3A_49 = arith.constant 1 : i32
    %scan3A_50 = scf.for %scan3A_52 = %scan3A_46 to %scan3A_48 step %scan3A_49 iter_args(%scan3A_53 = %scan3A) -> (i32)  : i32 {
      %mul3A_54 = arith.constant 2 : i32
      %mul3A_55 = arith.muli %scan3A_52, %mul3A_54 : i32
      %add3A_56 = arith.constant 0 : i32
      %add3A_57 = arith.addi %mul3A_55, %add3A_56 : i32
      %add3A_58 = arith.constant 1 : i32
      %add3A_59 = arith.addi %add3A_57, %add3A_58 : i32
      %lt3A = arith.constant 16 : i32
      %lt3A_60 = arith.cmpi slt, %add3A_59, %lt3A : i32
      %convert_element_type3A = arith.extui %lt3A_60 : i1 to i32
      %cond3A = arith.constant 0 : i32
      %cond3A_61 = arith.cmpi ne, %convert_element_type3A, %cond3A : i32
      scf.if %cond3A_61 {
        %add3A_198 = arith.constant 1 : i32
        %add3A_199 = arith.addi %add3A_57, %add3A_198 : i32
        %mul3A_200 = arith.constant 320 : i32
        %mul3A_201 = arith.muli %add3A_199, %mul3A_200 : i32
        %add3A_202 = arith.constant 0 : i32
        %add3A_203 = arith.addi %mul3A_201, %add3A_202 : i32
        %add3A_204 = arith.constant 0 : i32
        %add3A_205 = arith.addi %mul3A_201, %add3A_204 : i32
        %mul3A_206 = arith.constant 32 : i32
        %mul3A_207 = arith.muli %add3A_199, %mul3A_206 : i32
        %dma_start3A_208 = arith.constant 1 : i32
        %dma_start3A_209 = arith.constant 0 : i32
        %dma_start3A_210 = arith.constant 0 : i32
        %dma_start3A_211 = tpu.memref_slice %arg13[%dma_start3A_208, %dma_start3A_209, %dma_start3A_210] : memref<2x320x64xf32, #tpu.memory_space<vmem>> -> memref<1x320x64xf32, #tpu.memory_space<vmem>>
        %dma_start3A_212 = tpu.memref_squeeze %dma_start3A_211 : memref<1x320x64xf32, #tpu.memory_space<vmem>> -> memref<320x64xf32, #tpu.memory_space<vmem>>
        %dma_start3A_213 = tpu.memref_slice %arg10[%add3A_203] : memref<5120xi32, #tpu.memory_space<vmem>> -> memref<320xi32, #tpu.memory_space<vmem>>
        %dma_start3A_214 = arith.constant 0 : i32
        %dma_start3A_215 = arith.constant 0 : i32
        %dma_start3A_216 = tpu.memref_slice %arg6[%dma_start3A_214, %dma_start3A_215] : memref<1000001x64xf32, #tpu.memory_space<hbm>> -> memref<1000001x64xf32, #tpu.memory_space<hbm>>
        tpu.enqueue_indirect_dma source(%dma_start3A_216 : memref<1000001x64xf32, #tpu.memory_space<hbm>>) target(%dma_start3A_212 : memref<320x64xf32, #tpu.memory_space<vmem>>) offsets(%dma_start3A_213 : memref<320xi32, #tpu.memory_space<vmem>>) semaphore(%arg18 : memref<!tpu.dma_semaphore, #tpu.memory_space<semaphore_mem>>)
        %dma_start3A_217 = arith.constant 1 : i32
        %dma_start3A_218 = arith.constant 0 : i32
        %dma_start3A_219 = arith.constant 0 : i32
        %dma_start3A_220 = tpu.memref_slice %arg14[%dma_start3A_217, %dma_start3A_218, %dma_start3A_219] : memref<2x320x64xf32, #tpu.memory_space<vmem>> -> memref<1x320x64xf32, #tpu.memory_space<vmem>>
        %dma_start3A_221 = tpu.memref_squeeze %dma_start3A_220 : memref<1x320x64xf32, #tpu.memory_space<vmem>> -> memref<320x64xf32, #tpu.memory_space<vmem>>
        %dma_start3A_222 = tpu.memref_slice %arg11[%add3A_205] : memref<5120xi32, #tpu.memory_space<vmem>> -> memref<320xi32, #tpu.memory_space<vmem>>
        %dma_start3A_223 = arith.constant 0 : i32
        %dma_start3A_224 = arith.constant 0 : i32
        %dma_start3A_225 = tpu.memref_slice %arg7[%dma_start3A_223, %dma_start3A_224] : memref<1000000x64xf32, #tpu.memory_space<hbm>> -> memref<1000000x64xf32, #tpu.memory_space<hbm>>
        tpu.enqueue_indirect_dma source(%dma_start3A_225 : memref<1000000x64xf32, #tpu.memory_space<hbm>>) target(%dma_start3A_221 : memref<320x64xf32, #tpu.memory_space<vmem>>) offsets(%dma_start3A_222 : memref<320xi32, #tpu.memory_space<vmem>>) semaphore(%arg18 : memref<!tpu.dma_semaphore, #tpu.memory_space<semaphore_mem>>)
        %dma_start3A_226 = arith.constant 1 : i32
        %dma_start3A_227 = arith.constant 0 : i32
        %dma_start3A_228 = arith.constant 0 : i32
        %dma_start3A_229 = tpu.memref_slice %arg15[%dma_start3A_226, %dma_start3A_227, %dma_start3A_228] : memref<2x32x64xf32, #tpu.memory_space<vmem>> -> memref<1x32x64xf32, #tpu.memory_space<vmem>>
        %dma_start3A_230 = tpu.memref_squeeze %dma_start3A_229 : memref<1x32x64xf32, #tpu.memory_space<vmem>> -> memref<32x64xf32, #tpu.memory_space<vmem>>
        %dma_start3A_231 = tpu.memref_slice %arg12[%mul3A_207] : memref<512xi32, #tpu.memory_space<vmem>> -> memref<32xi32, #tpu.memory_space<vmem>>
        %dma_start3A_232 = arith.constant 0 : i32
        %dma_start3A_233 = arith.constant 0 : i32
        %dma_start3A_234 = tpu.memref_slice %arg7[%dma_start3A_232, %dma_start3A_233] : memref<1000000x64xf32, #tpu.memory_space<hbm>> -> memref<1000000x64xf32, #tpu.memory_space<hbm>>
        tpu.enqueue_indirect_dma source(%dma_start3A_234 : memref<1000000x64xf32, #tpu.memory_space<hbm>>) target(%dma_start3A_230 : memref<32x64xf32, #tpu.memory_space<vmem>>) offsets(%dma_start3A_231 : memref<32xi32, #tpu.memory_space<vmem>>) semaphore(%arg18 : memref<!tpu.dma_semaphore, #tpu.memory_space<semaphore_mem>>)
      } else {
      }
      %mul3A_62 = arith.constant 320 : i32
      %mul3A_63 = arith.muli %add3A_57, %mul3A_62 : i32
      %add3A_64 = arith.constant 0 : i32
      %add3A_65 = arith.addi %mul3A_63, %add3A_64 : i32
      %add3A_66 = arith.constant 0 : i32
      %add3A_67 = arith.addi %mul3A_63, %add3A_66 : i32
      %mul3A_68 = arith.constant 32 : i32
      %mul3A_69 = arith.muli %add3A_57, %mul3A_68 : i32
      %dma_wait3A = arith.constant 0 : i32
      %dma_wait3A_70 = arith.constant 0 : i32
      %dma_wait3A_71 = arith.constant 0 : i32
      %dma_wait3A_72 = tpu.memref_slice %arg13[%dma_wait3A, %dma_wait3A_70, %dma_wait3A_71] : memref<2x320x64xf32, #tpu.memory_space<vmem>> -> memref<1x320x64xf32, #tpu.memory_space<vmem>>
      %dma_wait3A_73 = tpu.memref_squeeze %dma_wait3A_72 : memref<1x320x64xf32, #tpu.memory_space<vmem>> -> memref<320x64xf32, #tpu.memory_space<vmem>>
      %dma_wait3A_74 = tpu.memref_slice %arg10[%add3A_65] : memref<5120xi32, #tpu.memory_space<vmem>> -> memref<320xi32, #tpu.memory_space<vmem>>
      %dma_wait3A_75 = arith.constant 0 : i32
      %dma_wait3A_76 = arith.constant 0 : i32
      %dma_wait3A_77 = tpu.memref_slice %arg6[%dma_wait3A_75, %dma_wait3A_76] : memref<1000001x64xf32, #tpu.memory_space<hbm>> -> memref<1000001x64xf32, #tpu.memory_space<hbm>>
      tpu.wait_indirect_dma semaphore(%arg17 : memref<!tpu.dma_semaphore, #tpu.memory_space<semaphore_mem>>) src(%dma_wait3A_77 : memref<1000001x64xf32, #tpu.memory_space<hbm>>) dst(%dma_wait3A_73 : memref<320x64xf32, #tpu.memory_space<vmem>>)
      %dma_wait3A_78 = arith.constant 0 : i32
      %dma_wait3A_79 = arith.constant 0 : i32
      %dma_wait3A_80 = arith.constant 0 : i32
      %dma_wait3A_81 = tpu.memref_slice %arg14[%dma_wait3A_78, %dma_wait3A_79, %dma_wait3A_80] : memref<2x320x64xf32, #tpu.memory_space<vmem>> -> memref<1x320x64xf32, #tpu.memory_space<vmem>>
      %dma_wait3A_82 = tpu.memref_squeeze %dma_wait3A_81 : memref<1x320x64xf32, #tpu.memory_space<vmem>> -> memref<320x64xf32, #tpu.memory_space<vmem>>
      %dma_wait3A_83 = tpu.memref_slice %arg11[%add3A_67] : memref<5120xi32, #tpu.memory_space<vmem>> -> memref<320xi32, #tpu.memory_space<vmem>>
      %dma_wait3A_84 = arith.constant 0 : i32
      %dma_wait3A_85 = arith.constant 0 : i32
      %dma_wait3A_86 = tpu.memref_slice %arg7[%dma_wait3A_84, %dma_wait3A_85] : memref<1000000x64xf32, #tpu.memory_space<hbm>> -> memref<1000000x64xf32, #tpu.memory_space<hbm>>
      tpu.wait_indirect_dma semaphore(%arg17 : memref<!tpu.dma_semaphore, #tpu.memory_space<semaphore_mem>>) src(%dma_wait3A_86 : memref<1000000x64xf32, #tpu.memory_space<hbm>>) dst(%dma_wait3A_82 : memref<320x64xf32, #tpu.memory_space<vmem>>)
      %dma_wait3A_87 = arith.constant 0 : i32
      %dma_wait3A_88 = arith.constant 0 : i32
      %dma_wait3A_89 = arith.constant 0 : i32
      %dma_wait3A_90 = tpu.memref_slice %arg15[%dma_wait3A_87, %dma_wait3A_88, %dma_wait3A_89] : memref<2x32x64xf32, #tpu.memory_space<vmem>> -> memref<1x32x64xf32, #tpu.memory_space<vmem>>
      %dma_wait3A_91 = tpu.memref_squeeze %dma_wait3A_90 : memref<1x32x64xf32, #tpu.memory_space<vmem>> -> memref<32x64xf32, #tpu.memory_space<vmem>>
      %dma_wait3A_92 = tpu.memref_slice %arg12[%mul3A_69] : memref<512xi32, #tpu.memory_space<vmem>> -> memref<32xi32, #tpu.memory_space<vmem>>
      %dma_wait3A_93 = arith.constant 0 : i32
      %dma_wait3A_94 = arith.constant 0 : i32
      %dma_wait3A_95 = tpu.memref_slice %arg7[%dma_wait3A_93, %dma_wait3A_94] : memref<1000000x64xf32, #tpu.memory_space<hbm>> -> memref<1000000x64xf32, #tpu.memory_space<hbm>>
      tpu.wait_indirect_dma semaphore(%arg17 : memref<!tpu.dma_semaphore, #tpu.memory_space<semaphore_mem>>) src(%dma_wait3A_95 : memref<1000000x64xf32, #tpu.memory_space<hbm>>) dst(%dma_wait3A_91 : memref<32x64xf32, #tpu.memory_space<vmem>>)
      %mul3A_96 = arith.constant 32 : i32
      %mul3A_97 = arith.muli %add3A_57, %mul3A_96 : i32
      %eq3A = arith.constant 0 : i32
      %eq3A_98 = vector.broadcast %eq3A : i32 to vector<16xi32>
      %eq3A_99 = arith.cmpi eq, %iota3A, %eq3A_98 : vector<16xi32>
      %ge3A = arith.constant 6 : i32
      %ge3A_100 = vector.broadcast %ge3A : i32 to vector<16xi32>
      %ge3A_101 = arith.cmpi sge, %iota3A, %ge3A_100 : vector<16xi32>
      %get3A = arith.constant 0 : i32
      %get3A_102 = arith.index_cast %get3A : i32 to index
      %get3A_103 = arith.constant 0 : index
      %get3A_104 = tpu.vector_load %arg16[%get3A_102, %get3A_103] {strides = array<i32>} : memref<2x16xf32, #tpu.memory_space<vmem>>, vector<16xf32>,
      %get3A_105 = arith.constant 1 : i32
      %get3A_106 = arith.index_cast %get3A_105 : i32 to index
      %get3A_107 = arith.constant 0 : index
      %get3A_108 = tpu.vector_load %arg16[%get3A_106, %get3A_107] {strides = array<i32>} : memref<2x16xf32, #tpu.memory_space<vmem>>, vector<16xf32>,
      %scan3A_109 = arith.constant 0 : i32
      %scan3A_110 = arith.constant 32 : i32
      %scan3A_111 = arith.addi %scan3A_109, %scan3A_110 : i32
      %scan3A_112 = arith.constant 1 : i32
      %scan3A_113:2 = scf.for %scan3A_198 = %scan3A_109 to %scan3A_111 step %scan3A_112 iter_args(%scan3A_199 = %get3A_104, %scan3A_200 = %get3A_108) -> (vector<16xf32>, vector<16xf32>)  : i32 {
        %add3A_201 = arith.addi %mul3A_97, %scan3A_198 : i32
        %mul3A_202 = arith.constant 32 : i32
        %mul3A_203 = arith.muli %add3A_201, %mul3A_202 : i32
        %add3A_204 = arith.constant 8 : i32
        %add3A_205 = arith.addi %mul3A_203, %add3A_204 : i32
        %get3A_206 = arith.index_cast %add3A_205 : i32 to index
        %get3A_207 = tpu.vector_load %arg9[%get3A_206] {strides = array<i32>} : memref<16384xi32, #tpu.memory_space<vmem>>, vector<16xi32>,
        %eq3A_208 = arith.constant 2 : i32
        %eq3A_209 = vector.broadcast %eq3A_208 : i32 to vector<16xi32>
        %eq3A_210 = arith.cmpi eq, %iota3A, %eq3A_209 : vector<16xi32>
        %jit3A = arith.constant 0 : i32
        %broadcast_in_dim3A_211 = vector.broadcast %jit3A : i32 to vector<16xi32>
        %select_n3A = arith.select %eq3A_210, %get3A_207, %broadcast_in_dim3A_211 : vector<16xi1>, vector<16xi32>
        %reduce_sum3A = arith.constant true
        %reduce_sum3A_212 = vector.broadcast %reduce_sum3A : i1 to vector<16xi1>
        %reduce_sum3A_213 = tpu.scan <sum>, %select_n3A masked %reduce_sum3A_212 : vector<16xi32>, vector<16xi1> -> vector<16xi32>
        %reduce_sum3A_214 = vector.extract %reduce_sum3A_213[15] : i32 from vector<16xi32>
        %convert_element_type3A_215 = arith.sitofp %reduce_sum3A_214 : i32 to f32
        %broadcast_in_dim3A_216 = vector.broadcast %convert_element_type3A_215 : f32 to vector<16xf32>
        %div3A = arith.constant 1.000000e+00 : f32
        %div3A_217 = vector.broadcast %div3A : f32 to vector<16xf32>
        %div3A_218 = arith.divf %div3A_217, %broadcast_in_dim3A_216 : vector<16xf32>
        %add3A_219 = arith.addi %mul3A_97, %scan3A_198 : i32
        %mul3A_220 = arith.constant 32 : i32
        %mul3A_221 = arith.muli %add3A_219, %mul3A_220 : i32
        %add3A_222 = arith.constant 16 : i32
        %add3A_223 = arith.addi %mul3A_221, %add3A_222 : i32
        %get3A_224 = arith.index_cast %add3A_223 : i32 to index
        %get3A_225 = tpu.vector_load %arg9[%get3A_224] {strides = array<i32>} : memref<16384xi32, #tpu.memory_space<vmem>>, vector<16xi32>,
        %mul3A_226 = arith.constant 10 : i32
        %mul3A_227 = arith.muli %scan3A_198, %mul3A_226 : i32
        %get3A_228 = arith.constant 0 : i32
        %get3A_229 = arith.index_cast %get3A_228 : i32 to index
        %get3A_230 = arith.index_cast %mul3A_227 : i32 to index
        %get3A_231 = arith.constant 0 : index
        %get3A_232 = tpu.vector_load %arg13[%get3A_229, %get3A_230, %get3A_231] {strides = array<i32>} : memref<2x320x64xf32, #tpu.memory_space<vmem>>, vector<16xf32>,
        %mul3A_233 = arith.constant 10 : i32
        %mul3A_234 = arith.muli %scan3A_198, %mul3A_233 : i32
        %add3A_235 = arith.constant 1 : i32
        %add3A_236 = arith.addi %mul3A_234, %add3A_235 : i32
        %get3A_237 = arith.constant 0 : i32
        %get3A_238 = arith.index_cast %get3A_237 : i32 to index
        %get3A_239 = arith.index_cast %add3A_236 : i32 to index
        %get3A_240 = arith.constant 0 : index
        %get3A_241 = tpu.vector_load %arg13[%get3A_238, %get3A_239, %get3A_240] {strides = array<i32>} : memref<2x320x64xf32, #tpu.memory_space<vmem>>, vector<16xf32>,
        %add3A_242 = arith.addf %get3A_232, %get3A_241 : vector<16xf32>
        %mul3A_243 = arith.constant 10 : i32
        %mul3A_244 = arith.muli %scan3A_198, %mul3A_243 : i32
        %add3A_245 = arith.constant 2 : i32
        %add3A_246 = arith.addi %mul3A_244, %add3A_245 : i32
        %get3A_247 = arith.constant 0 : i32
        %get3A_248 = arith.index_cast %get3A_247 : i32 to index
        %get3A_249 = arith.index_cast %add3A_246 : i32 to index
        %get3A_250 = arith.constant 0 : index
        %get3A_251 = tpu.vector_load %arg13[%get3A_248, %get3A_249, %get3A_250] {strides = array<i32>} : memref<2x320x64xf32, #tpu.memory_space<vmem>>, vector<16xf32>,
        %add3A_252 = arith.addf %add3A_242, %get3A_251 : vector<16xf32>
        %mul3A_253 = arith.constant 10 : i32
        %mul3A_254 = arith.muli %scan3A_198, %mul3A_253 : i32
        %add3A_255 = arith.constant 3 : i32
        %add3A_256 = arith.addi %mul3A_254, %add3A_255 : i32
        %get3A_257 = arith.constant 0 : i32
        %get3A_258 = arith.index_cast %get3A_257 : i32 to index
        %get3A_259 = arith.index_cast %add3A_256 : i32 to index
        %get3A_260 = arith.constant 0 : index
        %get3A_261 = tpu.vector_load %arg13[%get3A_258, %get3A_259, %get3A_260] {strides = array<i32>} : memref<2x320x64xf32, #tpu.memory_space<vmem>>, vector<16xf32>,
        %add3A_262 = arith.addf %add3A_252, %get3A_261 : vector<16xf32>
        %mul3A_263 = arith.constant 10 : i32
        %mul3A_264 = arith.muli %scan3A_198, %mul3A_263 : i32
        %add3A_265 = arith.constant 4 : i32
        %add3A_266 = arith.addi %mul3A_264, %add3A_265 : i32
        %get3A_267 = arith.constant 0 : i32
        %get3A_268 = arith.index_cast %get3A_267 : i32 to index
        %get3A_269 = arith.index_cast %add3A_266 : i32 to index
        %get3A_270 = arith.constant 0 : index
        %get3A_271 = tpu.vector_load %arg13[%get3A_268, %get3A_269, %get3A_270] {strides = array<i32>} : memref<2x320x64xf32, #tpu.memory_space<vmem>>, vector<16xf32>,
        %add3A_272 = arith.addf %add3A_262, %get3A_271 : vector<16xf32>
        %mul3A_273 = arith.constant 10 : i32
        %mul3A_274 = arith.muli %scan3A_198, %mul3A_273 : i32
        %add3A_275 = arith.constant 5 : i32
        %add3A_276 = arith.addi %mul3A_274, %add3A_275 : i32
        %get3A_277 = arith.constant 0 : i32
        %get3A_278 = arith.index_cast %get3A_277 : i32 to index
        %get3A_279 = arith.index_cast %add3A_276 : i32 to index
        %get3A_280 = arith.constant 0 : index
        %get3A_281 = tpu.vector_load %arg13[%get3A_278, %get3A_279, %get3A_280] {strides = array<i32>} : memref<2x320x64xf32, #tpu.memory_space<vmem>>, vector<16xf32>,
        %add3A_282 = arith.addf %add3A_272, %get3A_281 : vector<16xf32>
        %mul3A_283 = arith.constant 10 : i32
        %mul3A_284 = arith.muli %scan3A_198, %mul3A_283 : i32
        %add3A_285 = arith.constant 6 : i32
        %add3A_286 = arith.addi %mul3A_284, %add3A_285 : i32
        %get3A_287 = arith.constant 0 : i32
        %get3A_288 = arith.index_cast %get3A_287 : i32 to index
        %get3A_289 = arith.index_cast %add3A_286 : i32 to index
        %get3A_290 = arith.constant 0 : index
        %get3A_291 = tpu.vector_load %arg13[%get3A_288, %get3A_289, %get3A_290] {strides = array<i32>} : memref<2x320x64xf32, #tpu.memory_space<vmem>>, vector<16xf32>,
        %add3A_292 = arith.addf %add3A_282, %get3A_291 : vector<16xf32>
        %mul3A_293 = arith.constant 10 : i32
        %mul3A_294 = arith.muli %scan3A_198, %mul3A_293 : i32
        %add3A_295 = arith.constant 7 : i32
        %add3A_296 = arith.addi %mul3A_294, %add3A_295 : i32
        %get3A_297 = arith.constant 0 : i32
        %get3A_298 = arith.index_cast %get3A_297 : i32 to index
        %get3A_299 = arith.index_cast %add3A_296 : i32 to index
        %get3A_300 = arith.constant 0 : index
        %get3A_301 = tpu.vector_load %arg13[%get3A_298, %get3A_299, %get3A_300] {strides = array<i32>} : memref<2x320x64xf32, #tpu.memory_space<vmem>>, vector<16xf32>,
        %add3A_302 = arith.addf %add3A_292, %get3A_301 : vector<16xf32>
        %mul3A_303 = arith.constant 10 : i32
        %mul3A_304 = arith.muli %scan3A_198, %mul3A_303 : i32
        %add3A_305 = arith.constant 8 : i32
        %add3A_306 = arith.addi %mul3A_304, %add3A_305 : i32
        %get3A_307 = arith.constant 0 : i32
        %get3A_308 = arith.index_cast %get3A_307 : i32 to index
        %get3A_309 = arith.index_cast %add3A_306 : i32 to index
        %get3A_310 = arith.constant 0 : index
        %get3A_311 = tpu.vector_load %arg13[%get3A_308, %get3A_309, %get3A_310] {strides = array<i32>} : memref<2x320x64xf32, #tpu.memory_space<vmem>>, vector<16xf32>,
        %add3A_312 = arith.addf %add3A_302, %get3A_311 : vector<16xf32>
        %mul3A_313 = arith.constant 10 : i32
        %mul3A_314 = arith.muli %scan3A_198, %mul3A_313 : i32
        %add3A_315 = arith.constant 9 : i32
        %add3A_316 = arith.addi %mul3A_314, %add3A_315 : i32
        %get3A_317 = arith.constant 0 : i32
        %get3A_318 = arith.index_cast %get3A_317 : i32 to index
        %get3A_319 = arith.index_cast %add3A_316 : i32 to index
        %get3A_320 = arith.constant 0 : index
        %get3A_321 = tpu.vector_load %arg13[%get3A_318, %get3A_319, %get3A_320] {strides = array<i32>} : memref<2x320x64xf32, #tpu.memory_space<vmem>>, vector<16xf32>,
        %add3A_322 = arith.addf %add3A_312, %get3A_321 : vector<16xf32>
        %mul3A_323 = arith.mulf %add3A_322, %div3A_218 : vector<16xf32>
        %mul3A_324 = arith.constant 10 : i32
        %mul3A_325 = arith.muli %scan3A_198, %mul3A_324 : i32
        %get3A_326 = arith.constant 0 : i32
        %get3A_327 = arith.index_cast %get3A_326 : i32 to index
        %get3A_328 = arith.index_cast %mul3A_325 : i32 to index
        %get3A_329 = arith.constant 16 : index
        %get3A_330 = tpu.vector_load %arg13[%get3A_327, %get3A_328, %get3A_329] {strides = array<i32>} : memref<2x320x64xf32, #tpu.memory_space<vmem>>, vector<16xf32>,
        %mul3A_331 = arith.constant 10 : i32
        %mul3A_332 = arith.muli %scan3A_198, %mul3A_331 : i32
        %add3A_333 = arith.constant 1 : i32
        %add3A_334 = arith.addi %mul3A_332, %add3A_333 : i32
        %get3A_335 = arith.constant 0 : i32
        %get3A_336 = arith.index_cast %get3A_335 : i32 to index
        %get3A_337 = arith.index_cast %add3A_334 : i32 to index
        %get3A_338 = arith.constant 16 : index
        %get3A_339 = tpu.vector_load %arg13[%get3A_336, %get3A_337, %get3A_338] {strides = array<i32>} : memref<2x320x64xf32, #tpu.memory_space<vmem>>, vector<16xf32>,
        %add3A_340 = arith.addf %get3A_330, %get3A_339 : vector<16xf32>
        %mul3A_341 = arith.constant 10 : i32
        %mul3A_342 = arith.muli %scan3A_198, %mul3A_341 : i32
        %add3A_343 = arith.constant 2 : i32
        %add3A_344 = arith.addi %mul3A_342, %add3A_343 : i32
        %get3A_345 = arith.constant 0 : i32
        %get3A_346 = arith.index_cast %get3A_345 : i32 to index
        %get3A_347 = arith.index_cast %add3A_344 : i32 to index
        %get3A_348 = arith.constant 16 : index
        %get3A_349 = tpu.vector_load %arg13[%get3A_346, %get3A_347, %get3A_348] {strides = array<i32>} : memref<2x320x64xf32, #tpu.memory_space<vmem>>, vector<16xf32>,
        %add3A_350 = arith.addf %add3A_340, %get3A_349 : vector<16xf32>
        %mul3A_351 = arith.constant 10 : i32
        %mul3A_352 = arith.muli %scan3A_198, %mul3A_351 : i32
        %add3A_353 = arith.constant 3 : i32
        %add3A_354 = arith.addi %mul3A_352, %add3A_353 : i32
        %get3A_355 = arith.constant 0 : i32
        %get3A_356 = arith.index_cast %get3A_355 : i32 to index
        %get3A_357 = arith.index_cast %add3A_354 : i32 to index
        %get3A_358 = arith.constant 16 : index
        %get3A_359 = tpu.vector_load %arg13[%get3A_356, %get3A_357, %get3A_358] {strides = array<i32>} : memref<2x320x64xf32, #tpu.memory_space<vmem>>, vector<16xf32>,
        %add3A_360 = arith.addf %add3A_350, %get3A_359 : vector<16xf32>
        %mul3A_361 = arith.constant 10 : i32
        %mul3A_362 = arith.muli %scan3A_198, %mul3A_361 : i32
        %add3A_363 = arith.constant 4 : i32
        %add3A_364 = arith.addi %mul3A_362, %add3A_363 : i32
        %get3A_365 = arith.constant 0 : i32
        %get3A_366 = arith.index_cast %get3A_365 : i32 to index
        %get3A_367 = arith.index_cast %add3A_364 : i32 to index
        %get3A_368 = arith.constant 16 : index
        %get3A_369 = tpu.vector_load %arg13[%get3A_366, %get3A_367, %get3A_368] {strides = array<i32>} : memref<2x320x64xf32, #tpu.memory_space<vmem>>, vector<16xf32>,
        %add3A_370 = arith.addf %add3A_360, %get3A_369 : vector<16xf32>
        %mul3A_371 = arith.constant 10 : i32
        %mul3A_372 = arith.muli %scan3A_198, %mul3A_371 : i32
        %add3A_373 = arith.constant 5 : i32
        %add3A_374 = arith.addi %mul3A_372, %add3A_373 : i32
        %get3A_375 = arith.constant 0 : i32
        %get3A_376 = arith.index_cast %get3A_375 : i32 to index
        %get3A_377 = arith.index_cast %add3A_374 : i32 to index
        %get3A_378 = arith.constant 16 : index
        %get3A_379 = tpu.vector_load %arg13[%get3A_376, %get3A_377, %get3A_378] {strides = array<i32>} : memref<2x320x64xf32, #tpu.memory_space<vmem>>, vector<16xf32>,
        %add3A_380 = arith.addf %add3A_370, %get3A_379 : vector<16xf32>
        %mul3A_381 = arith.constant 10 : i32
        %mul3A_382 = arith.muli %scan3A_198, %mul3A_381 : i32
        %add3A_383 = arith.constant 6 : i32
        %add3A_384 = arith.addi %mul3A_382, %add3A_383 : i32
        %get3A_385 = arith.constant 0 : i32
        %get3A_386 = arith.index_cast %get3A_385 : i32 to index
        %get3A_387 = arith.index_cast %add3A_384 : i32 to index
        %get3A_388 = arith.constant 16 : index
        %get3A_389 = tpu.vector_load %arg13[%get3A_386, %get3A_387, %get3A_388] {strides = array<i32>} : memref<2x320x64xf32, #tpu.memory_space<vmem>>, vector<16xf32>,
        %add3A_390 = arith.addf %add3A_380, %get3A_389 : vector<16xf32>
        %mul3A_391 = arith.constant 10 : i32
        %mul3A_392 = arith.muli %scan3A_198, %mul3A_391 : i32
        %add3A_393 = arith.constant 7 : i32
        %add3A_394 = arith.addi %mul3A_392, %add3A_393 : i32
        %get3A_395 = arith.constant 0 : i32
        %get3A_396 = arith.index_cast %get3A_395 : i32 to index
        %get3A_397 = arith.index_cast %add3A_394 : i32 to index
        %get3A_398 = arith.constant 16 : index
        %get3A_399 = tpu.vector_load %arg13[%get3A_396, %get3A_397, %get3A_398] {strides = array<i32>} : memref<2x320x64xf32, #tpu.memory_space<vmem>>, vector<16xf32>,
        %add3A_400 = arith.addf %add3A_390, %get3A_399 : vector<16xf32>
        %mul3A_401 = arith.constant 10 : i32
        %mul3A_402 = arith.muli %scan3A_198, %mul3A_401 : i32
        %add3A_403 = arith.constant 8 : i32
        %add3A_404 = arith.addi %mul3A_402, %add3A_403 : i32
        %get3A_405 = arith.constant 0 : i32
        %get3A_406 = arith.index_cast %get3A_405 : i32 to index
        %get3A_407 = arith.index_cast %add3A_404 : i32 to index
        %get3A_408 = arith.constant 16 : index
        %get3A_409 = tpu.vector_load %arg13[%get3A_406, %get3A_407, %get3A_408] {strides = array<i32>} : memref<2x320x64xf32, #tpu.memory_space<vmem>>, vector<16xf32>,
        %add3A_410 = arith.addf %add3A_400, %get3A_409 : vector<16xf32>
        %mul3A_411 = arith.constant 10 : i32
        %mul3A_412 = arith.muli %scan3A_198, %mul3A_411 : i32
        %add3A_413 = arith.constant 9 : i32
        %add3A_414 = arith.addi %mul3A_412, %add3A_413 : i32
        %get3A_415 = arith.constant 0 : i32
        %get3A_416 = arith.index_cast %get3A_415 : i32 to index
        %get3A_417 = arith.index_cast %add3A_414 : i32 to index
        %get3A_418 = arith.constant 16 : index
        %get3A_419 = tpu.vector_load %arg13[%get3A_416, %get3A_417, %get3A_418] {strides = array<i32>} : memref<2x320x64xf32, #tpu.memory_space<vmem>>, vector<16xf32>,
        %add3A_420 = arith.addf %add3A_410, %get3A_419 : vector<16xf32>
        %mul3A_421 = arith.mulf %add3A_420, %div3A_218 : vector<16xf32>
        %mul3A_422 = arith.constant 10 : i32
        %mul3A_423 = arith.muli %scan3A_198, %mul3A_422 : i32
        %get3A_424 = arith.constant 0 : i32
        %get3A_425 = arith.index_cast %get3A_424 : i32 to index
        %get3A_426 = arith.index_cast %mul3A_423 : i32 to index
        %get3A_427 = arith.constant 32 : index
        %get3A_428 = tpu.vector_load %arg13[%get3A_425, %get3A_426, %get3A_427] {strides = array<i32>} : memref<2x320x64xf32, #tpu.memory_space<vmem>>, vector<16xf32>,
        %mul3A_429 = arith.constant 10 : i32
        %mul3A_430 = arith.muli %scan3A_198, %mul3A_429 : i32
        %add3A_431 = arith.constant 1 : i32
        %add3A_432 = arith.addi %mul3A_430, %add3A_431 : i32
        %get3A_433 = arith.constant 0 : i32
        %get3A_434 = arith.index_cast %get3A_433 : i32 to index
        %get3A_435 = arith.index_cast %add3A_432 : i32 to index
        %get3A_436 = arith.constant 32 : index
        %get3A_437 = tpu.vector_load %arg13[%get3A_434, %get3A_435, %get3A_436] {strides = array<i32>} : memref<2x320x64xf32, #tpu.memory_space<vmem>>, vector<16xf32>,
        %add3A_438 = arith.addf %get3A_428, %get3A_437 : vector<16xf32>
        %mul3A_439 = arith.constant 10 : i32
        %mul3A_440 = arith.muli %scan3A_198, %mul3A_439 : i32
        %add3A_441 = arith.constant 2 : i32
        %add3A_442 = arith.addi %mul3A_440, %add3A_441 : i32
        %get3A_443 = arith.constant 0 : i32
        %get3A_444 = arith.index_cast %get3A_443 : i32 to index
        %get3A_445 = arith.index_cast %add3A_442 : i32 to index
        %get3A_446 = arith.constant 32 : index
        %get3A_447 = tpu.vector_load %arg13[%get3A_444, %get3A_445, %get3A_446] {strides = array<i32>} : memref<2x320x64xf32, #tpu.memory_space<vmem>>, vector<16xf32>,
        %add3A_448 = arith.addf %add3A_438, %get3A_447 : vector<16xf32>
        %mul3A_449 = arith.constant 10 : i32
        %mul3A_450 = arith.muli %scan3A_198, %mul3A_449 : i32
        %add3A_451 = arith.constant 3 : i32
        %add3A_452 = arith.addi %mul3A_450, %add3A_451 : i32
        %get3A_453 = arith.constant 0 : i32
        %get3A_454 = arith.index_cast %get3A_453 : i32 to index
        %get3A_455 = arith.index_cast %add3A_452 : i32 to index
        %get3A_456 = arith.constant 32 : index
        %get3A_457 = tpu.vector_load %arg13[%get3A_454, %get3A_455, %get3A_456] {strides = array<i32>} : memref<2x320x64xf32, #tpu.memory_space<vmem>>, vector<16xf32>,
        %add3A_458 = arith.addf %add3A_448, %get3A_457 : vector<16xf32>
        %mul3A_459 = arith.constant 10 : i32
        %mul3A_460 = arith.muli %scan3A_198, %mul3A_459 : i32
        %add3A_461 = arith.constant 4 : i32
        %add3A_462 = arith.addi %mul3A_460, %add3A_461 : i32
        %get3A_463 = arith.constant 0 : i32
        %get3A_464 = arith.index_cast %get3A_463 : i32 to index
        %get3A_465 = arith.index_cast %add3A_462 : i32 to index
        %get3A_466 = arith.constant 32 : index
        %get3A_467 = tpu.vector_load %arg13[%get3A_464, %get3A_465, %get3A_466] {strides = array<i32>} : memref<2x320x64xf32, #tpu.memory_space<vmem>>, vector<16xf32>,
        %add3A_468 = arith.addf %add3A_458, %get3A_467 : vector<16xf32>
        %mul3A_469 = arith.constant 10 : i32
        %mul3A_470 = arith.muli %scan3A_198, %mul3A_469 : i32
        %add3A_471 = arith.constant 5 : i32
        %add3A_472 = arith.addi %mul3A_470, %add3A_471 : i32
        %get3A_473 = arith.constant 0 : i32
        %get3A_474 = arith.index_cast %get3A_473 : i32 to index
        %get3A_475 = arith.index_cast %add3A_472 : i32 to index
        %get3A_476 = arith.constant 32 : index
        %get3A_477 = tpu.vector_load %arg13[%get3A_474, %get3A_475, %get3A_476] {strides = array<i32>} : memref<2x320x64xf32, #tpu.memory_space<vmem>>, vector<16xf32>,
        %add3A_478 = arith.addf %add3A_468, %get3A_477 : vector<16xf32>
        %mul3A_479 = arith.constant 10 : i32
        %mul3A_480 = arith.muli %scan3A_198, %mul3A_479 : i32
        %add3A_481 = arith.constant 6 : i32
        %add3A_482 = arith.addi %mul3A_480, %add3A_481 : i32
        %get3A_483 = arith.constant 0 : i32
        %get3A_484 = arith.index_cast %get3A_483 : i32 to index
        %get3A_485 = arith.index_cast %add3A_482 : i32 to index
        %get3A_486 = arith.constant 32 : index
        %get3A_487 = tpu.vector_load %arg13[%get3A_484, %get3A_485, %get3A_486] {strides = array<i32>} : memref<2x320x64xf32, #tpu.memory_space<vmem>>, vector<16xf32>,
        %add3A_488 = arith.addf %add3A_478, %get3A_487 : vector<16xf32>
        %mul3A_489 = arith.constant 10 : i32
        %mul3A_490 = arith.muli %scan3A_198, %mul3A_489 : i32
        %add3A_491 = arith.constant 7 : i32
        %add3A_492 = arith.addi %mul3A_490, %add3A_491 : i32
        %get3A_493 = arith.constant 0 : i32
        %get3A_494 = arith.index_cast %get3A_493 : i32 to index
        %get3A_495 = arith.index_cast %add3A_492 : i32 to index
        %get3A_496 = arith.constant 32 : index
        %get3A_497 = tpu.vector_load %arg13[%get3A_494, %get3A_495, %get3A_496] {strides = array<i32>} : memref<2x320x64xf32, #tpu.memory_space<vmem>>, vector<16xf32>,
        %add3A_498 = arith.addf %add3A_488, %get3A_497 : vector<16xf32>
        %mul3A_499 = arith.constant 10 : i32
        %mul3A_500 = arith.muli %scan3A_198, %mul3A_499 : i32
        %add3A_501 = arith.constant 8 : i32
        %add3A_502 = arith.addi %mul3A_500, %add3A_501 : i32
        %get3A_503 = arith.constant 0 : i32
        %get3A_504 = arith.index_cast %get3A_503 : i32 to index
        %get3A_505 = arith.index_cast %add3A_502 : i32 to index
        %get3A_506 = arith.constant 32 : index
        %get3A_507 = tpu.vector_load %arg13[%get3A_504, %get3A_505, %get3A_506] {strides = array<i32>} : memref<2x320x64xf32, #tpu.memory_space<vmem>>, vector<16xf32>,
        %add3A_508 = arith.addf %add3A_498, %get3A_507 : vector<16xf32>
        %mul3A_509 = arith.constant 10 : i32
        %mul3A_510 = arith.muli %scan3A_198, %mul3A_509 : i32
        %add3A_511 = arith.constant 9 : i32
        %add3A_512 = arith.addi %mul3A_510, %add3A_511 : i32
        %get3A_513 = arith.constant 0 : i32
        %get3A_514 = arith.index_cast %get3A_513 : i32 to index
        %get3A_515 = arith.index_cast %add3A_512 : i32 to index
        %get3A_516 = arith.constant 32 : index
        %get3A_517 = tpu.vector_load %arg13[%get3A_514, %get3A_515, %get3A_516] {strides = array<i32>} : memref<2x320x64xf32, #tpu.memory_space<vmem>>, vector<16xf32>,
        %add3A_518 = arith.addf %add3A_508, %get3A_517 : vector<16xf32>
        %mul3A_519 = arith.mulf %add3A_518, %div3A_218 : vector<16xf32>
        %mul3A_520 = arith.constant 10 : i32
        %mul3A_521 = arith.muli %scan3A_198, %mul3A_520 : i32
        %get3A_522 = arith.constant 0 : i32
        %get3A_523 = arith.index_cast %get3A_522 : i32 to index
        %get3A_524 = arith.index_cast %mul3A_521 : i32 to index
        %get3A_525 = arith.constant 48 : index
        %get3A_526 = tpu.vector_load %arg13[%get3A_523, %get3A_524, %get3A_525] {strides = array<i32>} : memref<2x320x64xf32, #tpu.memory_space<vmem>>, vector<16xf32>,
        %mul3A_527 = arith.constant 10 : i32
        %mul3A_528 = arith.muli %scan3A_198, %mul3A_527 : i32
        %add3A_529 = arith.constant 1 : i32
        %add3A_530 = arith.addi %mul3A_528, %add3A_529 : i32
        %get3A_531 = arith.constant 0 : i32
        %get3A_532 = arith.index_cast %get3A_531 : i32 to index
        %get3A_533 = arith.index_cast %add3A_530 : i32 to index
        %get3A_534 = arith.constant 48 : index
        %get3A_535 = tpu.vector_load %arg13[%get3A_532, %get3A_533, %get3A_534] {strides = array<i32>} : memref<2x320x64xf32, #tpu.memory_space<vmem>>, vector<16xf32>,
        %add3A_536 = arith.addf %get3A_526, %get3A_535 : vector<16xf32>
        %mul3A_537 = arith.constant 10 : i32
        %mul3A_538 = arith.muli %scan3A_198, %mul3A_537 : i32
        %add3A_539 = arith.constant 2 : i32
        %add3A_540 = arith.addi %mul3A_538, %add3A_539 : i32
        %get3A_541 = arith.constant 0 : i32
        %get3A_542 = arith.index_cast %get3A_541 : i32 to index
        %get3A_543 = arith.index_cast %add3A_540 : i32 to index
        %get3A_544 = arith.constant 48 : index
        %get3A_545 = tpu.vector_load %arg13[%get3A_542, %get3A_543, %get3A_544] {strides = array<i32>} : memref<2x320x64xf32, #tpu.memory_space<vmem>>, vector<16xf32>,
        %add3A_546 = arith.addf %add3A_536, %get3A_545 : vector<16xf32>
        %mul3A_547 = arith.constant 10 : i32
        %mul3A_548 = arith.muli %scan3A_198, %mul3A_547 : i32
        %add3A_549 = arith.constant 3 : i32
        %add3A_550 = arith.addi %mul3A_548, %add3A_549 : i32
        %get3A_551 = arith.constant 0 : i32
        %get3A_552 = arith.index_cast %get3A_551 : i32 to index
        %get3A_553 = arith.index_cast %add3A_550 : i32 to index
        %get3A_554 = arith.constant 48 : index
        %get3A_555 = tpu.vector_load %arg13[%get3A_552, %get3A_553, %get3A_554] {strides = array<i32>} : memref<2x320x64xf32, #tpu.memory_space<vmem>>, vector<16xf32>,
        %add3A_556 = arith.addf %add3A_546, %get3A_555 : vector<16xf32>
        %mul3A_557 = arith.constant 10 : i32
        %mul3A_558 = arith.muli %scan3A_198, %mul3A_557 : i32
        %add3A_559 = arith.constant 4 : i32
        %add3A_560 = arith.addi %mul3A_558, %add3A_559 : i32
        %get3A_561 = arith.constant 0 : i32
        %get3A_562 = arith.index_cast %get3A_561 : i32 to index
        %get3A_563 = arith.index_cast %add3A_560 : i32 to index
        %get3A_564 = arith.constant 48 : index
        %get3A_565 = tpu.vector_load %arg13[%get3A_562, %get3A_563, %get3A_564] {strides = array<i32>} : memref<2x320x64xf32, #tpu.memory_space<vmem>>, vector<16xf32>,
        %add3A_566 = arith.addf %add3A_556, %get3A_565 : vector<16xf32>
        %mul3A_567 = arith.constant 10 : i32
        %mul3A_568 = arith.muli %scan3A_198, %mul3A_567 : i32
        %add3A_569 = arith.constant 5 : i32
        %add3A_570 = arith.addi %mul3A_568, %add3A_569 : i32
        %get3A_571 = arith.constant 0 : i32
        %get3A_572 = arith.index_cast %get3A_571 : i32 to index
        %get3A_573 = arith.index_cast %add3A_570 : i32 to index
        %get3A_574 = arith.constant 48 : index
        %get3A_575 = tpu.vector_load %arg13[%get3A_572, %get3A_573, %get3A_574] {strides = array<i32>} : memref<2x320x64xf32, #tpu.memory_space<vmem>>, vector<16xf32>,
        %add3A_576 = arith.addf %add3A_566, %get3A_575 : vector<16xf32>
        %mul3A_577 = arith.constant 10 : i32
        %mul3A_578 = arith.muli %scan3A_198, %mul3A_577 : i32
        %add3A_579 = arith.constant 6 : i32
        %add3A_580 = arith.addi %mul3A_578, %add3A_579 : i32
        %get3A_581 = arith.constant 0 : i32
        %get3A_582 = arith.index_cast %get3A_581 : i32 to index
        %get3A_583 = arith.index_cast %add3A_580 : i32 to index
        %get3A_584 = arith.constant 48 : index
        %get3A_585 = tpu.vector_load %arg13[%get3A_582, %get3A_583, %get3A_584] {strides = array<i32>} : memref<2x320x64xf32, #tpu.memory_space<vmem>>, vector<16xf32>,
        %add3A_586 = arith.addf %add3A_576, %get3A_585 : vector<16xf32>
        %mul3A_587 = arith.constant 10 : i32
        %mul3A_588 = arith.muli %scan3A_198, %mul3A_587 : i32
        %add3A_589 = arith.constant 7 : i32
        %add3A_590 = arith.addi %mul3A_588, %add3A_589 : i32
        %get3A_591 = arith.constant 0 : i32
        %get3A_592 = arith.index_cast %get3A_591 : i32 to index
        %get3A_593 = arith.index_cast %add3A_590 : i32 to index
        %get3A_594 = arith.constant 48 : index
        %get3A_595 = tpu.vector_load %arg13[%get3A_592, %get3A_593, %get3A_594] {strides = array<i32>} : memref<2x320x64xf32, #tpu.memory_space<vmem>>, vector<16xf32>,
        %add3A_596 = arith.addf %add3A_586, %get3A_595 : vector<16xf32>
        %mul3A_597 = arith.constant 10 : i32
        %mul3A_598 = arith.muli %scan3A_198, %mul3A_597 : i32
        %add3A_599 = arith.constant 8 : i32
        %add3A_600 = arith.addi %mul3A_598, %add3A_599 : i32
        %get3A_601 = arith.constant 0 : i32
        %get3A_602 = arith.index_cast %get3A_601 : i32 to index
        %get3A_603 = arith.index_cast %add3A_600 : i32 to index
        %get3A_604 = arith.constant 48 : index
        %get3A_605 = tpu.vector_load %arg13[%get3A_602, %get3A_603, %get3A_604] {strides = array<i32>} : memref<2x320x64xf32, #tpu.memory_space<vmem>>, vector<16xf32>,
        %add3A_606 = arith.addf %add3A_596, %get3A_605 : vector<16xf32>
        %mul3A_607 = arith.constant 10 : i32
        %mul3A_608 = arith.muli %scan3A_198, %mul3A_607 : i32
        %add3A_609 = arith.constant 9 : i32
        %add3A_610 = arith.addi %mul3A_608, %add3A_609 : i32
        %get3A_611 = arith.constant 0 : i32
        %get3A_612 = arith.index_cast %get3A_611 : i32 to index
        %get3A_613 = arith.index_cast %add3A_610 : i32 to index
        %get3A_614 = arith.constant 48 : index
        %get3A_615 = tpu.vector_load %arg13[%get3A_612, %get3A_613, %get3A_614] {strides = array<i32>} : memref<2x320x64xf32, #tpu.memory_space<vmem>>, vector<16xf32>,
        %add3A_616 = arith.addf %add3A_606, %get3A_615 : vector<16xf32>
        %mul3A_617 = arith.mulf %add3A_616, %div3A_218 : vector<16xf32>
        %get3A_618 = arith.constant 0 : i32
        %get3A_619 = arith.index_cast %get3A_618 : i32 to index
        %get3A_620 = arith.index_cast %scan3A_198 : i32 to index
        %get3A_621 = arith.constant 0 : index
        %get3A_622 = tpu.vector_load %arg15[%get3A_619, %get3A_620, %get3A_621] {strides = array<i32>} : memref<2x32x64xf32, #tpu.memory_space<vmem>>, vector<16xf32>,
        %mul3A_623 = arith.mulf %mul3A_323, %get3A_622 : vector<16xf32>
        %get3A_624 = arith.constant 0 : i32
        %get3A_625 = arith.index_cast %get3A_624 : i32 to index
        %get3A_626 = arith.index_cast %scan3A_198 : i32 to index
        %get3A_627 = arith.constant 16 : index
        %get3A_628 = tpu.vector_load %arg15[%get3A_625, %get3A_626, %get3A_627] {strides = array<i32>} : memref<2x32x64xf32, #tpu.memory_space<vmem>>, vector<16xf32>,
        %mul3A_629 = arith.mulf %mul3A_421, %get3A_628 : vector<16xf32>
        %add3A_630 = arith.addf %mul3A_623, %mul3A_629 : vector<16xf32>
        %get3A_631 = arith.constant 0 : i32
        %get3A_632 = arith.index_cast %get3A_631 : i32 to index
        %get3A_633 = arith.index_cast %scan3A_198 : i32 to index
        %get3A_634 = arith.constant 32 : index
        %get3A_635 = tpu.vector_load %arg15[%get3A_632, %get3A_633, %get3A_634] {strides = array<i32>} : memref<2x32x64xf32, #tpu.memory_space<vmem>>, vector<16xf32>,
        %mul3A_636 = arith.mulf %mul3A_519, %get3A_635 : vector<16xf32>
        %add3A_637 = arith.addf %add3A_630, %mul3A_636 : vector<16xf32>
        %get3A_638 = arith.constant 0 : i32
        %get3A_639 = arith.index_cast %get3A_638 : i32 to index
        %get3A_640 = arith.index_cast %scan3A_198 : i32 to index
        %get3A_641 = arith.constant 48 : index
        %get3A_642 = tpu.vector_load %arg15[%get3A_639, %get3A_640, %get3A_641] {strides = array<i32>} : memref<2x32x64xf32, #tpu.memory_space<vmem>>, vector<16xf32>,
        %mul3A_643 = arith.mulf %mul3A_617, %get3A_642 : vector<16xf32>
        %add3A_644 = arith.addf %add3A_637, %mul3A_643 : vector<16xf32>
        %reduce_sum3A_645 = arith.constant true
        %reduce_sum3A_646 = vector.broadcast %reduce_sum3A_645 : i1 to vector<16xi1>
        %reduce_sum3A_647 = tpu.scan <sum>, %add3A_644 masked %reduce_sum3A_646 : vector<16xf32>, vector<16xi1> -> vector<16xf32>
        %reduce_sum3A_648 = vector.extract %reduce_sum3A_647[15] : f32 from vector<16xf32>
        %neg3A = arith.constant 0.000000e+00 : f32
        %neg3A_649 = arith.subf %neg3A, %reduce_sum3A_648 : f32
        %broadcast_in_dim3A_650 = vector.broadcast %neg3A_649 : f32 to vector<16xf32>
        %exp3A = math.exp %broadcast_in_dim3A_650 : vector<16xf32>
        %add3A_651 = arith.constant 1.000000e+00 : f32
        %add3A_652 = vector.broadcast %add3A_651 : f32 to vector<16xf32>
        %add3A_653 = arith.addf %add3A_652, %exp3A : vector<16xf32>
        %div3A_654 = arith.constant 1.000000e+00 : f32
        %div3A_655 = vector.broadcast %div3A_654 : f32 to vector<16xf32>
        %div3A_656 = arith.divf %div3A_655, %add3A_653 : vector<16xf32>
        %sub3A = arith.constant 1.000000e+00 : f32
        %sub3A_657 = vector.broadcast %sub3A : f32 to vector<16xf32>
        %sub3A_658 = arith.subf %sub3A_657, %div3A_656 : vector<16xf32>
        %jit3A_659 = arith.constant 0.000000e+00 : f32
        %broadcast_in_dim3A_660 = vector.broadcast %jit3A_659 : f32 to vector<16xf32>
        %select_n3A_661 = arith.select %eq3A_99, %sub3A_658, %broadcast_in_dim3A_660 : vector<16xi1>, vector<16xf32>
        %mul3A_662 = arith.mulf %select_n3A_661, %select_n3A_661 : vector<16xf32>
        %add3A_663 = arith.addf %scan3A_199, %mul3A_662 : vector<16xf32>
        %broadcast_in_dim3A_664 = arith.constant 0.000000e+00 : f32
        %broadcast_in_dim3A_665 = vector.broadcast %broadcast_in_dim3A_664 : f32 to vector<16xf32>
        %mul3A_666 = arith.constant 10 : i32
        %mul3A_667 = arith.muli %scan3A_198, %mul3A_666 : i32
        %add3A_668 = arith.constant 0 : i32
        %add3A_669 = arith.addi %mul3A_667, %add3A_668 : i32
        %get3A_670 = arith.constant 0 : i32
        %get3A_671 = arith.index_cast %get3A_670 : i32 to index
        %get3A_672 = arith.index_cast %add3A_669 : i32 to index
        %get3A_673 = arith.constant 0 : index
        %get3A_674 = tpu.vector_load %arg14[%get3A_671, %get3A_672, %get3A_673] {strides = array<i32>} : memref<2x320x64xf32, #tpu.memory_space<vmem>>, vector<16xf32>,
        %mul3A_675 = arith.mulf %mul3A_323, %get3A_674 : vector<16xf32>
        %mul3A_676 = arith.constant 10 : i32
        %mul3A_677 = arith.muli %scan3A_198, %mul3A_676 : i32
        %add3A_678 = arith.constant 0 : i32
        %add3A_679 = arith.addi %mul3A_677, %add3A_678 : i32
        %get3A_680 = arith.constant 0 : i32
        %get3A_681 = arith.index_cast %get3A_680 : i32 to index
        %get3A_682 = arith.index_cast %add3A_679 : i32 to index
        %get3A_683 = arith.constant 16 : index
        %get3A_684 = tpu.vector_load %arg14[%get3A_681, %get3A_682, %get3A_683] {strides = array<i32>} : memref<2x320x64xf32, #tpu.memory_space<vmem>>, vector<16xf32>,
        %mul3A_685 = arith.mulf %mul3A_421, %get3A_684 : vector<16xf32>
        %add3A_686 = arith.addf %mul3A_675, %mul3A_685 : vector<16xf32>
        %mul3A_687 = arith.constant 10 : i32
        %mul3A_688 = arith.muli %scan3A_198, %mul3A_687 : i32
        %add3A_689 = arith.constant 0 : i32
        %add3A_690 = arith.addi %mul3A_688, %add3A_689 : i32
        %get3A_691 = arith.constant 0 : i32
        %get3A_692 = arith.index_cast %get3A_691 : i32 to index
        %get3A_693 = arith.index_cast %add3A_690 : i32 to index
        %get3A_694 = arith.constant 32 : index
        %get3A_695 = tpu.vector_load %arg14[%get3A_692, %get3A_693, %get3A_694] {strides = array<i32>} : memref<2x320x64xf32, #tpu.memory_space<vmem>>, vector<16xf32>,
        %mul3A_696 = arith.mulf %mul3A_519, %get3A_695 : vector<16xf32>
        %add3A_697 = arith.addf %add3A_686, %mul3A_696 : vector<16xf32>
        %mul3A_698 = arith.constant 10 : i32
        %mul3A_699 = arith.muli %scan3A_198, %mul3A_698 : i32
        %add3A_700 = arith.constant 0 : i32
        %add3A_701 = arith.addi %mul3A_699, %add3A_700 : i32
        %get3A_702 = arith.constant 0 : i32
        %get3A_703 = arith.index_cast %get3A_702 : i32 to index
        %get3A_704 = arith.index_cast %add3A_701 : i32 to index
        %get3A_705 = arith.constant 48 : index
        %get3A_706 = tpu.vector_load %arg14[%get3A_703, %get3A_704, %get3A_705] {strides = array<i32>} : memref<2x320x64xf32, #tpu.memory_space<vmem>>, vector<16xf32>,
        %mul3A_707 = arith.mulf %mul3A_617, %get3A_706 : vector<16xf32>
        %add3A_708 = arith.addf %add3A_697, %mul3A_707 : vector<16xf32>
        %reduce_sum3A_709 = arith.constant true
        %reduce_sum3A_710 = vector.broadcast %reduce_sum3A_709 : i1 to vector<16xi1>
        %reduce_sum3A_711 = tpu.scan <sum>, %add3A_708 masked %reduce_sum3A_710 : vector<16xf32>, vector<16xi1> -> vector<16xf32>
        %reduce_sum3A_712 = vector.extract %reduce_sum3A_711[15] : f32 from vector<16xf32>
        %eq3A_713 = arith.constant 6 : i32
        %eq3A_714 = vector.broadcast %eq3A_713 : i32 to vector<16xi32>
        %eq3A_715 = arith.cmpi eq, %iota3A, %eq3A_714 : vector<16xi32>
        %broadcast_in_dim3A_716 = vector.broadcast %reduce_sum3A_712 : f32 to vector<16xf32>
        %select_n3A_717 = arith.select %eq3A_715, %broadcast_in_dim3A_716, %broadcast_in_dim3A_665 : vector<16xi1>, vector<16xf32>
        %mul3A_718 = arith.constant 10 : i32
        %mul3A_719 = arith.muli %scan3A_198, %mul3A_718 : i32
        %add3A_720 = arith.constant 1 : i32
        %add3A_721 = arith.addi %mul3A_719, %add3A_720 : i32
        %get3A_722 = arith.constant 0 : i32
        %get3A_723 = arith.index_cast %get3A_722 : i32 to index
        %get3A_724 = arith.index_cast %add3A_721 : i32 to index
        %get3A_725 = arith.constant 0 : index
        %get3A_726 = tpu.vector_load %arg14[%get3A_723, %get3A_724, %get3A_725] {strides = array<i32>} : memref<2x320x64xf32, #tpu.memory_space<vmem>>, vector<16xf32>,
        %mul3A_727 = arith.mulf %mul3A_323, %get3A_726 : vector<16xf32>
        %mul3A_728 = arith.constant 10 : i32
        %mul3A_729 = arith.muli %scan3A_198, %mul3A_728 : i32
        %add3A_730 = arith.constant 1 : i32
        %add3A_731 = arith.addi %mul3A_729, %add3A_730 : i32
        %get3A_732 = arith.constant 0 : i32
        %get3A_733 = arith.index_cast %get3A_732 : i32 to index
        %get3A_734 = arith.index_cast %add3A_731 : i32 to index
        %get3A_735 = arith.constant 16 : index
        %get3A_736 = tpu.vector_load %arg14[%get3A_733, %get3A_734, %get3A_735] {strides = array<i32>} : memref<2x320x64xf32, #tpu.memory_space<vmem>>, vector<16xf32>,
        %mul3A_737 = arith.mulf %mul3A_421, %get3A_736 : vector<16xf32>
        %add3A_738 = arith.addf %mul3A_727, %mul3A_737 : vector<16xf32>
        %mul3A_739 = arith.constant 10 : i32
        %mul3A_740 = arith.muli %scan3A_198, %mul3A_739 : i32
        %add3A_741 = arith.constant 1 : i32
        %add3A_742 = arith.addi %mul3A_740, %add3A_741 : i32
        %get3A_743 = arith.constant 0 : i32
        %get3A_744 = arith.index_cast %get3A_743 : i32 to index
        %get3A_745 = arith.index_cast %add3A_742 : i32 to index
        %get3A_746 = arith.constant 32 : index
        %get3A_747 = tpu.vector_load %arg14[%get3A_744, %get3A_745, %get3A_746] {strides = array<i32>} : memref<2x320x64xf32, #tpu.memory_space<vmem>>, vector<16xf32>,
        %mul3A_748 = arith.mulf %mul3A_519, %get3A_747 : vector<16xf32>
        %add3A_749 = arith.addf %add3A_738, %mul3A_748 : vector<16xf32>
        %mul3A_750 = arith.constant 10 : i32
        %mul3A_751 = arith.muli %scan3A_198, %mul3A_750 : i32
        %add3A_752 = arith.constant 1 : i32
        %add3A_753 = arith.addi %mul3A_751, %add3A_752 : i32
        %get3A_754 = arith.constant 0 : i32
        %get3A_755 = arith.index_cast %get3A_754 : i32 to index
        %get3A_756 = arith.index_cast %add3A_753 : i32 to index
        %get3A_757 = arith.constant 48 : index
        %get3A_758 = tpu.vector_load %arg14[%get3A_755, %get3A_756, %get3A_757] {strides = array<i32>} : memref<2x320x64xf32, #tpu.memory_space<vmem>>, vector<16xf32>,
        %mul3A_759 = arith.mulf %mul3A_617, %get3A_758 : vector<16xf32>
        %add3A_760 = arith.addf %add3A_749, %mul3A_759 : vector<16xf32>
        %reduce_sum3A_761 = arith.constant true
        %reduce_sum3A_762 = vector.broadcast %reduce_sum3A_761 : i1 to vector<16xi1>
        %reduce_sum3A_763 = tpu.scan <sum>, %add3A_760 masked %reduce_sum3A_762 : vector<16xf32>, vector<16xi1> -> vector<16xf32>
        %reduce_sum3A_764 = vector.extract %reduce_sum3A_763[15] : f32 from vector<16xf32>
        %eq3A_765 = arith.constant 7 : i32
        %eq3A_766 = vector.broadcast %eq3A_765 : i32 to vector<16xi32>
        %eq3A_767 = arith.cmpi eq, %iota3A, %eq3A_766 : vector<16xi32>
        %broadcast_in_dim3A_768 = vector.broadcast %reduce_sum3A_764 : f32 to vector<16xf32>
        %select_n3A_769 = arith.select %eq3A_767, %broadcast_in_dim3A_768, %select_n3A_717 : vector<16xi1>, vector<16xf32>
        %mul3A_770 = arith.constant 10 : i32
        %mul3A_771 = arith.muli %scan3A_198, %mul3A_770 : i32
        %add3A_772 = arith.constant 2 : i32
        %add3A_773 = arith.addi %mul3A_771, %add3A_772 : i32
        %get3A_774 = arith.constant 0 : i32
        %get3A_775 = arith.index_cast %get3A_774 : i32 to index
        %get3A_776 = arith.index_cast %add3A_773 : i32 to index
        %get3A_777 = arith.constant 0 : index
        %get3A_778 = tpu.vector_load %arg14[%get3A_775, %get3A_776, %get3A_777] {strides = array<i32>} : memref<2x320x64xf32, #tpu.memory_space<vmem>>, vector<16xf32>,
        %mul3A_779 = arith.mulf %mul3A_323, %get3A_778 : vector<16xf32>
        %mul3A_780 = arith.constant 10 : i32
        %mul3A_781 = arith.muli %scan3A_198, %mul3A_780 : i32
        %add3A_782 = arith.constant 2 : i32
        %add3A_783 = arith.addi %mul3A_781, %add3A_782 : i32
        %get3A_784 = arith.constant 0 : i32
        %get3A_785 = arith.index_cast %get3A_784 : i32 to index
        %get3A_786 = arith.index_cast %add3A_783 : i32 to index
        %get3A_787 = arith.constant 16 : index
        %get3A_788 = tpu.vector_load %arg14[%get3A_785, %get3A_786, %get3A_787] {strides = array<i32>} : memref<2x320x64xf32, #tpu.memory_space<vmem>>, vector<16xf32>,
        %mul3A_789 = arith.mulf %mul3A_421, %get3A_788 : vector<16xf32>
        %add3A_790 = arith.addf %mul3A_779, %mul3A_789 : vector<16xf32>
        %mul3A_791 = arith.constant 10 : i32
        %mul3A_792 = arith.muli %scan3A_198, %mul3A_791 : i32
        %add3A_793 = arith.constant 2 : i32
        %add3A_794 = arith.addi %mul3A_792, %add3A_793 : i32
        %get3A_795 = arith.constant 0 : i32
        %get3A_796 = arith.index_cast %get3A_795 : i32 to index
        %get3A_797 = arith.index_cast %add3A_794 : i32 to index
        %get3A_798 = arith.constant 32 : index
        %get3A_799 = tpu.vector_load %arg14[%get3A_796, %get3A_797, %get3A_798] {strides = array<i32>} : memref<2x320x64xf32, #tpu.memory_space<vmem>>, vector<16xf32>,
        %mul3A_800 = arith.mulf %mul3A_519, %get3A_799 : vector<16xf32>
        %add3A_801 = arith.addf %add3A_790, %mul3A_800 : vector<16xf32>
        %mul3A_802 = arith.constant 10 : i32
        %mul3A_803 = arith.muli %scan3A_198, %mul3A_802 : i32
        %add3A_804 = arith.constant 2 : i32
        %add3A_805 = arith.addi %mul3A_803, %add3A_804 : i32
        %get3A_806 = arith.constant 0 : i32
        %get3A_807 = arith.index_cast %get3A_806 : i32 to index
        %get3A_808 = arith.index_cast %add3A_805 : i32 to index
        %get3A_809 = arith.constant 48 : index
        %get3A_810 = tpu.vector_load %arg14[%get3A_807, %get3A_808, %get3A_809] {strides = array<i32>} : memref<2x320x64xf32, #tpu.memory_space<vmem>>, vector<16xf32>,
        %mul3A_811 = arith.mulf %mul3A_617, %get3A_810 : vector<16xf32>
        %add3A_812 = arith.addf %add3A_801, %mul3A_811 : vector<16xf32>
        %reduce_sum3A_813 = arith.constant true
        %reduce_sum3A_814 = vector.broadcast %reduce_sum3A_813 : i1 to vector<16xi1>
        %reduce_sum3A_815 = tpu.scan <sum>, %add3A_812 masked %reduce_sum3A_814 : vector<16xf32>, vector<16xi1> -> vector<16xf32>
        %reduce_sum3A_816 = vector.extract %reduce_sum3A_815[15] : f32 from vector<16xf32>
        %eq3A_817 = arith.constant 8 : i32
        %eq3A_818 = vector.broadcast %eq3A_817 : i32 to vector<16xi32>
        %eq3A_819 = arith.cmpi eq, %iota3A, %eq3A_818 : vector<16xi32>
        %broadcast_in_dim3A_820 = vector.broadcast %reduce_sum3A_816 : f32 to vector<16xf32>
        %select_n3A_821 = arith.select %eq3A_819, %broadcast_in_dim3A_820, %select_n3A_769 : vector<16xi1>, vector<16xf32>
        %mul3A_822 = arith.constant 10 : i32
        %mul3A_823 = arith.muli %scan3A_198, %mul3A_822 : i32
        %add3A_824 = arith.constant 3 : i32
        %add3A_825 = arith.addi %mul3A_823, %add3A_824 : i32
        %get3A_826 = arith.constant 0 : i32
        %get3A_827 = arith.index_cast %get3A_826 : i32 to index
        %get3A_828 = arith.index_cast %add3A_825 : i32 to index
        %get3A_829 = arith.constant 0 : index
        %get3A_830 = tpu.vector_load %arg14[%get3A_827, %get3A_828, %get3A_829] {strides = array<i32>} : memref<2x320x64xf32, #tpu.memory_space<vmem>>, vector<16xf32>,
        %mul3A_831 = arith.mulf %mul3A_323, %get3A_830 : vector<16xf32>
        %mul3A_832 = arith.constant 10 : i32
        %mul3A_833 = arith.muli %scan3A_198, %mul3A_832 : i32
        %add3A_834 = arith.constant 3 : i32
        %add3A_835 = arith.addi %mul3A_833, %add3A_834 : i32
        %get3A_836 = arith.constant 0 : i32
        %get3A_837 = arith.index_cast %get3A_836 : i32 to index
        %get3A_838 = arith.index_cast %add3A_835 : i32 to index
        %get3A_839 = arith.constant 16 : index
        %get3A_840 = tpu.vector_load %arg14[%get3A_837, %get3A_838, %get3A_839] {strides = array<i32>} : memref<2x320x64xf32, #tpu.memory_space<vmem>>, vector<16xf32>,
        %mul3A_841 = arith.mulf %mul3A_421, %get3A_840 : vector<16xf32>
        %add3A_842 = arith.addf %mul3A_831, %mul3A_841 : vector<16xf32>
        %mul3A_843 = arith.constant 10 : i32
        %mul3A_844 = arith.muli %scan3A_198, %mul3A_843 : i32
        %add3A_845 = arith.constant 3 : i32
        %add3A_846 = arith.addi %mul3A_844, %add3A_845 : i32
        %get3A_847 = arith.constant 0 : i32
        %get3A_848 = arith.index_cast %get3A_847 : i32 to index
        %get3A_849 = arith.index_cast %add3A_846 : i32 to index
        %get3A_850 = arith.constant 32 : index
        %get3A_851 = tpu.vector_load %arg14[%get3A_848, %get3A_849, %get3A_850] {strides = array<i32>} : memref<2x320x64xf32, #tpu.memory_space<vmem>>, vector<16xf32>,
        %mul3A_852 = arith.mulf %mul3A_519, %get3A_851 : vector<16xf32>
        %add3A_853 = arith.addf %add3A_842, %mul3A_852 : vector<16xf32>
        %mul3A_854 = arith.constant 10 : i32
        %mul3A_855 = arith.muli %scan3A_198, %mul3A_854 : i32
        %add3A_856 = arith.constant 3 : i32
        %add3A_857 = arith.addi %mul3A_855, %add3A_856 : i32
        %get3A_858 = arith.constant 0 : i32
        %get3A_859 = arith.index_cast %get3A_858 : i32 to index
        %get3A_860 = arith.index_cast %add3A_857 : i32 to index
        %get3A_861 = arith.constant 48 : index
        %get3A_862 = tpu.vector_load %arg14[%get3A_859, %get3A_860, %get3A_861] {strides = array<i32>} : memref<2x320x64xf32, #tpu.memory_space<vmem>>, vector<16xf32>,
        %mul3A_863 = arith.mulf %mul3A_617, %get3A_862 : vector<16xf32>
        %add3A_864 = arith.addf %add3A_853, %mul3A_863 : vector<16xf32>
        %reduce_sum3A_865 = arith.constant true
        %reduce_sum3A_866 = vector.broadcast %reduce_sum3A_865 : i1 to vector<16xi1>
        %reduce_sum3A_867 = tpu.scan <sum>, %add3A_864 masked %reduce_sum3A_866 : vector<16xf32>, vector<16xi1> -> vector<16xf32>
        %reduce_sum3A_868 = vector.extract %reduce_sum3A_867[15] : f32 from vector<16xf32>
        %eq3A_869 = arith.constant 9 : i32
        %eq3A_870 = vector.broadcast %eq3A_869 : i32 to vector<16xi32>
        %eq3A_871 = arith.cmpi eq, %iota3A, %eq3A_870 : vector<16xi32>
        %broadcast_in_dim3A_872 = vector.broadcast %reduce_sum3A_868 : f32 to vector<16xf32>
        %select_n3A_873 = arith.select %eq3A_871, %broadcast_in_dim3A_872, %select_n3A_821 : vector<16xi1>, vector<16xf32>
        %mul3A_874 = arith.constant 10 : i32
        %mul3A_875 = arith.muli %scan3A_198, %mul3A_874 : i32
        %add3A_876 = arith.constant 4 : i32
        %add3A_877 = arith.addi %mul3A_875, %add3A_876 : i32
        %get3A_878 = arith.constant 0 : i32
        %get3A_879 = arith.index_cast %get3A_878 : i32 to index
        %get3A_880 = arith.index_cast %add3A_877 : i32 to index
        %get3A_881 = arith.constant 0 : index
        %get3A_882 = tpu.vector_load %arg14[%get3A_879, %get3A_880, %get3A_881] {strides = array<i32>} : memref<2x320x64xf32, #tpu.memory_space<vmem>>, vector<16xf32>,
        %mul3A_883 = arith.mulf %mul3A_323, %get3A_882 : vector<16xf32>
        %mul3A_884 = arith.constant 10 : i32
        %mul3A_885 = arith.muli %scan3A_198, %mul3A_884 : i32
        %add3A_886 = arith.constant 4 : i32
        %add3A_887 = arith.addi %mul3A_885, %add3A_886 : i32
        %get3A_888 = arith.constant 0 : i32
        %get3A_889 = arith.index_cast %get3A_888 : i32 to index
        %get3A_890 = arith.index_cast %add3A_887 : i32 to index
        %get3A_891 = arith.constant 16 : index
        %get3A_892 = tpu.vector_load %arg14[%get3A_889, %get3A_890, %get3A_891] {strides = array<i32>} : memref<2x320x64xf32, #tpu.memory_space<vmem>>, vector<16xf32>,
        %mul3A_893 = arith.mulf %mul3A_421, %get3A_892 : vector<16xf32>
        %add3A_894 = arith.addf %mul3A_883, %mul3A_893 : vector<16xf32>
        %mul3A_895 = arith.constant 10 : i32
        %mul3A_896 = arith.muli %scan3A_198, %mul3A_895 : i32
        %add3A_897 = arith.constant 4 : i32
        %add3A_898 = arith.addi %mul3A_896, %add3A_897 : i32
        %get3A_899 = arith.constant 0 : i32
        %get3A_900 = arith.index_cast %get3A_899 : i32 to index
        %get3A_901 = arith.index_cast %add3A_898 : i32 to index
        %get3A_902 = arith.constant 32 : index
        %get3A_903 = tpu.vector_load %arg14[%get3A_900, %get3A_901, %get3A_902] {strides = array<i32>} : memref<2x320x64xf32, #tpu.memory_space<vmem>>, vector<16xf32>,
        %mul3A_904 = arith.mulf %mul3A_519, %get3A_903 : vector<16xf32>
        %add3A_905 = arith.addf %add3A_894, %mul3A_904 : vector<16xf32>
        %mul3A_906 = arith.constant 10 : i32
        %mul3A_907 = arith.muli %scan3A_198, %mul3A_906 : i32
        %add3A_908 = arith.constant 4 : i32
        %add3A_909 = arith.addi %mul3A_907, %add3A_908 : i32
        %get3A_910 = arith.constant 0 : i32
        %get3A_911 = arith.index_cast %get3A_910 : i32 to index
        %get3A_912 = arith.index_cast %add3A_909 : i32 to index
        %get3A_913 = arith.constant 48 : index
        %get3A_914 = tpu.vector_load %arg14[%get3A_911, %get3A_912, %get3A_913] {strides = array<i32>} : memref<2x320x64xf32, #tpu.memory_space<vmem>>, vector<16xf32>,
        %mul3A_915 = arith.mulf %mul3A_617, %get3A_914 : vector<16xf32>
        %add3A_916 = arith.addf %add3A_905, %mul3A_915 : vector<16xf32>
        %reduce_sum3A_917 = arith.constant true
        %reduce_sum3A_918 = vector.broadcast %reduce_sum3A_917 : i1 to vector<16xi1>
        %reduce_sum3A_919 = tpu.scan <sum>, %add3A_916 masked %reduce_sum3A_918 : vector<16xf32>, vector<16xi1> -> vector<16xf32>
        %reduce_sum3A_920 = vector.extract %reduce_sum3A_919[15] : f32 from vector<16xf32>
        %eq3A_921 = arith.constant 10 : i32
        %eq3A_922 = vector.broadcast %eq3A_921 : i32 to vector<16xi32>
        %eq3A_923 = arith.cmpi eq, %iota3A, %eq3A_922 : vector<16xi32>
        %broadcast_in_dim3A_924 = vector.broadcast %reduce_sum3A_920 : f32 to vector<16xf32>
        %select_n3A_925 = arith.select %eq3A_923, %broadcast_in_dim3A_924, %select_n3A_873 : vector<16xi1>, vector<16xf32>
        %mul3A_926 = arith.constant 10 : i32
        %mul3A_927 = arith.muli %scan3A_198, %mul3A_926 : i32
        %add3A_928 = arith.constant 5 : i32
        %add3A_929 = arith.addi %mul3A_927, %add3A_928 : i32
        %get3A_930 = arith.constant 0 : i32
        %get3A_931 = arith.index_cast %get3A_930 : i32 to index
        %get3A_932 = arith.index_cast %add3A_929 : i32 to index
        %get3A_933 = arith.constant 0 : index
        %get3A_934 = tpu.vector_load %arg14[%get3A_931, %get3A_932, %get3A_933] {strides = array<i32>} : memref<2x320x64xf32, #tpu.memory_space<vmem>>, vector<16xf32>,
        %mul3A_935 = arith.mulf %mul3A_323, %get3A_934 : vector<16xf32>
        %mul3A_936 = arith.constant 10 : i32
        %mul3A_937 = arith.muli %scan3A_198, %mul3A_936 : i32
        %add3A_938 = arith.constant 5 : i32
        %add3A_939 = arith.addi %mul3A_937, %add3A_938 : i32
        %get3A_940 = arith.constant 0 : i32
        %get3A_941 = arith.index_cast %get3A_940 : i32 to index
        %get3A_942 = arith.index_cast %add3A_939 : i32 to index
        %get3A_943 = arith.constant 16 : index
        %get3A_944 = tpu.vector_load %arg14[%get3A_941, %get3A_942, %get3A_943] {strides = array<i32>} : memref<2x320x64xf32, #tpu.memory_space<vmem>>, vector<16xf32>,
        %mul3A_945 = arith.mulf %mul3A_421, %get3A_944 : vector<16xf32>
        %add3A_946 = arith.addf %mul3A_935, %mul3A_945 : vector<16xf32>
        %mul3A_947 = arith.constant 10 : i32
        %mul3A_948 = arith.muli %scan3A_198, %mul3A_947 : i32
        %add3A_949 = arith.constant 5 : i32
        %add3A_950 = arith.addi %mul3A_948, %add3A_949 : i32
        %get3A_951 = arith.constant 0 : i32
        %get3A_952 = arith.index_cast %get3A_951 : i32 to index
        %get3A_953 = arith.index_cast %add3A_950 : i32 to index
        %get3A_954 = arith.constant 32 : index
        %get3A_955 = tpu.vector_load %arg14[%get3A_952, %get3A_953, %get3A_954] {strides = array<i32>} : memref<2x320x64xf32, #tpu.memory_space<vmem>>, vector<16xf32>,
        %mul3A_956 = arith.mulf %mul3A_519, %get3A_955 : vector<16xf32>
        %add3A_957 = arith.addf %add3A_946, %mul3A_956 : vector<16xf32>
        %mul3A_958 = arith.constant 10 : i32
        %mul3A_959 = arith.muli %scan3A_198, %mul3A_958 : i32
        %add3A_960 = arith.constant 5 : i32
        %add3A_961 = arith.addi %mul3A_959, %add3A_960 : i32
        %get3A_962 = arith.constant 0 : i32
        %get3A_963 = arith.index_cast %get3A_962 : i32 to index
        %get3A_964 = arith.index_cast %add3A_961 : i32 to index
        %get3A_965 = arith.constant 48 : index
        %get3A_966 = tpu.vector_load %arg14[%get3A_963, %get3A_964, %get3A_965] {strides = array<i32>} : memref<2x320x64xf32, #tpu.memory_space<vmem>>, vector<16xf32>,
        %mul3A_967 = arith.mulf %mul3A_617, %get3A_966 : vector<16xf32>
        %add3A_968 = arith.addf %add3A_957, %mul3A_967 : vector<16xf32>
        %reduce_sum3A_969 = arith.constant true
        %reduce_sum3A_970 = vector.broadcast %reduce_sum3A_969 : i1 to vector<16xi1>
        %reduce_sum3A_971 = tpu.scan <sum>, %add3A_968 masked %reduce_sum3A_970 : vector<16xf32>, vector<16xi1> -> vector<16xf32>
        %reduce_sum3A_972 = vector.extract %reduce_sum3A_971[15] : f32 from vector<16xf32>
        %eq3A_973 = arith.constant 11 : i32
        %eq3A_974 = vector.broadcast %eq3A_973 : i32 to vector<16xi32>
        %eq3A_975 = arith.cmpi eq, %iota3A, %eq3A_974 : vector<16xi32>
        %broadcast_in_dim3A_976 = vector.broadcast %reduce_sum3A_972 : f32 to vector<16xf32>
        %select_n3A_977 = arith.select %eq3A_975, %broadcast_in_dim3A_976, %select_n3A_925 : vector<16xi1>, vector<16xf32>
        %mul3A_978 = arith.constant 10 : i32
        %mul3A_979 = arith.muli %scan3A_198, %mul3A_978 : i32
        %add3A_980 = arith.constant 6 : i32
        %add3A_981 = arith.addi %mul3A_979, %add3A_980 : i32
        %get3A_982 = arith.constant 0 : i32
        %get3A_983 = arith.index_cast %get3A_982 : i32 to index
        %get3A_984 = arith.index_cast %add3A_981 : i32 to index
        %get3A_985 = arith.constant 0 : index
        %get3A_986 = tpu.vector_load %arg14[%get3A_983, %get3A_984, %get3A_985] {strides = array<i32>} : memref<2x320x64xf32, #tpu.memory_space<vmem>>, vector<16xf32>,
        %mul3A_987 = arith.mulf %mul3A_323, %get3A_986 : vector<16xf32>
        %mul3A_988 = arith.constant 10 : i32
        %mul3A_989 = arith.muli %scan3A_198, %mul3A_988 : i32
        %add3A_990 = arith.constant 6 : i32
        %add3A_991 = arith.addi %mul3A_989, %add3A_990 : i32
        %get3A_992 = arith.constant 0 : i32
        %get3A_993 = arith.index_cast %get3A_992 : i32 to index
        %get3A_994 = arith.index_cast %add3A_991 : i32 to index
        %get3A_995 = arith.constant 16 : index
        %get3A_996 = tpu.vector_load %arg14[%get3A_993, %get3A_994, %get3A_995] {strides = array<i32>} : memref<2x320x64xf32, #tpu.memory_space<vmem>>, vector<16xf32>,
        %mul3A_997 = arith.mulf %mul3A_421, %get3A_996 : vector<16xf32>
        %add3A_998 = arith.addf %mul3A_987, %mul3A_997 : vector<16xf32>
        %mul3A_999 = arith.constant 10 : i32
        %mul3A_1000 = arith.muli %scan3A_198, %mul3A_999 : i32
        %add3A_1001 = arith.constant 6 : i32
        %add3A_1002 = arith.addi %mul3A_1000, %add3A_1001 : i32
        %get3A_1003 = arith.constant 0 : i32
        %get3A_1004 = arith.index_cast %get3A_1003 : i32 to index
        %get3A_1005 = arith.index_cast %add3A_1002 : i32 to index
        %get3A_1006 = arith.constant 32 : index
        %get3A_1007 = tpu.vector_load %arg14[%get3A_1004, %get3A_1005, %get3A_1006] {strides = array<i32>} : memref<2x320x64xf32, #tpu.memory_space<vmem>>, vector<16xf32>,
        %mul3A_1008 = arith.mulf %mul3A_519, %get3A_1007 : vector<16xf32>
        %add3A_1009 = arith.addf %add3A_998, %mul3A_1008 : vector<16xf32>
        %mul3A_1010 = arith.constant 10 : i32
        %mul3A_1011 = arith.muli %scan3A_198, %mul3A_1010 : i32
        %add3A_1012 = arith.constant 6 : i32
        %add3A_1013 = arith.addi %mul3A_1011, %add3A_1012 : i32
        %get3A_1014 = arith.constant 0 : i32
        %get3A_1015 = arith.index_cast %get3A_1014 : i32 to index
        %get3A_1016 = arith.index_cast %add3A_1013 : i32 to index
        %get3A_1017 = arith.constant 48 : index
        %get3A_1018 = tpu.vector_load %arg14[%get3A_1015, %get3A_1016, %get3A_1017] {strides = array<i32>} : memref<2x320x64xf32, #tpu.memory_space<vmem>>, vector<16xf32>,
        %mul3A_1019 = arith.mulf %mul3A_617, %get3A_1018 : vector<16xf32>
        %add3A_1020 = arith.addf %add3A_1009, %mul3A_1019 : vector<16xf32>
        %reduce_sum3A_1021 = arith.constant true
        %reduce_sum3A_1022 = vector.broadcast %reduce_sum3A_1021 : i1 to vector<16xi1>
        %reduce_sum3A_1023 = tpu.scan <sum>, %add3A_1020 masked %reduce_sum3A_1022 : vector<16xf32>, vector<16xi1> -> vector<16xf32>
        %reduce_sum3A_1024 = vector.extract %reduce_sum3A_1023[15] : f32 from vector<16xf32>
        %eq3A_1025 = arith.constant 12 : i32
        %eq3A_1026 = vector.broadcast %eq3A_1025 : i32 to vector<16xi32>
        %eq3A_1027 = arith.cmpi eq, %iota3A, %eq3A_1026 : vector<16xi32>
        %broadcast_in_dim3A_1028 = vector.broadcast %reduce_sum3A_1024 : f32 to vector<16xf32>
        %select_n3A_1029 = arith.select %eq3A_1027, %broadcast_in_dim3A_1028, %select_n3A_977 : vector<16xi1>, vector<16xf32>
        %mul3A_1030 = arith.constant 10 : i32
        %mul3A_1031 = arith.muli %scan3A_198, %mul3A_1030 : i32
        %add3A_1032 = arith.constant 7 : i32
        %add3A_1033 = arith.addi %mul3A_1031, %add3A_1032 : i32
        %get3A_1034 = arith.constant 0 : i32
        %get3A_1035 = arith.index_cast %get3A_1034 : i32 to index
        %get3A_1036 = arith.index_cast %add3A_1033 : i32 to index
        %get3A_1037 = arith.constant 0 : index
        %get3A_1038 = tpu.vector_load %arg14[%get3A_1035, %get3A_1036, %get3A_1037] {strides = array<i32>} : memref<2x320x64xf32, #tpu.memory_space<vmem>>, vector<16xf32>,
        %mul3A_1039 = arith.mulf %mul3A_323, %get3A_1038 : vector<16xf32>
        %mul3A_1040 = arith.constant 10 : i32
        %mul3A_1041 = arith.muli %scan3A_198, %mul3A_1040 : i32
        %add3A_1042 = arith.constant 7 : i32
        %add3A_1043 = arith.addi %mul3A_1041, %add3A_1042 : i32
        %get3A_1044 = arith.constant 0 : i32
        %get3A_1045 = arith.index_cast %get3A_1044 : i32 to index
        %get3A_1046 = arith.index_cast %add3A_1043 : i32 to index
        %get3A_1047 = arith.constant 16 : index
        %get3A_1048 = tpu.vector_load %arg14[%get3A_1045, %get3A_1046, %get3A_1047] {strides = array<i32>} : memref<2x320x64xf32, #tpu.memory_space<vmem>>, vector<16xf32>,
        %mul3A_1049 = arith.mulf %mul3A_421, %get3A_1048 : vector<16xf32>
        %add3A_1050 = arith.addf %mul3A_1039, %mul3A_1049 : vector<16xf32>
        %mul3A_1051 = arith.constant 10 : i32
        %mul3A_1052 = arith.muli %scan3A_198, %mul3A_1051 : i32
        %add3A_1053 = arith.constant 7 : i32
        %add3A_1054 = arith.addi %mul3A_1052, %add3A_1053 : i32
        %get3A_1055 = arith.constant 0 : i32
        %get3A_1056 = arith.index_cast %get3A_1055 : i32 to index
        %get3A_1057 = arith.index_cast %add3A_1054 : i32 to index
        %get3A_1058 = arith.constant 32 : index
        %get3A_1059 = tpu.vector_load %arg14[%get3A_1056, %get3A_1057, %get3A_1058] {strides = array<i32>} : memref<2x320x64xf32, #tpu.memory_space<vmem>>, vector<16xf32>,
        %mul3A_1060 = arith.mulf %mul3A_519, %get3A_1059 : vector<16xf32>
        %add3A_1061 = arith.addf %add3A_1050, %mul3A_1060 : vector<16xf32>
        %mul3A_1062 = arith.constant 10 : i32
        %mul3A_1063 = arith.muli %scan3A_198, %mul3A_1062 : i32
        %add3A_1064 = arith.constant 7 : i32
        %add3A_1065 = arith.addi %mul3A_1063, %add3A_1064 : i32
        %get3A_1066 = arith.constant 0 : i32
        %get3A_1067 = arith.index_cast %get3A_1066 : i32 to index
        %get3A_1068 = arith.index_cast %add3A_1065 : i32 to index
        %get3A_1069 = arith.constant 48 : index
        %get3A_1070 = tpu.vector_load %arg14[%get3A_1067, %get3A_1068, %get3A_1069] {strides = array<i32>} : memref<2x320x64xf32, #tpu.memory_space<vmem>>, vector<16xf32>,
        %mul3A_1071 = arith.mulf %mul3A_617, %get3A_1070 : vector<16xf32>
        %add3A_1072 = arith.addf %add3A_1061, %mul3A_1071 : vector<16xf32>
        %reduce_sum3A_1073 = arith.constant true
        %reduce_sum3A_1074 = vector.broadcast %reduce_sum3A_1073 : i1 to vector<16xi1>
        %reduce_sum3A_1075 = tpu.scan <sum>, %add3A_1072 masked %reduce_sum3A_1074 : vector<16xf32>, vector<16xi1> -> vector<16xf32>
        %reduce_sum3A_1076 = vector.extract %reduce_sum3A_1075[15] : f32 from vector<16xf32>
        %eq3A_1077 = arith.constant 13 : i32
        %eq3A_1078 = vector.broadcast %eq3A_1077 : i32 to vector<16xi32>
        %eq3A_1079 = arith.cmpi eq, %iota3A, %eq3A_1078 : vector<16xi32>
        %broadcast_in_dim3A_1080 = vector.broadcast %reduce_sum3A_1076 : f32 to vector<16xf32>
        %select_n3A_1081 = arith.select %eq3A_1079, %broadcast_in_dim3A_1080, %select_n3A_1029 : vector<16xi1>, vector<16xf32>
        %mul3A_1082 = arith.constant 10 : i32
        %mul3A_1083 = arith.muli %scan3A_198, %mul3A_1082 : i32
        %add3A_1084 = arith.constant 8 : i32
        %add3A_1085 = arith.addi %mul3A_1083, %add3A_1084 : i32
        %get3A_1086 = arith.constant 0 : i32
        %get3A_1087 = arith.index_cast %get3A_1086 : i32 to index
        %get3A_1088 = arith.index_cast %add3A_1085 : i32 to index
        %get3A_1089 = arith.constant 0 : index
        %get3A_1090 = tpu.vector_load %arg14[%get3A_1087, %get3A_1088, %get3A_1089] {strides = array<i32>} : memref<2x320x64xf32, #tpu.memory_space<vmem>>, vector<16xf32>,
        %mul3A_1091 = arith.mulf %mul3A_323, %get3A_1090 : vector<16xf32>
        %mul3A_1092 = arith.constant 10 : i32
        %mul3A_1093 = arith.muli %scan3A_198, %mul3A_1092 : i32
        %add3A_1094 = arith.constant 8 : i32
        %add3A_1095 = arith.addi %mul3A_1093, %add3A_1094 : i32
        %get3A_1096 = arith.constant 0 : i32
        %get3A_1097 = arith.index_cast %get3A_1096 : i32 to index
        %get3A_1098 = arith.index_cast %add3A_1095 : i32 to index
        %get3A_1099 = arith.constant 16 : index
        %get3A_1100 = tpu.vector_load %arg14[%get3A_1097, %get3A_1098, %get3A_1099] {strides = array<i32>} : memref<2x320x64xf32, #tpu.memory_space<vmem>>, vector<16xf32>,
        %mul3A_1101 = arith.mulf %mul3A_421, %get3A_1100 : vector<16xf32>
        %add3A_1102 = arith.addf %mul3A_1091, %mul3A_1101 : vector<16xf32>
        %mul3A_1103 = arith.constant 10 : i32
        %mul3A_1104 = arith.muli %scan3A_198, %mul3A_1103 : i32
        %add3A_1105 = arith.constant 8 : i32
        %add3A_1106 = arith.addi %mul3A_1104, %add3A_1105 : i32
        %get3A_1107 = arith.constant 0 : i32
        %get3A_1108 = arith.index_cast %get3A_1107 : i32 to index
        %get3A_1109 = arith.index_cast %add3A_1106 : i32 to index
        %get3A_1110 = arith.constant 32 : index
        %get3A_1111 = tpu.vector_load %arg14[%get3A_1108, %get3A_1109, %get3A_1110] {strides = array<i32>} : memref<2x320x64xf32, #tpu.memory_space<vmem>>, vector<16xf32>,
        %mul3A_1112 = arith.mulf %mul3A_519, %get3A_1111 : vector<16xf32>
        %add3A_1113 = arith.addf %add3A_1102, %mul3A_1112 : vector<16xf32>
        %mul3A_1114 = arith.constant 10 : i32
        %mul3A_1115 = arith.muli %scan3A_198, %mul3A_1114 : i32
        %add3A_1116 = arith.constant 8 : i32
        %add3A_1117 = arith.addi %mul3A_1115, %add3A_1116 : i32
        %get3A_1118 = arith.constant 0 : i32
        %get3A_1119 = arith.index_cast %get3A_1118 : i32 to index
        %get3A_1120 = arith.index_cast %add3A_1117 : i32 to index
        %get3A_1121 = arith.constant 48 : index
        %get3A_1122 = tpu.vector_load %arg14[%get3A_1119, %get3A_1120, %get3A_1121] {strides = array<i32>} : memref<2x320x64xf32, #tpu.memory_space<vmem>>, vector<16xf32>,
        %mul3A_1123 = arith.mulf %mul3A_617, %get3A_1122 : vector<16xf32>
        %add3A_1124 = arith.addf %add3A_1113, %mul3A_1123 : vector<16xf32>
        %reduce_sum3A_1125 = arith.constant true
        %reduce_sum3A_1126 = vector.broadcast %reduce_sum3A_1125 : i1 to vector<16xi1>
        %reduce_sum3A_1127 = tpu.scan <sum>, %add3A_1124 masked %reduce_sum3A_1126 : vector<16xf32>, vector<16xi1> -> vector<16xf32>
        %reduce_sum3A_1128 = vector.extract %reduce_sum3A_1127[15] : f32 from vector<16xf32>
        %eq3A_1129 = arith.constant 14 : i32
        %eq3A_1130 = vector.broadcast %eq3A_1129 : i32 to vector<16xi32>
        %eq3A_1131 = arith.cmpi eq, %iota3A, %eq3A_1130 : vector<16xi32>
        %broadcast_in_dim3A_1132 = vector.broadcast %reduce_sum3A_1128 : f32 to vector<16xf32>
        %select_n3A_1133 = arith.select %eq3A_1131, %broadcast_in_dim3A_1132, %select_n3A_1081 : vector<16xi1>, vector<16xf32>
        %mul3A_1134 = arith.constant 10 : i32
        %mul3A_1135 = arith.muli %scan3A_198, %mul3A_1134 : i32
        %add3A_1136 = arith.constant 9 : i32
        %add3A_1137 = arith.addi %mul3A_1135, %add3A_1136 : i32
        %get3A_1138 = arith.constant 0 : i32
        %get3A_1139 = arith.index_cast %get3A_1138 : i32 to index
        %get3A_1140 = arith.index_cast %add3A_1137 : i32 to index
        %get3A_1141 = arith.constant 0 : index
        %get3A_1142 = tpu.vector_load %arg14[%get3A_1139, %get3A_1140, %get3A_1141] {strides = array<i32>} : memref<2x320x64xf32, #tpu.memory_space<vmem>>, vector<16xf32>,
        %mul3A_1143 = arith.mulf %mul3A_323, %get3A_1142 : vector<16xf32>
        %mul3A_1144 = arith.constant 10 : i32
        %mul3A_1145 = arith.muli %scan3A_198, %mul3A_1144 : i32
        %add3A_1146 = arith.constant 9 : i32
        %add3A_1147 = arith.addi %mul3A_1145, %add3A_1146 : i32
        %get3A_1148 = arith.constant 0 : i32
        %get3A_1149 = arith.index_cast %get3A_1148 : i32 to index
        %get3A_1150 = arith.index_cast %add3A_1147 : i32 to index
        %get3A_1151 = arith.constant 16 : index
        %get3A_1152 = tpu.vector_load %arg14[%get3A_1149, %get3A_1150, %get3A_1151] {strides = array<i32>} : memref<2x320x64xf32, #tpu.memory_space<vmem>>, vector<16xf32>,
        %mul3A_1153 = arith.mulf %mul3A_421, %get3A_1152 : vector<16xf32>
        %add3A_1154 = arith.addf %mul3A_1143, %mul3A_1153 : vector<16xf32>
        %mul3A_1155 = arith.constant 10 : i32
        %mul3A_1156 = arith.muli %scan3A_198, %mul3A_1155 : i32
        %add3A_1157 = arith.constant 9 : i32
        %add3A_1158 = arith.addi %mul3A_1156, %add3A_1157 : i32
        %get3A_1159 = arith.constant 0 : i32
        %get3A_1160 = arith.index_cast %get3A_1159 : i32 to index
        %get3A_1161 = arith.index_cast %add3A_1158 : i32 to index
        %get3A_1162 = arith.constant 32 : index
        %get3A_1163 = tpu.vector_load %arg14[%get3A_1160, %get3A_1161, %get3A_1162] {strides = array<i32>} : memref<2x320x64xf32, #tpu.memory_space<vmem>>, vector<16xf32>,
        %mul3A_1164 = arith.mulf %mul3A_519, %get3A_1163 : vector<16xf32>
        %add3A_1165 = arith.addf %add3A_1154, %mul3A_1164 : vector<16xf32>
        %mul3A_1166 = arith.constant 10 : i32
        %mul3A_1167 = arith.muli %scan3A_198, %mul3A_1166 : i32
        %add3A_1168 = arith.constant 9 : i32
        %add3A_1169 = arith.addi %mul3A_1167, %add3A_1168 : i32
        %get3A_1170 = arith.constant 0 : i32
        %get3A_1171 = arith.index_cast %get3A_1170 : i32 to index
        %get3A_1172 = arith.index_cast %add3A_1169 : i32 to index
        %get3A_1173 = arith.constant 48 : index
        %get3A_1174 = tpu.vector_load %arg14[%get3A_1171, %get3A_1172, %get3A_1173] {strides = array<i32>} : memref<2x320x64xf32, #tpu.memory_space<vmem>>, vector<16xf32>,
        %mul3A_1175 = arith.mulf %mul3A_617, %get3A_1174 : vector<16xf32>
        %add3A_1176 = arith.addf %add3A_1165, %mul3A_1175 : vector<16xf32>
        %reduce_sum3A_1177 = arith.constant true
        %reduce_sum3A_1178 = vector.broadcast %reduce_sum3A_1177 : i1 to vector<16xi1>
        %reduce_sum3A_1179 = tpu.scan <sum>, %add3A_1176 masked %reduce_sum3A_1178 : vector<16xf32>, vector<16xi1> -> vector<16xf32>
        %reduce_sum3A_1180 = vector.extract %reduce_sum3A_1179[15] : f32 from vector<16xf32>
        %eq3A_1181 = arith.constant 15 : i32
        %eq3A_1182 = vector.broadcast %eq3A_1181 : i32 to vector<16xi32>
        %eq3A_1183 = arith.cmpi eq, %iota3A, %eq3A_1182 : vector<16xi32>
        %broadcast_in_dim3A_1184 = vector.broadcast %reduce_sum3A_1180 : f32 to vector<16xf32>
        %select_n3A_1185 = arith.select %eq3A_1183, %broadcast_in_dim3A_1184, %select_n3A_1133 : vector<16xi1>, vector<16xf32>
        %jit3A_1186 = arith.constant 0 : i32
        %broadcast_in_dim3A_1187 = vector.broadcast %jit3A_1186 : i32 to vector<16xi32>
        %select_n3A_1188 = arith.select %ge3A_101, %get3A_225, %broadcast_in_dim3A_1187 : vector<16xi1>, vector<16xi32>
        %convert_element_type3A_1189 = arith.sitofp %select_n3A_1188 : vector<16xi32> to vector<16xf32>
        %neg3A_1190 = arith.constant 0.000000e+00 : f32
        %neg3A_1191 = vector.broadcast %neg3A_1190 : f32 to vector<16xf32>
        %neg3A_1192 = arith.subf %neg3A_1191, %select_n3A_1185 : vector<16xf32>
        %exp3A_1193 = math.exp %neg3A_1192 : vector<16xf32>
        %add3A_1194 = arith.constant 1.000000e+00 : f32
        %add3A_1195 = vector.broadcast %add3A_1194 : f32 to vector<16xf32>
        %add3A_1196 = arith.addf %add3A_1195, %exp3A_1193 : vector<16xf32>
        %div3A_1197 = arith.divf %convert_element_type3A_1189, %add3A_1196 : vector<16xf32>
        %mul3A_1198 = arith.mulf %div3A_1197, %div3A_1197 : vector<16xf32>
        %add3A_1199 = arith.addf %scan3A_200, %mul3A_1198 : vector<16xf32>
        scf.yield %add3A_663, %add3A_1199 : vector<16xf32>, vector<16xf32>
      }
      %scan3A_114 = arith.constant 32 : i32
      %swap3A_115 = arith.constant 0 : i32
      %swap3A_116 = arith.index_cast %swap3A_115 : i32 to index
      %swap3A_117 = arith.constant 0 : index
      %swap3A_118 = tpu.vector_load %arg16[%swap3A_116, %swap3A_117] {strides = array<i32>} : memref<2x16xf32, #tpu.memory_space<vmem>>, vector<16xf32>,
      tpu.vector_store %arg16[%swap3A_116, %swap3A_117], %scan3A_113#0 {strides = array<i32>} : memref<2x16xf32, #tpu.memory_space<vmem>>, vector<16xf32>,
      %swap3A_119 = arith.constant 1 : i32
      %swap3A_120 = arith.index_cast %swap3A_119 : i32 to index
      %swap3A_121 = arith.constant 0 : index
      %swap3A_122 = tpu.vector_load %arg16[%swap3A_120, %swap3A_121] {strides = array<i32>} : memref<2x16xf32, #tpu.memory_space<vmem>>, vector<16xf32>,
      tpu.vector_store %arg16[%swap3A_120, %swap3A_121], %scan3A_113#1 {strides = array<i32>} : memref<2x16xf32, #tpu.memory_space<vmem>>, vector<16xf32>,
      %add3A_123 = arith.constant 1 : i32
      %add3A_124 = arith.addi %mul3A_55, %add3A_123 : i32
      %add3A_125 = arith.constant 1 : i32
      %add3A_126 = arith.addi %add3A_124, %add3A_125 : i32
      %lt3A_127 = arith.constant 16 : i32
      %lt3A_128 = arith.cmpi slt, %add3A_126, %lt3A_127 : i32
      %convert_element_type3A_129 = arith.extui %lt3A_128 : i1 to i32
      %cond3A_130 = arith.constant 0 : i32
      %cond3A_131 = arith.cmpi ne, %convert_element_type3A_129, %cond3A_130 : i32
      scf.if %cond3A_131 {
        %add3A_198 = arith.constant 1 : i32
        %add3A_199 = arith.addi %add3A_124, %add3A_198 : i32
        %mul3A_200 = arith.constant 320 : i32
        %mul3A_201 = arith.muli %add3A_199, %mul3A_200 : i32
        %add3A_202 = arith.constant 0 : i32
        %add3A_203 = arith.addi %mul3A_201, %add3A_202 : i32
        %add3A_204 = arith.constant 0 : i32
        %add3A_205 = arith.addi %mul3A_201, %add3A_204 : i32
        %mul3A_206 = arith.constant 32 : i32
        %mul3A_207 = arith.muli %add3A_199, %mul3A_206 : i32
        %dma_start3A_208 = arith.constant 0 : i32
        %dma_start3A_209 = arith.constant 0 : i32
        %dma_start3A_210 = arith.constant 0 : i32
        %dma_start3A_211 = tpu.memref_slice %arg13[%dma_start3A_208, %dma_start3A_209, %dma_start3A_210] : memref<2x320x64xf32, #tpu.memory_space<vmem>> -> memref<1x320x64xf32, #tpu.memory_space<vmem>>
        %dma_start3A_212 = tpu.memref_squeeze %dma_start3A_211 : memref<1x320x64xf32, #tpu.memory_space<vmem>> -> memref<320x64xf32, #tpu.memory_space<vmem>>
        %dma_start3A_213 = tpu.memref_slice %arg10[%add3A_203] : memref<5120xi32, #tpu.memory_space<vmem>> -> memref<320xi32, #tpu.memory_space<vmem>>
        %dma_start3A_214 = arith.constant 0 : i32
        %dma_start3A_215 = arith.constant 0 : i32
        %dma_start3A_216 = tpu.memref_slice %arg6[%dma_start3A_214, %dma_start3A_215] : memref<1000001x64xf32, #tpu.memory_space<hbm>> -> memref<1000001x64xf32, #tpu.memory_space<hbm>>
        tpu.enqueue_indirect_dma source(%dma_start3A_216 : memref<1000001x64xf32, #tpu.memory_space<hbm>>) target(%dma_start3A_212 : memref<320x64xf32, #tpu.memory_space<vmem>>) offsets(%dma_start3A_213 : memref<320xi32, #tpu.memory_space<vmem>>) semaphore(%arg17 : memref<!tpu.dma_semaphore, #tpu.memory_space<semaphore_mem>>)
        %dma_start3A_217 = arith.constant 0 : i32
        %dma_start3A_218 = arith.constant 0 : i32
        %dma_start3A_219 = arith.constant 0 : i32
        %dma_start3A_220 = tpu.memref_slice %arg14[%dma_start3A_217, %dma_start3A_218, %dma_start3A_219] : memref<2x320x64xf32, #tpu.memory_space<vmem>> -> memref<1x320x64xf32, #tpu.memory_space<vmem>>
        %dma_start3A_221 = tpu.memref_squeeze %dma_start3A_220 : memref<1x320x64xf32, #tpu.memory_space<vmem>> -> memref<320x64xf32, #tpu.memory_space<vmem>>
        %dma_start3A_222 = tpu.memref_slice %arg11[%add3A_205] : memref<5120xi32, #tpu.memory_space<vmem>> -> memref<320xi32, #tpu.memory_space<vmem>>
        %dma_start3A_223 = arith.constant 0 : i32
        %dma_start3A_224 = arith.constant 0 : i32
        %dma_start3A_225 = tpu.memref_slice %arg7[%dma_start3A_223, %dma_start3A_224] : memref<1000000x64xf32, #tpu.memory_space<hbm>> -> memref<1000000x64xf32, #tpu.memory_space<hbm>>
        tpu.enqueue_indirect_dma source(%dma_start3A_225 : memref<1000000x64xf32, #tpu.memory_space<hbm>>) target(%dma_start3A_221 : memref<320x64xf32, #tpu.memory_space<vmem>>) offsets(%dma_start3A_222 : memref<320xi32, #tpu.memory_space<vmem>>) semaphore(%arg17 : memref<!tpu.dma_semaphore, #tpu.memory_space<semaphore_mem>>)
        %dma_start3A_226 = arith.constant 0 : i32
        %dma_start3A_227 = arith.constant 0 : i32
        %dma_start3A_228 = arith.constant 0 : i32
        %dma_start3A_229 = tpu.memref_slice %arg15[%dma_start3A_226, %dma_start3A_227, %dma_start3A_228] : memref<2x32x64xf32, #tpu.memory_space<vmem>> -> memref<1x32x64xf32, #tpu.memory_space<vmem>>
        %dma_start3A_230 = tpu.memref_squeeze %dma_start3A_229 : memref<1x32x64xf32, #tpu.memory_space<vmem>> -> memref<32x64xf32, #tpu.memory_space<vmem>>
        %dma_start3A_231 = tpu.memref_slice %arg12[%mul3A_207] : memref<512xi32, #tpu.memory_space<vmem>> -> memref<32xi32, #tpu.memory_space<vmem>>
        %dma_start3A_232 = arith.constant 0 : i32
        %dma_start3A_233 = arith.constant 0 : i32
        %dma_start3A_234 = tpu.memref_slice %arg7[%dma_start3A_232, %dma_start3A_233] : memref<1000000x64xf32, #tpu.memory_space<hbm>> -> memref<1000000x64xf32, #tpu.memory_space<hbm>>
        tpu.enqueue_indirect_dma source(%dma_start3A_234 : memref<1000000x64xf32, #tpu.memory_space<hbm>>) target(%dma_start3A_230 : memref<32x64xf32, #tpu.memory_space<vmem>>) offsets(%dma_start3A_231 : memref<32xi32, #tpu.memory_space<vmem>>) semaphore(%arg17 : memref<!tpu.dma_semaphore, #tpu.memory_space<semaphore_mem>>)
      } else {
      }
      %mul3A_132 = arith.constant 320 : i32
      %mul3A_133 = arith.muli %add3A_124, %mul3A_132 : i32
      %add3A_134 = arith.constant 0 : i32
      %add3A_135 = arith.addi %mul3A_133, %add3A_134 : i32
      %add3A_136 = arith.constant 0 : i32
      %add3A_137 = arith.addi %mul3A_133, %add3A_136 : i32
      %mul3A_138 = arith.constant 32 : i32
      %mul3A_139 = arith.muli %add3A_124, %mul3A_138 : i32
      %dma_wait3A_140 = arith.constant 1 : i32
      %dma_wait3A_141 = arith.constant 0 : i32
      %dma_wait3A_142 = arith.constant 0 : i32
      %dma_wait3A_143 = tpu.memref_slice %arg13[%dma_wait3A_140, %dma_wait3A_141, %dma_wait3A_142] : memref<2x320x64xf32, #tpu.memory_space<vmem>> -> memref<1x320x64xf32, #tpu.memory_space<vmem>>
      %dma_wait3A_144 = tpu.memref_squeeze %dma_wait3A_143 : memref<1x320x64xf32, #tpu.memory_space<vmem>> -> memref<320x64xf32, #tpu.memory_space<vmem>>
      %dma_wait3A_145 = tpu.memref_slice %arg10[%add3A_135] : memref<5120xi32, #tpu.memory_space<vmem>> -> memref<320xi32, #tpu.memory_space<vmem>>
      %dma_wait3A_146 = arith.constant 0 : i32
      %dma_wait3A_147 = arith.constant 0 : i32
      %dma_wait3A_148 = tpu.memref_slice %arg6[%dma_wait3A_146, %dma_wait3A_147] : memref<1000001x64xf32, #tpu.memory_space<hbm>> -> memref<1000001x64xf32, #tpu.memory_space<hbm>>
      tpu.wait_indirect_dma semaphore(%arg18 : memref<!tpu.dma_semaphore, #tpu.memory_space<semaphore_mem>>) src(%dma_wait3A_148 : memref<1000001x64xf32, #tpu.memory_space<hbm>>) dst(%dma_wait3A_144 : memref<320x64xf32, #tpu.memory_space<vmem>>)
      %dma_wait3A_149 = arith.constant 1 : i32
      %dma_wait3A_150 = arith.constant 0 : i32
      %dma_wait3A_151 = arith.constant 0 : i32
      %dma_wait3A_152 = tpu.memref_slice %arg14[%dma_wait3A_149, %dma_wait3A_150, %dma_wait3A_151] : memref<2x320x64xf32, #tpu.memory_space<vmem>> -> memref<1x320x64xf32, #tpu.memory_space<vmem>>
      %dma_wait3A_153 = tpu.memref_squeeze %dma_wait3A_152 : memref<1x320x64xf32, #tpu.memory_space<vmem>> -> memref<320x64xf32, #tpu.memory_space<vmem>>
      %dma_wait3A_154 = tpu.memref_slice %arg11[%add3A_137] : memref<5120xi32, #tpu.memory_space<vmem>> -> memref<320xi32, #tpu.memory_space<vmem>>
      %dma_wait3A_155 = arith.constant 0 : i32
      %dma_wait3A_156 = arith.constant 0 : i32
      %dma_wait3A_157 = tpu.memref_slice %arg7[%dma_wait3A_155, %dma_wait3A_156] : memref<1000000x64xf32, #tpu.memory_space<hbm>> -> memref<1000000x64xf32, #tpu.memory_space<hbm>>
      tpu.wait_indirect_dma semaphore(%arg18 : memref<!tpu.dma_semaphore, #tpu.memory_space<semaphore_mem>>) src(%dma_wait3A_157 : memref<1000000x64xf32, #tpu.memory_space<hbm>>) dst(%dma_wait3A_153 : memref<320x64xf32, #tpu.memory_space<vmem>>)
      %dma_wait3A_158 = arith.constant 1 : i32
      %dma_wait3A_159 = arith.constant 0 : i32
      %dma_wait3A_160 = arith.constant 0 : i32
      %dma_wait3A_161 = tpu.memref_slice %arg15[%dma_wait3A_158, %dma_wait3A_159, %dma_wait3A_160] : memref<2x32x64xf32, #tpu.memory_space<vmem>> -> memref<1x32x64xf32, #tpu.memory_space<vmem>>
      %dma_wait3A_162 = tpu.memref_squeeze %dma_wait3A_161 : memref<1x32x64xf32, #tpu.memory_space<vmem>> -> memref<32x64xf32, #tpu.memory_space<vmem>>
      %dma_wait3A_163 = tpu.memref_slice %arg12[%mul3A_139] : memref<512xi32, #tpu.memory_space<vmem>> -> memref<32xi32, #tpu.memory_space<vmem>>
      %dma_wait3A_164 = arith.constant 0 : i32
      %dma_wait3A_165 = arith.constant 0 : i32
      %dma_wait3A_166 = tpu.memref_slice %arg7[%dma_wait3A_164, %dma_wait3A_165] : memref<1000000x64xf32, #tpu.memory_space<hbm>> -> memref<1000000x64xf32, #tpu.memory_space<hbm>>
      tpu.wait_indirect_dma semaphore(%arg18 : memref<!tpu.dma_semaphore, #tpu.memory_space<semaphore_mem>>) src(%dma_wait3A_166 : memref<1000000x64xf32, #tpu.memory_space<hbm>>) dst(%dma_wait3A_162 : memref<32x64xf32, #tpu.memory_space<vmem>>)
      %mul3A_167 = arith.constant 32 : i32
      %mul3A_168 = arith.muli %add3A_124, %mul3A_167 : i32
      %eq3A_169 = arith.constant 0 : i32
      %eq3A_170 = vector.broadcast %eq3A_169 : i32 to vector<16xi32>
      %eq3A_171 = arith.cmpi eq, %iota3A, %eq3A_170 : vector<16xi32>
      %ge3A_172 = arith.constant 6 : i32
      %ge3A_173 = vector.broadcast %ge3A_172 : i32 to vector<16xi32>
      %ge3A_174 = arith.cmpi sge, %iota3A, %ge3A_173 : vector<16xi32>
      %get3A_175 = arith.constant 0 : i32
      %get3A_176 = arith.index_cast %get3A_175 : i32 to index
      %get3A_177 = arith.constant 0 : index
      %get3A_178 = tpu.vector_load %arg16[%get3A_176, %get3A_177] {strides = array<i32>} : memref<2x16xf32, #tpu.memory_space<vmem>>, vector<16xf32>,
      %get3A_179 = arith.constant 1 : i32
      %get3A_180 = arith.index_cast %get3A_179 : i32 to index
      %get3A_181 = arith.constant 0 : index
      %get3A_182 = tpu.vector_load %arg16[%get3A_180, %get3A_181] {strides = array<i32>} : memref<2x16xf32, #tpu.memory_space<vmem>>, vector<16xf32>,
      %scan3A_183 = arith.constant 0 : i32
      %scan3A_184 = arith.constant 32 : i32
      %scan3A_185 = arith.addi %scan3A_183, %scan3A_184 : i32
      %scan3A_186 = arith.constant 1 : i32
      %scan3A_187:2 = scf.for %scan3A_198 = %scan3A_183 to %scan3A_185 step %scan3A_186 iter_args(%scan3A_199 = %get3A_178, %scan3A_200 = %get3A_182) -> (vector<16xf32>, vector<16xf32>)  : i32 {
        %add3A_201 = arith.addi %mul3A_168, %scan3A_198 : i32
        %mul3A_202 = arith.constant 32 : i32
        %mul3A_203 = arith.muli %add3A_201, %mul3A_202 : i32
        %add3A_204 = arith.constant 8 : i32
        %add3A_205 = arith.addi %mul3A_203, %add3A_204 : i32
        %get3A_206 = arith.index_cast %add3A_205 : i32 to index
        %get3A_207 = tpu.vector_load %arg9[%get3A_206] {strides = array<i32>} : memref<16384xi32, #tpu.memory_space<vmem>>, vector<16xi32>,
        %eq3A_208 = arith.constant 2 : i32
        %eq3A_209 = vector.broadcast %eq3A_208 : i32 to vector<16xi32>
        %eq3A_210 = arith.cmpi eq, %iota3A, %eq3A_209 : vector<16xi32>
        %jit3A = arith.constant 0 : i32
        %broadcast_in_dim3A_211 = vector.broadcast %jit3A : i32 to vector<16xi32>
        %select_n3A = arith.select %eq3A_210, %get3A_207, %broadcast_in_dim3A_211 : vector<16xi1>, vector<16xi32>
        %reduce_sum3A = arith.constant true
        %reduce_sum3A_212 = vector.broadcast %reduce_sum3A : i1 to vector<16xi1>
        %reduce_sum3A_213 = tpu.scan <sum>, %select_n3A masked %reduce_sum3A_212 : vector<16xi32>, vector<16xi1> -> vector<16xi32>
        %reduce_sum3A_214 = vector.extract %reduce_sum3A_213[15] : i32 from vector<16xi32>
        %convert_element_type3A_215 = arith.sitofp %reduce_sum3A_214 : i32 to f32
        %broadcast_in_dim3A_216 = vector.broadcast %convert_element_type3A_215 : f32 to vector<16xf32>
        %div3A = arith.constant 1.000000e+00 : f32
        %div3A_217 = vector.broadcast %div3A : f32 to vector<16xf32>
        %div3A_218 = arith.divf %div3A_217, %broadcast_in_dim3A_216 : vector<16xf32>
        %add3A_219 = arith.addi %mul3A_168, %scan3A_198 : i32
        %mul3A_220 = arith.constant 32 : i32
        %mul3A_221 = arith.muli %add3A_219, %mul3A_220 : i32
        %add3A_222 = arith.constant 16 : i32
        %add3A_223 = arith.addi %mul3A_221, %add3A_222 : i32
        %get3A_224 = arith.index_cast %add3A_223 : i32 to index
        %get3A_225 = tpu.vector_load %arg9[%get3A_224] {strides = array<i32>} : memref<16384xi32, #tpu.memory_space<vmem>>, vector<16xi32>,
        %mul3A_226 = arith.constant 10 : i32
        %mul3A_227 = arith.muli %scan3A_198, %mul3A_226 : i32
        %get3A_228 = arith.constant 1 : i32
        %get3A_229 = arith.index_cast %get3A_228 : i32 to index
        %get3A_230 = arith.index_cast %mul3A_227 : i32 to index
        %get3A_231 = arith.constant 0 : index
        %get3A_232 = tpu.vector_load %arg13[%get3A_229, %get3A_230, %get3A_231] {strides = array<i32>} : memref<2x320x64xf32, #tpu.memory_space<vmem>>, vector<16xf32>,
        %mul3A_233 = arith.constant 10 : i32
        %mul3A_234 = arith.muli %scan3A_198, %mul3A_233 : i32
        %add3A_235 = arith.constant 1 : i32
        %add3A_236 = arith.addi %mul3A_234, %add3A_235 : i32
        %get3A_237 = arith.constant 1 : i32
        %get3A_238 = arith.index_cast %get3A_237 : i32 to index
        %get3A_239 = arith.index_cast %add3A_236 : i32 to index
        %get3A_240 = arith.constant 0 : index
        %get3A_241 = tpu.vector_load %arg13[%get3A_238, %get3A_239, %get3A_240] {strides = array<i32>} : memref<2x320x64xf32, #tpu.memory_space<vmem>>, vector<16xf32>,
        %add3A_242 = arith.addf %get3A_232, %get3A_241 : vector<16xf32>
        %mul3A_243 = arith.constant 10 : i32
        %mul3A_244 = arith.muli %scan3A_198, %mul3A_243 : i32
        %add3A_245 = arith.constant 2 : i32
        %add3A_246 = arith.addi %mul3A_244, %add3A_245 : i32
        %get3A_247 = arith.constant 1 : i32
        %get3A_248 = arith.index_cast %get3A_247 : i32 to index
        %get3A_249 = arith.index_cast %add3A_246 : i32 to index
        %get3A_250 = arith.constant 0 : index
        %get3A_251 = tpu.vector_load %arg13[%get3A_248, %get3A_249, %get3A_250] {strides = array<i32>} : memref<2x320x64xf32, #tpu.memory_space<vmem>>, vector<16xf32>,
        %add3A_252 = arith.addf %add3A_242, %get3A_251 : vector<16xf32>
        %mul3A_253 = arith.constant 10 : i32
        %mul3A_254 = arith.muli %scan3A_198, %mul3A_253 : i32
        %add3A_255 = arith.constant 3 : i32
        %add3A_256 = arith.addi %mul3A_254, %add3A_255 : i32
        %get3A_257 = arith.constant 1 : i32
        %get3A_258 = arith.index_cast %get3A_257 : i32 to index
        %get3A_259 = arith.index_cast %add3A_256 : i32 to index
        %get3A_260 = arith.constant 0 : index
        %get3A_261 = tpu.vector_load %arg13[%get3A_258, %get3A_259, %get3A_260] {strides = array<i32>} : memref<2x320x64xf32, #tpu.memory_space<vmem>>, vector<16xf32>,
        %add3A_262 = arith.addf %add3A_252, %get3A_261 : vector<16xf32>
        %mul3A_263 = arith.constant 10 : i32
        %mul3A_264 = arith.muli %scan3A_198, %mul3A_263 : i32
        %add3A_265 = arith.constant 4 : i32
        %add3A_266 = arith.addi %mul3A_264, %add3A_265 : i32
        %get3A_267 = arith.constant 1 : i32
        %get3A_268 = arith.index_cast %get3A_267 : i32 to index
        %get3A_269 = arith.index_cast %add3A_266 : i32 to index
        %get3A_270 = arith.constant 0 : index
        %get3A_271 = tpu.vector_load %arg13[%get3A_268, %get3A_269, %get3A_270] {strides = array<i32>} : memref<2x320x64xf32, #tpu.memory_space<vmem>>, vector<16xf32>,
        %add3A_272 = arith.addf %add3A_262, %get3A_271 : vector<16xf32>
        %mul3A_273 = arith.constant 10 : i32
        %mul3A_274 = arith.muli %scan3A_198, %mul3A_273 : i32
        %add3A_275 = arith.constant 5 : i32
        %add3A_276 = arith.addi %mul3A_274, %add3A_275 : i32
        %get3A_277 = arith.constant 1 : i32
        %get3A_278 = arith.index_cast %get3A_277 : i32 to index
        %get3A_279 = arith.index_cast %add3A_276 : i32 to index
        %get3A_280 = arith.constant 0 : index
        %get3A_281 = tpu.vector_load %arg13[%get3A_278, %get3A_279, %get3A_280] {strides = array<i32>} : memref<2x320x64xf32, #tpu.memory_space<vmem>>, vector<16xf32>,
        %add3A_282 = arith.addf %add3A_272, %get3A_281 : vector<16xf32>
        %mul3A_283 = arith.constant 10 : i32
        %mul3A_284 = arith.muli %scan3A_198, %mul3A_283 : i32
        %add3A_285 = arith.constant 6 : i32
        %add3A_286 = arith.addi %mul3A_284, %add3A_285 : i32
        %get3A_287 = arith.constant 1 : i32
        %get3A_288 = arith.index_cast %get3A_287 : i32 to index
        %get3A_289 = arith.index_cast %add3A_286 : i32 to index
        %get3A_290 = arith.constant 0 : index
        %get3A_291 = tpu.vector_load %arg13[%get3A_288, %get3A_289, %get3A_290] {strides = array<i32>} : memref<2x320x64xf32, #tpu.memory_space<vmem>>, vector<16xf32>,
        %add3A_292 = arith.addf %add3A_282, %get3A_291 : vector<16xf32>
        %mul3A_293 = arith.constant 10 : i32
        %mul3A_294 = arith.muli %scan3A_198, %mul3A_293 : i32
        %add3A_295 = arith.constant 7 : i32
        %add3A_296 = arith.addi %mul3A_294, %add3A_295 : i32
        %get3A_297 = arith.constant 1 : i32
        %get3A_298 = arith.index_cast %get3A_297 : i32 to index
        %get3A_299 = arith.index_cast %add3A_296 : i32 to index
        %get3A_300 = arith.constant 0 : index
        %get3A_301 = tpu.vector_load %arg13[%get3A_298, %get3A_299, %get3A_300] {strides = array<i32>} : memref<2x320x64xf32, #tpu.memory_space<vmem>>, vector<16xf32>,
        %add3A_302 = arith.addf %add3A_292, %get3A_301 : vector<16xf32>
        %mul3A_303 = arith.constant 10 : i32
        %mul3A_304 = arith.muli %scan3A_198, %mul3A_303 : i32
        %add3A_305 = arith.constant 8 : i32
        %add3A_306 = arith.addi %mul3A_304, %add3A_305 : i32
        %get3A_307 = arith.constant 1 : i32
        %get3A_308 = arith.index_cast %get3A_307 : i32 to index
        %get3A_309 = arith.index_cast %add3A_306 : i32 to index
        %get3A_310 = arith.constant 0 : index
        %get3A_311 = tpu.vector_load %arg13[%get3A_308, %get3A_309, %get3A_310] {strides = array<i32>} : memref<2x320x64xf32, #tpu.memory_space<vmem>>, vector<16xf32>,
        %add3A_312 = arith.addf %add3A_302, %get3A_311 : vector<16xf32>
        %mul3A_313 = arith.constant 10 : i32
        %mul3A_314 = arith.muli %scan3A_198, %mul3A_313 : i32
        %add3A_315 = arith.constant 9 : i32
        %add3A_316 = arith.addi %mul3A_314, %add3A_315 : i32
        %get3A_317 = arith.constant 1 : i32
        %get3A_318 = arith.index_cast %get3A_317 : i32 to index
        %get3A_319 = arith.index_cast %add3A_316 : i32 to index
        %get3A_320 = arith.constant 0 : index
        %get3A_321 = tpu.vector_load %arg13[%get3A_318, %get3A_319, %get3A_320] {strides = array<i32>} : memref<2x320x64xf32, #tpu.memory_space<vmem>>, vector<16xf32>,
        %add3A_322 = arith.addf %add3A_312, %get3A_321 : vector<16xf32>
        %mul3A_323 = arith.mulf %add3A_322, %div3A_218 : vector<16xf32>
        %mul3A_324 = arith.constant 10 : i32
        %mul3A_325 = arith.muli %scan3A_198, %mul3A_324 : i32
        %get3A_326 = arith.constant 1 : i32
        %get3A_327 = arith.index_cast %get3A_326 : i32 to index
        %get3A_328 = arith.index_cast %mul3A_325 : i32 to index
        %get3A_329 = arith.constant 16 : index
        %get3A_330 = tpu.vector_load %arg13[%get3A_327, %get3A_328, %get3A_329] {strides = array<i32>} : memref<2x320x64xf32, #tpu.memory_space<vmem>>, vector<16xf32>,
        %mul3A_331 = arith.constant 10 : i32
        %mul3A_332 = arith.muli %scan3A_198, %mul3A_331 : i32
        %add3A_333 = arith.constant 1 : i32
        %add3A_334 = arith.addi %mul3A_332, %add3A_333 : i32
        %get3A_335 = arith.constant 1 : i32
        %get3A_336 = arith.index_cast %get3A_335 : i32 to index
        %get3A_337 = arith.index_cast %add3A_334 : i32 to index
        %get3A_338 = arith.constant 16 : index
        %get3A_339 = tpu.vector_load %arg13[%get3A_336, %get3A_337, %get3A_338] {strides = array<i32>} : memref<2x320x64xf32, #tpu.memory_space<vmem>>, vector<16xf32>,
        %add3A_340 = arith.addf %get3A_330, %get3A_339 : vector<16xf32>
        %mul3A_341 = arith.constant 10 : i32
        %mul3A_342 = arith.muli %scan3A_198, %mul3A_341 : i32
        %add3A_343 = arith.constant 2 : i32
        %add3A_344 = arith.addi %mul3A_342, %add3A_343 : i32
        %get3A_345 = arith.constant 1 : i32
        %get3A_346 = arith.index_cast %get3A_345 : i32 to index
        %get3A_347 = arith.index_cast %add3A_344 : i32 to index
        %get3A_348 = arith.constant 16 : index
        %get3A_349 = tpu.vector_load %arg13[%get3A_346, %get3A_347, %get3A_348] {strides = array<i32>} : memref<2x320x64xf32, #tpu.memory_space<vmem>>, vector<16xf32>,
        %add3A_350 = arith.addf %add3A_340, %get3A_349 : vector<16xf32>
        %mul3A_351 = arith.constant 10 : i32
        %mul3A_352 = arith.muli %scan3A_198, %mul3A_351 : i32
        %add3A_353 = arith.constant 3 : i32
        %add3A_354 = arith.addi %mul3A_352, %add3A_353 : i32
        %get3A_355 = arith.constant 1 : i32
        %get3A_356 = arith.index_cast %get3A_355 : i32 to index
        %get3A_357 = arith.index_cast %add3A_354 : i32 to index
        %get3A_358 = arith.constant 16 : index
        %get3A_359 = tpu.vector_load %arg13[%get3A_356, %get3A_357, %get3A_358] {strides = array<i32>} : memref<2x320x64xf32, #tpu.memory_space<vmem>>, vector<16xf32>,
        %add3A_360 = arith.addf %add3A_350, %get3A_359 : vector<16xf32>
        %mul3A_361 = arith.constant 10 : i32
        %mul3A_362 = arith.muli %scan3A_198, %mul3A_361 : i32
        %add3A_363 = arith.constant 4 : i32
        %add3A_364 = arith.addi %mul3A_362, %add3A_363 : i32
        %get3A_365 = arith.constant 1 : i32
        %get3A_366 = arith.index_cast %get3A_365 : i32 to index
        %get3A_367 = arith.index_cast %add3A_364 : i32 to index
        %get3A_368 = arith.constant 16 : index
        %get3A_369 = tpu.vector_load %arg13[%get3A_366, %get3A_367, %get3A_368] {strides = array<i32>} : memref<2x320x64xf32, #tpu.memory_space<vmem>>, vector<16xf32>,
        %add3A_370 = arith.addf %add3A_360, %get3A_369 : vector<16xf32>
        %mul3A_371 = arith.constant 10 : i32
        %mul3A_372 = arith.muli %scan3A_198, %mul3A_371 : i32
        %add3A_373 = arith.constant 5 : i32
        %add3A_374 = arith.addi %mul3A_372, %add3A_373 : i32
        %get3A_375 = arith.constant 1 : i32
        %get3A_376 = arith.index_cast %get3A_375 : i32 to index
        %get3A_377 = arith.index_cast %add3A_374 : i32 to index
        %get3A_378 = arith.constant 16 : index
        %get3A_379 = tpu.vector_load %arg13[%get3A_376, %get3A_377, %get3A_378] {strides = array<i32>} : memref<2x320x64xf32, #tpu.memory_space<vmem>>, vector<16xf32>,
        %add3A_380 = arith.addf %add3A_370, %get3A_379 : vector<16xf32>
        %mul3A_381 = arith.constant 10 : i32
        %mul3A_382 = arith.muli %scan3A_198, %mul3A_381 : i32
        %add3A_383 = arith.constant 6 : i32
        %add3A_384 = arith.addi %mul3A_382, %add3A_383 : i32
        %get3A_385 = arith.constant 1 : i32
        %get3A_386 = arith.index_cast %get3A_385 : i32 to index
        %get3A_387 = arith.index_cast %add3A_384 : i32 to index
        %get3A_388 = arith.constant 16 : index
        %get3A_389 = tpu.vector_load %arg13[%get3A_386, %get3A_387, %get3A_388] {strides = array<i32>} : memref<2x320x64xf32, #tpu.memory_space<vmem>>, vector<16xf32>,
        %add3A_390 = arith.addf %add3A_380, %get3A_389 : vector<16xf32>
        %mul3A_391 = arith.constant 10 : i32
        %mul3A_392 = arith.muli %scan3A_198, %mul3A_391 : i32
        %add3A_393 = arith.constant 7 : i32
        %add3A_394 = arith.addi %mul3A_392, %add3A_393 : i32
        %get3A_395 = arith.constant 1 : i32
        %get3A_396 = arith.index_cast %get3A_395 : i32 to index
        %get3A_397 = arith.index_cast %add3A_394 : i32 to index
        %get3A_398 = arith.constant 16 : index
        %get3A_399 = tpu.vector_load %arg13[%get3A_396, %get3A_397, %get3A_398] {strides = array<i32>} : memref<2x320x64xf32, #tpu.memory_space<vmem>>, vector<16xf32>,
        %add3A_400 = arith.addf %add3A_390, %get3A_399 : vector<16xf32>
        %mul3A_401 = arith.constant 10 : i32
        %mul3A_402 = arith.muli %scan3A_198, %mul3A_401 : i32
        %add3A_403 = arith.constant 8 : i32
        %add3A_404 = arith.addi %mul3A_402, %add3A_403 : i32
        %get3A_405 = arith.constant 1 : i32
        %get3A_406 = arith.index_cast %get3A_405 : i32 to index
        %get3A_407 = arith.index_cast %add3A_404 : i32 to index
        %get3A_408 = arith.constant 16 : index
        %get3A_409 = tpu.vector_load %arg13[%get3A_406, %get3A_407, %get3A_408] {strides = array<i32>} : memref<2x320x64xf32, #tpu.memory_space<vmem>>, vector<16xf32>,
        %add3A_410 = arith.addf %add3A_400, %get3A_409 : vector<16xf32>
        %mul3A_411 = arith.constant 10 : i32
        %mul3A_412 = arith.muli %scan3A_198, %mul3A_411 : i32
        %add3A_413 = arith.constant 9 : i32
        %add3A_414 = arith.addi %mul3A_412, %add3A_413 : i32
        %get3A_415 = arith.constant 1 : i32
        %get3A_416 = arith.index_cast %get3A_415 : i32 to index
        %get3A_417 = arith.index_cast %add3A_414 : i32 to index
        %get3A_418 = arith.constant 16 : index
        %get3A_419 = tpu.vector_load %arg13[%get3A_416, %get3A_417, %get3A_418] {strides = array<i32>} : memref<2x320x64xf32, #tpu.memory_space<vmem>>, vector<16xf32>,
        %add3A_420 = arith.addf %add3A_410, %get3A_419 : vector<16xf32>
        %mul3A_421 = arith.mulf %add3A_420, %div3A_218 : vector<16xf32>
        %mul3A_422 = arith.constant 10 : i32
        %mul3A_423 = arith.muli %scan3A_198, %mul3A_422 : i32
        %get3A_424 = arith.constant 1 : i32
        %get3A_425 = arith.index_cast %get3A_424 : i32 to index
        %get3A_426 = arith.index_cast %mul3A_423 : i32 to index
        %get3A_427 = arith.constant 32 : index
        %get3A_428 = tpu.vector_load %arg13[%get3A_425, %get3A_426, %get3A_427] {strides = array<i32>} : memref<2x320x64xf32, #tpu.memory_space<vmem>>, vector<16xf32>,
        %mul3A_429 = arith.constant 10 : i32
        %mul3A_430 = arith.muli %scan3A_198, %mul3A_429 : i32
        %add3A_431 = arith.constant 1 : i32
        %add3A_432 = arith.addi %mul3A_430, %add3A_431 : i32
        %get3A_433 = arith.constant 1 : i32
        %get3A_434 = arith.index_cast %get3A_433 : i32 to index
        %get3A_435 = arith.index_cast %add3A_432 : i32 to index
        %get3A_436 = arith.constant 32 : index
        %get3A_437 = tpu.vector_load %arg13[%get3A_434, %get3A_435, %get3A_436] {strides = array<i32>} : memref<2x320x64xf32, #tpu.memory_space<vmem>>, vector<16xf32>,
        %add3A_438 = arith.addf %get3A_428, %get3A_437 : vector<16xf32>
        %mul3A_439 = arith.constant 10 : i32
        %mul3A_440 = arith.muli %scan3A_198, %mul3A_439 : i32
        %add3A_441 = arith.constant 2 : i32
        %add3A_442 = arith.addi %mul3A_440, %add3A_441 : i32
        %get3A_443 = arith.constant 1 : i32
        %get3A_444 = arith.index_cast %get3A_443 : i32 to index
        %get3A_445 = arith.index_cast %add3A_442 : i32 to index
        %get3A_446 = arith.constant 32 : index
        %get3A_447 = tpu.vector_load %arg13[%get3A_444, %get3A_445, %get3A_446] {strides = array<i32>} : memref<2x320x64xf32, #tpu.memory_space<vmem>>, vector<16xf32>,
        %add3A_448 = arith.addf %add3A_438, %get3A_447 : vector<16xf32>
        %mul3A_449 = arith.constant 10 : i32
        %mul3A_450 = arith.muli %scan3A_198, %mul3A_449 : i32
        %add3A_451 = arith.constant 3 : i32
        %add3A_452 = arith.addi %mul3A_450, %add3A_451 : i32
        %get3A_453 = arith.constant 1 : i32
        %get3A_454 = arith.index_cast %get3A_453 : i32 to index
        %get3A_455 = arith.index_cast %add3A_452 : i32 to index
        %get3A_456 = arith.constant 32 : index
        %get3A_457 = tpu.vector_load %arg13[%get3A_454, %get3A_455, %get3A_456] {strides = array<i32>} : memref<2x320x64xf32, #tpu.memory_space<vmem>>, vector<16xf32>,
        %add3A_458 = arith.addf %add3A_448, %get3A_457 : vector<16xf32>
        %mul3A_459 = arith.constant 10 : i32
        %mul3A_460 = arith.muli %scan3A_198, %mul3A_459 : i32
        %add3A_461 = arith.constant 4 : i32
        %add3A_462 = arith.addi %mul3A_460, %add3A_461 : i32
        %get3A_463 = arith.constant 1 : i32
        %get3A_464 = arith.index_cast %get3A_463 : i32 to index
        %get3A_465 = arith.index_cast %add3A_462 : i32 to index
        %get3A_466 = arith.constant 32 : index
        %get3A_467 = tpu.vector_load %arg13[%get3A_464, %get3A_465, %get3A_466] {strides = array<i32>} : memref<2x320x64xf32, #tpu.memory_space<vmem>>, vector<16xf32>,
        %add3A_468 = arith.addf %add3A_458, %get3A_467 : vector<16xf32>
        %mul3A_469 = arith.constant 10 : i32
        %mul3A_470 = arith.muli %scan3A_198, %mul3A_469 : i32
        %add3A_471 = arith.constant 5 : i32
        %add3A_472 = arith.addi %mul3A_470, %add3A_471 : i32
        %get3A_473 = arith.constant 1 : i32
        %get3A_474 = arith.index_cast %get3A_473 : i32 to index
        %get3A_475 = arith.index_cast %add3A_472 : i32 to index
        %get3A_476 = arith.constant 32 : index
        %get3A_477 = tpu.vector_load %arg13[%get3A_474, %get3A_475, %get3A_476] {strides = array<i32>} : memref<2x320x64xf32, #tpu.memory_space<vmem>>, vector<16xf32>,
        %add3A_478 = arith.addf %add3A_468, %get3A_477 : vector<16xf32>
        %mul3A_479 = arith.constant 10 : i32
        %mul3A_480 = arith.muli %scan3A_198, %mul3A_479 : i32
        %add3A_481 = arith.constant 6 : i32
        %add3A_482 = arith.addi %mul3A_480, %add3A_481 : i32
        %get3A_483 = arith.constant 1 : i32
        %get3A_484 = arith.index_cast %get3A_483 : i32 to index
        %get3A_485 = arith.index_cast %add3A_482 : i32 to index
        %get3A_486 = arith.constant 32 : index
        %get3A_487 = tpu.vector_load %arg13[%get3A_484, %get3A_485, %get3A_486] {strides = array<i32>} : memref<2x320x64xf32, #tpu.memory_space<vmem>>, vector<16xf32>,
        %add3A_488 = arith.addf %add3A_478, %get3A_487 : vector<16xf32>
        %mul3A_489 = arith.constant 10 : i32
        %mul3A_490 = arith.muli %scan3A_198, %mul3A_489 : i32
        %add3A_491 = arith.constant 7 : i32
        %add3A_492 = arith.addi %mul3A_490, %add3A_491 : i32
        %get3A_493 = arith.constant 1 : i32
        %get3A_494 = arith.index_cast %get3A_493 : i32 to index
        %get3A_495 = arith.index_cast %add3A_492 : i32 to index
        %get3A_496 = arith.constant 32 : index
        %get3A_497 = tpu.vector_load %arg13[%get3A_494, %get3A_495, %get3A_496] {strides = array<i32>} : memref<2x320x64xf32, #tpu.memory_space<vmem>>, vector<16xf32>,
        %add3A_498 = arith.addf %add3A_488, %get3A_497 : vector<16xf32>
        %mul3A_499 = arith.constant 10 : i32
        %mul3A_500 = arith.muli %scan3A_198, %mul3A_499 : i32
        %add3A_501 = arith.constant 8 : i32
        %add3A_502 = arith.addi %mul3A_500, %add3A_501 : i32
        %get3A_503 = arith.constant 1 : i32
        %get3A_504 = arith.index_cast %get3A_503 : i32 to index
        %get3A_505 = arith.index_cast %add3A_502 : i32 to index
        %get3A_506 = arith.constant 32 : index
        %get3A_507 = tpu.vector_load %arg13[%get3A_504, %get3A_505, %get3A_506] {strides = array<i32>} : memref<2x320x64xf32, #tpu.memory_space<vmem>>, vector<16xf32>,
        %add3A_508 = arith.addf %add3A_498, %get3A_507 : vector<16xf32>
        %mul3A_509 = arith.constant 10 : i32
        %mul3A_510 = arith.muli %scan3A_198, %mul3A_509 : i32
        %add3A_511 = arith.constant 9 : i32
        %add3A_512 = arith.addi %mul3A_510, %add3A_511 : i32
        %get3A_513 = arith.constant 1 : i32
        %get3A_514 = arith.index_cast %get3A_513 : i32 to index
        %get3A_515 = arith.index_cast %add3A_512 : i32 to index
        %get3A_516 = arith.constant 32 : index
        %get3A_517 = tpu.vector_load %arg13[%get3A_514, %get3A_515, %get3A_516] {strides = array<i32>} : memref<2x320x64xf32, #tpu.memory_space<vmem>>, vector<16xf32>,
        %add3A_518 = arith.addf %add3A_508, %get3A_517 : vector<16xf32>
        %mul3A_519 = arith.mulf %add3A_518, %div3A_218 : vector<16xf32>
        %mul3A_520 = arith.constant 10 : i32
        %mul3A_521 = arith.muli %scan3A_198, %mul3A_520 : i32
        %get3A_522 = arith.constant 1 : i32
        %get3A_523 = arith.index_cast %get3A_522 : i32 to index
        %get3A_524 = arith.index_cast %mul3A_521 : i32 to index
        %get3A_525 = arith.constant 48 : index
        %get3A_526 = tpu.vector_load %arg13[%get3A_523, %get3A_524, %get3A_525] {strides = array<i32>} : memref<2x320x64xf32, #tpu.memory_space<vmem>>, vector<16xf32>,
        %mul3A_527 = arith.constant 10 : i32
        %mul3A_528 = arith.muli %scan3A_198, %mul3A_527 : i32
        %add3A_529 = arith.constant 1 : i32
        %add3A_530 = arith.addi %mul3A_528, %add3A_529 : i32
        %get3A_531 = arith.constant 1 : i32
        %get3A_532 = arith.index_cast %get3A_531 : i32 to index
        %get3A_533 = arith.index_cast %add3A_530 : i32 to index
        %get3A_534 = arith.constant 48 : index
        %get3A_535 = tpu.vector_load %arg13[%get3A_532, %get3A_533, %get3A_534] {strides = array<i32>} : memref<2x320x64xf32, #tpu.memory_space<vmem>>, vector<16xf32>,
        %add3A_536 = arith.addf %get3A_526, %get3A_535 : vector<16xf32>
        %mul3A_537 = arith.constant 10 : i32
        %mul3A_538 = arith.muli %scan3A_198, %mul3A_537 : i32
        %add3A_539 = arith.constant 2 : i32
        %add3A_540 = arith.addi %mul3A_538, %add3A_539 : i32
        %get3A_541 = arith.constant 1 : i32
        %get3A_542 = arith.index_cast %get3A_541 : i32 to index
        %get3A_543 = arith.index_cast %add3A_540 : i32 to index
        %get3A_544 = arith.constant 48 : index
        %get3A_545 = tpu.vector_load %arg13[%get3A_542, %get3A_543, %get3A_544] {strides = array<i32>} : memref<2x320x64xf32, #tpu.memory_space<vmem>>, vector<16xf32>,
        %add3A_546 = arith.addf %add3A_536, %get3A_545 : vector<16xf32>
        %mul3A_547 = arith.constant 10 : i32
        %mul3A_548 = arith.muli %scan3A_198, %mul3A_547 : i32
        %add3A_549 = arith.constant 3 : i32
        %add3A_550 = arith.addi %mul3A_548, %add3A_549 : i32
        %get3A_551 = arith.constant 1 : i32
        %get3A_552 = arith.index_cast %get3A_551 : i32 to index
        %get3A_553 = arith.index_cast %add3A_550 : i32 to index
        %get3A_554 = arith.constant 48 : index
        %get3A_555 = tpu.vector_load %arg13[%get3A_552, %get3A_553, %get3A_554] {strides = array<i32>} : memref<2x320x64xf32, #tpu.memory_space<vmem>>, vector<16xf32>,
        %add3A_556 = arith.addf %add3A_546, %get3A_555 : vector<16xf32>
        %mul3A_557 = arith.constant 10 : i32
        %mul3A_558 = arith.muli %scan3A_198, %mul3A_557 : i32
        %add3A_559 = arith.constant 4 : i32
        %add3A_560 = arith.addi %mul3A_558, %add3A_559 : i32
        %get3A_561 = arith.constant 1 : i32
        %get3A_562 = arith.index_cast %get3A_561 : i32 to index
        %get3A_563 = arith.index_cast %add3A_560 : i32 to index
        %get3A_564 = arith.constant 48 : index
        %get3A_565 = tpu.vector_load %arg13[%get3A_562, %get3A_563, %get3A_564] {strides = array<i32>} : memref<2x320x64xf32, #tpu.memory_space<vmem>>, vector<16xf32>,
        %add3A_566 = arith.addf %add3A_556, %get3A_565 : vector<16xf32>
        %mul3A_567 = arith.constant 10 : i32
        %mul3A_568 = arith.muli %scan3A_198, %mul3A_567 : i32
        %add3A_569 = arith.constant 5 : i32
        %add3A_570 = arith.addi %mul3A_568, %add3A_569 : i32
        %get3A_571 = arith.constant 1 : i32
        %get3A_572 = arith.index_cast %get3A_571 : i32 to index
        %get3A_573 = arith.index_cast %add3A_570 : i32 to index
        %get3A_574 = arith.constant 48 : index
        %get3A_575 = tpu.vector_load %arg13[%get3A_572, %get3A_573, %get3A_574] {strides = array<i32>} : memref<2x320x64xf32, #tpu.memory_space<vmem>>, vector<16xf32>,
        %add3A_576 = arith.addf %add3A_566, %get3A_575 : vector<16xf32>
        %mul3A_577 = arith.constant 10 : i32
        %mul3A_578 = arith.muli %scan3A_198, %mul3A_577 : i32
        %add3A_579 = arith.constant 6 : i32
        %add3A_580 = arith.addi %mul3A_578, %add3A_579 : i32
        %get3A_581 = arith.constant 1 : i32
        %get3A_582 = arith.index_cast %get3A_581 : i32 to index
        %get3A_583 = arith.index_cast %add3A_580 : i32 to index
        %get3A_584 = arith.constant 48 : index
        %get3A_585 = tpu.vector_load %arg13[%get3A_582, %get3A_583, %get3A_584] {strides = array<i32>} : memref<2x320x64xf32, #tpu.memory_space<vmem>>, vector<16xf32>,
        %add3A_586 = arith.addf %add3A_576, %get3A_585 : vector<16xf32>
        %mul3A_587 = arith.constant 10 : i32
        %mul3A_588 = arith.muli %scan3A_198, %mul3A_587 : i32
        %add3A_589 = arith.constant 7 : i32
        %add3A_590 = arith.addi %mul3A_588, %add3A_589 : i32
        %get3A_591 = arith.constant 1 : i32
        %get3A_592 = arith.index_cast %get3A_591 : i32 to index
        %get3A_593 = arith.index_cast %add3A_590 : i32 to index
        %get3A_594 = arith.constant 48 : index
        %get3A_595 = tpu.vector_load %arg13[%get3A_592, %get3A_593, %get3A_594] {strides = array<i32>} : memref<2x320x64xf32, #tpu.memory_space<vmem>>, vector<16xf32>,
        %add3A_596 = arith.addf %add3A_586, %get3A_595 : vector<16xf32>
        %mul3A_597 = arith.constant 10 : i32
        %mul3A_598 = arith.muli %scan3A_198, %mul3A_597 : i32
        %add3A_599 = arith.constant 8 : i32
        %add3A_600 = arith.addi %mul3A_598, %add3A_599 : i32
        %get3A_601 = arith.constant 1 : i32
        %get3A_602 = arith.index_cast %get3A_601 : i32 to index
        %get3A_603 = arith.index_cast %add3A_600 : i32 to index
        %get3A_604 = arith.constant 48 : index
        %get3A_605 = tpu.vector_load %arg13[%get3A_602, %get3A_603, %get3A_604] {strides = array<i32>} : memref<2x320x64xf32, #tpu.memory_space<vmem>>, vector<16xf32>,
        %add3A_606 = arith.addf %add3A_596, %get3A_605 : vector<16xf32>
        %mul3A_607 = arith.constant 10 : i32
        %mul3A_608 = arith.muli %scan3A_198, %mul3A_607 : i32
        %add3A_609 = arith.constant 9 : i32
        %add3A_610 = arith.addi %mul3A_608, %add3A_609 : i32
        %get3A_611 = arith.constant 1 : i32
        %get3A_612 = arith.index_cast %get3A_611 : i32 to index
        %get3A_613 = arith.index_cast %add3A_610 : i32 to index
        %get3A_614 = arith.constant 48 : index
        %get3A_615 = tpu.vector_load %arg13[%get3A_612, %get3A_613, %get3A_614] {strides = array<i32>} : memref<2x320x64xf32, #tpu.memory_space<vmem>>, vector<16xf32>,
        %add3A_616 = arith.addf %add3A_606, %get3A_615 : vector<16xf32>
        %mul3A_617 = arith.mulf %add3A_616, %div3A_218 : vector<16xf32>
        %get3A_618 = arith.constant 1 : i32
        %get3A_619 = arith.index_cast %get3A_618 : i32 to index
        %get3A_620 = arith.index_cast %scan3A_198 : i32 to index
        %get3A_621 = arith.constant 0 : index
        %get3A_622 = tpu.vector_load %arg15[%get3A_619, %get3A_620, %get3A_621] {strides = array<i32>} : memref<2x32x64xf32, #tpu.memory_space<vmem>>, vector<16xf32>,
        %mul3A_623 = arith.mulf %mul3A_323, %get3A_622 : vector<16xf32>
        %get3A_624 = arith.constant 1 : i32
        %get3A_625 = arith.index_cast %get3A_624 : i32 to index
        %get3A_626 = arith.index_cast %scan3A_198 : i32 to index
        %get3A_627 = arith.constant 16 : index
        %get3A_628 = tpu.vector_load %arg15[%get3A_625, %get3A_626, %get3A_627] {strides = array<i32>} : memref<2x32x64xf32, #tpu.memory_space<vmem>>, vector<16xf32>,
        %mul3A_629 = arith.mulf %mul3A_421, %get3A_628 : vector<16xf32>
        %add3A_630 = arith.addf %mul3A_623, %mul3A_629 : vector<16xf32>
        %get3A_631 = arith.constant 1 : i32
        %get3A_632 = arith.index_cast %get3A_631 : i32 to index
        %get3A_633 = arith.index_cast %scan3A_198 : i32 to index
        %get3A_634 = arith.constant 32 : index
        %get3A_635 = tpu.vector_load %arg15[%get3A_632, %get3A_633, %get3A_634] {strides = array<i32>} : memref<2x32x64xf32, #tpu.memory_space<vmem>>, vector<16xf32>,
        %mul3A_636 = arith.mulf %mul3A_519, %get3A_635 : vector<16xf32>
        %add3A_637 = arith.addf %add3A_630, %mul3A_636 : vector<16xf32>
        %get3A_638 = arith.constant 1 : i32
        %get3A_639 = arith.index_cast %get3A_638 : i32 to index
        %get3A_640 = arith.index_cast %scan3A_198 : i32 to index
        %get3A_641 = arith.constant 48 : index
        %get3A_642 = tpu.vector_load %arg15[%get3A_639, %get3A_640, %get3A_641] {strides = array<i32>} : memref<2x32x64xf32, #tpu.memory_space<vmem>>, vector<16xf32>,
        %mul3A_643 = arith.mulf %mul3A_617, %get3A_642 : vector<16xf32>
        %add3A_644 = arith.addf %add3A_637, %mul3A_643 : vector<16xf32>
        %reduce_sum3A_645 = arith.constant true
        %reduce_sum3A_646 = vector.broadcast %reduce_sum3A_645 : i1 to vector<16xi1>
        %reduce_sum3A_647 = tpu.scan <sum>, %add3A_644 masked %reduce_sum3A_646 : vector<16xf32>, vector<16xi1> -> vector<16xf32>
        %reduce_sum3A_648 = vector.extract %reduce_sum3A_647[15] : f32 from vector<16xf32>
        %neg3A = arith.constant 0.000000e+00 : f32
        %neg3A_649 = arith.subf %neg3A, %reduce_sum3A_648 : f32
        %broadcast_in_dim3A_650 = vector.broadcast %neg3A_649 : f32 to vector<16xf32>
        %exp3A = math.exp %broadcast_in_dim3A_650 : vector<16xf32>
        %add3A_651 = arith.constant 1.000000e+00 : f32
        %add3A_652 = vector.broadcast %add3A_651 : f32 to vector<16xf32>
        %add3A_653 = arith.addf %add3A_652, %exp3A : vector<16xf32>
        %div3A_654 = arith.constant 1.000000e+00 : f32
        %div3A_655 = vector.broadcast %div3A_654 : f32 to vector<16xf32>
        %div3A_656 = arith.divf %div3A_655, %add3A_653 : vector<16xf32>
        %sub3A = arith.constant 1.000000e+00 : f32
        %sub3A_657 = vector.broadcast %sub3A : f32 to vector<16xf32>
        %sub3A_658 = arith.subf %sub3A_657, %div3A_656 : vector<16xf32>
        %jit3A_659 = arith.constant 0.000000e+00 : f32
        %broadcast_in_dim3A_660 = vector.broadcast %jit3A_659 : f32 to vector<16xf32>
        %select_n3A_661 = arith.select %eq3A_171, %sub3A_658, %broadcast_in_dim3A_660 : vector<16xi1>, vector<16xf32>
        %mul3A_662 = arith.mulf %select_n3A_661, %select_n3A_661 : vector<16xf32>
        %add3A_663 = arith.addf %scan3A_199, %mul3A_662 : vector<16xf32>
        %broadcast_in_dim3A_664 = arith.constant 0.000000e+00 : f32
        %broadcast_in_dim3A_665 = vector.broadcast %broadcast_in_dim3A_664 : f32 to vector<16xf32>
        %mul3A_666 = arith.constant 10 : i32
        %mul3A_667 = arith.muli %scan3A_198, %mul3A_666 : i32
        %add3A_668 = arith.constant 0 : i32
        %add3A_669 = arith.addi %mul3A_667, %add3A_668 : i32
        %get3A_670 = arith.constant 1 : i32
        %get3A_671 = arith.index_cast %get3A_670 : i32 to index
        %get3A_672 = arith.index_cast %add3A_669 : i32 to index
        %get3A_673 = arith.constant 0 : index
        %get3A_674 = tpu.vector_load %arg14[%get3A_671, %get3A_672, %get3A_673] {strides = array<i32>} : memref<2x320x64xf32, #tpu.memory_space<vmem>>, vector<16xf32>,
        %mul3A_675 = arith.mulf %mul3A_323, %get3A_674 : vector<16xf32>
        %mul3A_676 = arith.constant 10 : i32
        %mul3A_677 = arith.muli %scan3A_198, %mul3A_676 : i32
        %add3A_678 = arith.constant 0 : i32
        %add3A_679 = arith.addi %mul3A_677, %add3A_678 : i32
        %get3A_680 = arith.constant 1 : i32
        %get3A_681 = arith.index_cast %get3A_680 : i32 to index
        %get3A_682 = arith.index_cast %add3A_679 : i32 to index
        %get3A_683 = arith.constant 16 : index
        %get3A_684 = tpu.vector_load %arg14[%get3A_681, %get3A_682, %get3A_683] {strides = array<i32>} : memref<2x320x64xf32, #tpu.memory_space<vmem>>, vector<16xf32>,
        %mul3A_685 = arith.mulf %mul3A_421, %get3A_684 : vector<16xf32>
        %add3A_686 = arith.addf %mul3A_675, %mul3A_685 : vector<16xf32>
        %mul3A_687 = arith.constant 10 : i32
        %mul3A_688 = arith.muli %scan3A_198, %mul3A_687 : i32
        %add3A_689 = arith.constant 0 : i32
        %add3A_690 = arith.addi %mul3A_688, %add3A_689 : i32
        %get3A_691 = arith.constant 1 : i32
        %get3A_692 = arith.index_cast %get3A_691 : i32 to index
        %get3A_693 = arith.index_cast %add3A_690 : i32 to index
        %get3A_694 = arith.constant 32 : index
        %get3A_695 = tpu.vector_load %arg14[%get3A_692, %get3A_693, %get3A_694] {strides = array<i32>} : memref<2x320x64xf32, #tpu.memory_space<vmem>>, vector<16xf32>,
        %mul3A_696 = arith.mulf %mul3A_519, %get3A_695 : vector<16xf32>
        %add3A_697 = arith.addf %add3A_686, %mul3A_696 : vector<16xf32>
        %mul3A_698 = arith.constant 10 : i32
        %mul3A_699 = arith.muli %scan3A_198, %mul3A_698 : i32
        %add3A_700 = arith.constant 0 : i32
        %add3A_701 = arith.addi %mul3A_699, %add3A_700 : i32
        %get3A_702 = arith.constant 1 : i32
        %get3A_703 = arith.index_cast %get3A_702 : i32 to index
        %get3A_704 = arith.index_cast %add3A_701 : i32 to index
        %get3A_705 = arith.constant 48 : index
        %get3A_706 = tpu.vector_load %arg14[%get3A_703, %get3A_704, %get3A_705] {strides = array<i32>} : memref<2x320x64xf32, #tpu.memory_space<vmem>>, vector<16xf32>,
        %mul3A_707 = arith.mulf %mul3A_617, %get3A_706 : vector<16xf32>
        %add3A_708 = arith.addf %add3A_697, %mul3A_707 : vector<16xf32>
        %reduce_sum3A_709 = arith.constant true
        %reduce_sum3A_710 = vector.broadcast %reduce_sum3A_709 : i1 to vector<16xi1>
        %reduce_sum3A_711 = tpu.scan <sum>, %add3A_708 masked %reduce_sum3A_710 : vector<16xf32>, vector<16xi1> -> vector<16xf32>
        %reduce_sum3A_712 = vector.extract %reduce_sum3A_711[15] : f32 from vector<16xf32>
        %eq3A_713 = arith.constant 6 : i32
        %eq3A_714 = vector.broadcast %eq3A_713 : i32 to vector<16xi32>
        %eq3A_715 = arith.cmpi eq, %iota3A, %eq3A_714 : vector<16xi32>
        %broadcast_in_dim3A_716 = vector.broadcast %reduce_sum3A_712 : f32 to vector<16xf32>
        %select_n3A_717 = arith.select %eq3A_715, %broadcast_in_dim3A_716, %broadcast_in_dim3A_665 : vector<16xi1>, vector<16xf32>
        %mul3A_718 = arith.constant 10 : i32
        %mul3A_719 = arith.muli %scan3A_198, %mul3A_718 : i32
        %add3A_720 = arith.constant 1 : i32
        %add3A_721 = arith.addi %mul3A_719, %add3A_720 : i32
        %get3A_722 = arith.constant 1 : i32
        %get3A_723 = arith.index_cast %get3A_722 : i32 to index
        %get3A_724 = arith.index_cast %add3A_721 : i32 to index
        %get3A_725 = arith.constant 0 : index
        %get3A_726 = tpu.vector_load %arg14[%get3A_723, %get3A_724, %get3A_725] {strides = array<i32>} : memref<2x320x64xf32, #tpu.memory_space<vmem>>, vector<16xf32>,
        %mul3A_727 = arith.mulf %mul3A_323, %get3A_726 : vector<16xf32>
        %mul3A_728 = arith.constant 10 : i32
        %mul3A_729 = arith.muli %scan3A_198, %mul3A_728 : i32
        %add3A_730 = arith.constant 1 : i32
        %add3A_731 = arith.addi %mul3A_729, %add3A_730 : i32
        %get3A_732 = arith.constant 1 : i32
        %get3A_733 = arith.index_cast %get3A_732 : i32 to index
        %get3A_734 = arith.index_cast %add3A_731 : i32 to index
        %get3A_735 = arith.constant 16 : index
        %get3A_736 = tpu.vector_load %arg14[%get3A_733, %get3A_734, %get3A_735] {strides = array<i32>} : memref<2x320x64xf32, #tpu.memory_space<vmem>>, vector<16xf32>,
        %mul3A_737 = arith.mulf %mul3A_421, %get3A_736 : vector<16xf32>
        %add3A_738 = arith.addf %mul3A_727, %mul3A_737 : vector<16xf32>
        %mul3A_739 = arith.constant 10 : i32
        %mul3A_740 = arith.muli %scan3A_198, %mul3A_739 : i32
        %add3A_741 = arith.constant 1 : i32
        %add3A_742 = arith.addi %mul3A_740, %add3A_741 : i32
        %get3A_743 = arith.constant 1 : i32
        %get3A_744 = arith.index_cast %get3A_743 : i32 to index
        %get3A_745 = arith.index_cast %add3A_742 : i32 to index
        %get3A_746 = arith.constant 32 : index
        %get3A_747 = tpu.vector_load %arg14[%get3A_744, %get3A_745, %get3A_746] {strides = array<i32>} : memref<2x320x64xf32, #tpu.memory_space<vmem>>, vector<16xf32>,
        %mul3A_748 = arith.mulf %mul3A_519, %get3A_747 : vector<16xf32>
        %add3A_749 = arith.addf %add3A_738, %mul3A_748 : vector<16xf32>
        %mul3A_750 = arith.constant 10 : i32
        %mul3A_751 = arith.muli %scan3A_198, %mul3A_750 : i32
        %add3A_752 = arith.constant 1 : i32
        %add3A_753 = arith.addi %mul3A_751, %add3A_752 : i32
        %get3A_754 = arith.constant 1 : i32
        %get3A_755 = arith.index_cast %get3A_754 : i32 to index
        %get3A_756 = arith.index_cast %add3A_753 : i32 to index
        %get3A_757 = arith.constant 48 : index
        %get3A_758 = tpu.vector_load %arg14[%get3A_755, %get3A_756, %get3A_757] {strides = array<i32>} : memref<2x320x64xf32, #tpu.memory_space<vmem>>, vector<16xf32>,
        %mul3A_759 = arith.mulf %mul3A_617, %get3A_758 : vector<16xf32>
        %add3A_760 = arith.addf %add3A_749, %mul3A_759 : vector<16xf32>
        %reduce_sum3A_761 = arith.constant true
        %reduce_sum3A_762 = vector.broadcast %reduce_sum3A_761 : i1 to vector<16xi1>
        %reduce_sum3A_763 = tpu.scan <sum>, %add3A_760 masked %reduce_sum3A_762 : vector<16xf32>, vector<16xi1> -> vector<16xf32>
        %reduce_sum3A_764 = vector.extract %reduce_sum3A_763[15] : f32 from vector<16xf32>
        %eq3A_765 = arith.constant 7 : i32
        %eq3A_766 = vector.broadcast %eq3A_765 : i32 to vector<16xi32>
        %eq3A_767 = arith.cmpi eq, %iota3A, %eq3A_766 : vector<16xi32>
        %broadcast_in_dim3A_768 = vector.broadcast %reduce_sum3A_764 : f32 to vector<16xf32>
        %select_n3A_769 = arith.select %eq3A_767, %broadcast_in_dim3A_768, %select_n3A_717 : vector<16xi1>, vector<16xf32>
        %mul3A_770 = arith.constant 10 : i32
        %mul3A_771 = arith.muli %scan3A_198, %mul3A_770 : i32
        %add3A_772 = arith.constant 2 : i32
        %add3A_773 = arith.addi %mul3A_771, %add3A_772 : i32
        %get3A_774 = arith.constant 1 : i32
        %get3A_775 = arith.index_cast %get3A_774 : i32 to index
        %get3A_776 = arith.index_cast %add3A_773 : i32 to index
        %get3A_777 = arith.constant 0 : index
        %get3A_778 = tpu.vector_load %arg14[%get3A_775, %get3A_776, %get3A_777] {strides = array<i32>} : memref<2x320x64xf32, #tpu.memory_space<vmem>>, vector<16xf32>,
        %mul3A_779 = arith.mulf %mul3A_323, %get3A_778 : vector<16xf32>
        %mul3A_780 = arith.constant 10 : i32
        %mul3A_781 = arith.muli %scan3A_198, %mul3A_780 : i32
        %add3A_782 = arith.constant 2 : i32
        %add3A_783 = arith.addi %mul3A_781, %add3A_782 : i32
        %get3A_784 = arith.constant 1 : i32
        %get3A_785 = arith.index_cast %get3A_784 : i32 to index
        %get3A_786 = arith.index_cast %add3A_783 : i32 to index
        %get3A_787 = arith.constant 16 : index
        %get3A_788 = tpu.vector_load %arg14[%get3A_785, %get3A_786, %get3A_787] {strides = array<i32>} : memref<2x320x64xf32, #tpu.memory_space<vmem>>, vector<16xf32>,
        %mul3A_789 = arith.mulf %mul3A_421, %get3A_788 : vector<16xf32>
        %add3A_790 = arith.addf %mul3A_779, %mul3A_789 : vector<16xf32>
        %mul3A_791 = arith.constant 10 : i32
        %mul3A_792 = arith.muli %scan3A_198, %mul3A_791 : i32
        %add3A_793 = arith.constant 2 : i32
        %add3A_794 = arith.addi %mul3A_792, %add3A_793 : i32
        %get3A_795 = arith.constant 1 : i32
        %get3A_796 = arith.index_cast %get3A_795 : i32 to index
        %get3A_797 = arith.index_cast %add3A_794 : i32 to index
        %get3A_798 = arith.constant 32 : index
        %get3A_799 = tpu.vector_load %arg14[%get3A_796, %get3A_797, %get3A_798] {strides = array<i32>} : memref<2x320x64xf32, #tpu.memory_space<vmem>>, vector<16xf32>,
        %mul3A_800 = arith.mulf %mul3A_519, %get3A_799 : vector<16xf32>
        %add3A_801 = arith.addf %add3A_790, %mul3A_800 : vector<16xf32>
        %mul3A_802 = arith.constant 10 : i32
        %mul3A_803 = arith.muli %scan3A_198, %mul3A_802 : i32
        %add3A_804 = arith.constant 2 : i32
        %add3A_805 = arith.addi %mul3A_803, %add3A_804 : i32
        %get3A_806 = arith.constant 1 : i32
        %get3A_807 = arith.index_cast %get3A_806 : i32 to index
        %get3A_808 = arith.index_cast %add3A_805 : i32 to index
        %get3A_809 = arith.constant 48 : index
        %get3A_810 = tpu.vector_load %arg14[%get3A_807, %get3A_808, %get3A_809] {strides = array<i32>} : memref<2x320x64xf32, #tpu.memory_space<vmem>>, vector<16xf32>,
        %mul3A_811 = arith.mulf %mul3A_617, %get3A_810 : vector<16xf32>
        %add3A_812 = arith.addf %add3A_801, %mul3A_811 : vector<16xf32>
        %reduce_sum3A_813 = arith.constant true
        %reduce_sum3A_814 = vector.broadcast %reduce_sum3A_813 : i1 to vector<16xi1>
        %reduce_sum3A_815 = tpu.scan <sum>, %add3A_812 masked %reduce_sum3A_814 : vector<16xf32>, vector<16xi1> -> vector<16xf32>
        %reduce_sum3A_816 = vector.extract %reduce_sum3A_815[15] : f32 from vector<16xf32>
        %eq3A_817 = arith.constant 8 : i32
        %eq3A_818 = vector.broadcast %eq3A_817 : i32 to vector<16xi32>
        %eq3A_819 = arith.cmpi eq, %iota3A, %eq3A_818 : vector<16xi32>
        %broadcast_in_dim3A_820 = vector.broadcast %reduce_sum3A_816 : f32 to vector<16xf32>
        %select_n3A_821 = arith.select %eq3A_819, %broadcast_in_dim3A_820, %select_n3A_769 : vector<16xi1>, vector<16xf32>
        %mul3A_822 = arith.constant 10 : i32
        %mul3A_823 = arith.muli %scan3A_198, %mul3A_822 : i32
        %add3A_824 = arith.constant 3 : i32
        %add3A_825 = arith.addi %mul3A_823, %add3A_824 : i32
        %get3A_826 = arith.constant 1 : i32
        %get3A_827 = arith.index_cast %get3A_826 : i32 to index
        %get3A_828 = arith.index_cast %add3A_825 : i32 to index
        %get3A_829 = arith.constant 0 : index
        %get3A_830 = tpu.vector_load %arg14[%get3A_827, %get3A_828, %get3A_829] {strides = array<i32>} : memref<2x320x64xf32, #tpu.memory_space<vmem>>, vector<16xf32>,
        %mul3A_831 = arith.mulf %mul3A_323, %get3A_830 : vector<16xf32>
        %mul3A_832 = arith.constant 10 : i32
        %mul3A_833 = arith.muli %scan3A_198, %mul3A_832 : i32
        %add3A_834 = arith.constant 3 : i32
        %add3A_835 = arith.addi %mul3A_833, %add3A_834 : i32
        %get3A_836 = arith.constant 1 : i32
        %get3A_837 = arith.index_cast %get3A_836 : i32 to index
        %get3A_838 = arith.index_cast %add3A_835 : i32 to index
        %get3A_839 = arith.constant 16 : index
        %get3A_840 = tpu.vector_load %arg14[%get3A_837, %get3A_838, %get3A_839] {strides = array<i32>} : memref<2x320x64xf32, #tpu.memory_space<vmem>>, vector<16xf32>,
        %mul3A_841 = arith.mulf %mul3A_421, %get3A_840 : vector<16xf32>
        %add3A_842 = arith.addf %mul3A_831, %mul3A_841 : vector<16xf32>
        %mul3A_843 = arith.constant 10 : i32
        %mul3A_844 = arith.muli %scan3A_198, %mul3A_843 : i32
        %add3A_845 = arith.constant 3 : i32
        %add3A_846 = arith.addi %mul3A_844, %add3A_845 : i32
        %get3A_847 = arith.constant 1 : i32
        %get3A_848 = arith.index_cast %get3A_847 : i32 to index
        %get3A_849 = arith.index_cast %add3A_846 : i32 to index
        %get3A_850 = arith.constant 32 : index
        %get3A_851 = tpu.vector_load %arg14[%get3A_848, %get3A_849, %get3A_850] {strides = array<i32>} : memref<2x320x64xf32, #tpu.memory_space<vmem>>, vector<16xf32>,
        %mul3A_852 = arith.mulf %mul3A_519, %get3A_851 : vector<16xf32>
        %add3A_853 = arith.addf %add3A_842, %mul3A_852 : vector<16xf32>
        %mul3A_854 = arith.constant 10 : i32
        %mul3A_855 = arith.muli %scan3A_198, %mul3A_854 : i32
        %add3A_856 = arith.constant 3 : i32
        %add3A_857 = arith.addi %mul3A_855, %add3A_856 : i32
        %get3A_858 = arith.constant 1 : i32
        %get3A_859 = arith.index_cast %get3A_858 : i32 to index
        %get3A_860 = arith.index_cast %add3A_857 : i32 to index
        %get3A_861 = arith.constant 48 : index
        %get3A_862 = tpu.vector_load %arg14[%get3A_859, %get3A_860, %get3A_861] {strides = array<i32>} : memref<2x320x64xf32, #tpu.memory_space<vmem>>, vector<16xf32>,
        %mul3A_863 = arith.mulf %mul3A_617, %get3A_862 : vector<16xf32>
        %add3A_864 = arith.addf %add3A_853, %mul3A_863 : vector<16xf32>
        %reduce_sum3A_865 = arith.constant true
        %reduce_sum3A_866 = vector.broadcast %reduce_sum3A_865 : i1 to vector<16xi1>
        %reduce_sum3A_867 = tpu.scan <sum>, %add3A_864 masked %reduce_sum3A_866 : vector<16xf32>, vector<16xi1> -> vector<16xf32>
        %reduce_sum3A_868 = vector.extract %reduce_sum3A_867[15] : f32 from vector<16xf32>
        %eq3A_869 = arith.constant 9 : i32
        %eq3A_870 = vector.broadcast %eq3A_869 : i32 to vector<16xi32>
        %eq3A_871 = arith.cmpi eq, %iota3A, %eq3A_870 : vector<16xi32>
        %broadcast_in_dim3A_872 = vector.broadcast %reduce_sum3A_868 : f32 to vector<16xf32>
        %select_n3A_873 = arith.select %eq3A_871, %broadcast_in_dim3A_872, %select_n3A_821 : vector<16xi1>, vector<16xf32>
        %mul3A_874 = arith.constant 10 : i32
        %mul3A_875 = arith.muli %scan3A_198, %mul3A_874 : i32
        %add3A_876 = arith.constant 4 : i32
        %add3A_877 = arith.addi %mul3A_875, %add3A_876 : i32
        %get3A_878 = arith.constant 1 : i32
        %get3A_879 = arith.index_cast %get3A_878 : i32 to index
        %get3A_880 = arith.index_cast %add3A_877 : i32 to index
        %get3A_881 = arith.constant 0 : index
        %get3A_882 = tpu.vector_load %arg14[%get3A_879, %get3A_880, %get3A_881] {strides = array<i32>} : memref<2x320x64xf32, #tpu.memory_space<vmem>>, vector<16xf32>,
        %mul3A_883 = arith.mulf %mul3A_323, %get3A_882 : vector<16xf32>
        %mul3A_884 = arith.constant 10 : i32
        %mul3A_885 = arith.muli %scan3A_198, %mul3A_884 : i32
        %add3A_886 = arith.constant 4 : i32
        %add3A_887 = arith.addi %mul3A_885, %add3A_886 : i32
        %get3A_888 = arith.constant 1 : i32
        %get3A_889 = arith.index_cast %get3A_888 : i32 to index
        %get3A_890 = arith.index_cast %add3A_887 : i32 to index
        %get3A_891 = arith.constant 16 : index
        %get3A_892 = tpu.vector_load %arg14[%get3A_889, %get3A_890, %get3A_891] {strides = array<i32>} : memref<2x320x64xf32, #tpu.memory_space<vmem>>, vector<16xf32>,
        %mul3A_893 = arith.mulf %mul3A_421, %get3A_892 : vector<16xf32>
        %add3A_894 = arith.addf %mul3A_883, %mul3A_893 : vector<16xf32>
        %mul3A_895 = arith.constant 10 : i32
        %mul3A_896 = arith.muli %scan3A_198, %mul3A_895 : i32
        %add3A_897 = arith.constant 4 : i32
        %add3A_898 = arith.addi %mul3A_896, %add3A_897 : i32
        %get3A_899 = arith.constant 1 : i32
        %get3A_900 = arith.index_cast %get3A_899 : i32 to index
        %get3A_901 = arith.index_cast %add3A_898 : i32 to index
        %get3A_902 = arith.constant 32 : index
        %get3A_903 = tpu.vector_load %arg14[%get3A_900, %get3A_901, %get3A_902] {strides = array<i32>} : memref<2x320x64xf32, #tpu.memory_space<vmem>>, vector<16xf32>,
        %mul3A_904 = arith.mulf %mul3A_519, %get3A_903 : vector<16xf32>
        %add3A_905 = arith.addf %add3A_894, %mul3A_904 : vector<16xf32>
        %mul3A_906 = arith.constant 10 : i32
        %mul3A_907 = arith.muli %scan3A_198, %mul3A_906 : i32
        %add3A_908 = arith.constant 4 : i32
        %add3A_909 = arith.addi %mul3A_907, %add3A_908 : i32
        %get3A_910 = arith.constant 1 : i32
        %get3A_911 = arith.index_cast %get3A_910 : i32 to index
        %get3A_912 = arith.index_cast %add3A_909 : i32 to index
        %get3A_913 = arith.constant 48 : index
        %get3A_914 = tpu.vector_load %arg14[%get3A_911, %get3A_912, %get3A_913] {strides = array<i32>} : memref<2x320x64xf32, #tpu.memory_space<vmem>>, vector<16xf32>,
        %mul3A_915 = arith.mulf %mul3A_617, %get3A_914 : vector<16xf32>
        %add3A_916 = arith.addf %add3A_905, %mul3A_915 : vector<16xf32>
        %reduce_sum3A_917 = arith.constant true
        %reduce_sum3A_918 = vector.broadcast %reduce_sum3A_917 : i1 to vector<16xi1>
        %reduce_sum3A_919 = tpu.scan <sum>, %add3A_916 masked %reduce_sum3A_918 : vector<16xf32>, vector<16xi1> -> vector<16xf32>
        %reduce_sum3A_920 = vector.extract %reduce_sum3A_919[15] : f32 from vector<16xf32>
        %eq3A_921 = arith.constant 10 : i32
        %eq3A_922 = vector.broadcast %eq3A_921 : i32 to vector<16xi32>
        %eq3A_923 = arith.cmpi eq, %iota3A, %eq3A_922 : vector<16xi32>
        %broadcast_in_dim3A_924 = vector.broadcast %reduce_sum3A_920 : f32 to vector<16xf32>
        %select_n3A_925 = arith.select %eq3A_923, %broadcast_in_dim3A_924, %select_n3A_873 : vector<16xi1>, vector<16xf32>
        %mul3A_926 = arith.constant 10 : i32
        %mul3A_927 = arith.muli %scan3A_198, %mul3A_926 : i32
        %add3A_928 = arith.constant 5 : i32
        %add3A_929 = arith.addi %mul3A_927, %add3A_928 : i32
        %get3A_930 = arith.constant 1 : i32
        %get3A_931 = arith.index_cast %get3A_930 : i32 to index
        %get3A_932 = arith.index_cast %add3A_929 : i32 to index
        %get3A_933 = arith.constant 0 : index
        %get3A_934 = tpu.vector_load %arg14[%get3A_931, %get3A_932, %get3A_933] {strides = array<i32>} : memref<2x320x64xf32, #tpu.memory_space<vmem>>, vector<16xf32>,
        %mul3A_935 = arith.mulf %mul3A_323, %get3A_934 : vector<16xf32>
        %mul3A_936 = arith.constant 10 : i32
        %mul3A_937 = arith.muli %scan3A_198, %mul3A_936 : i32
        %add3A_938 = arith.constant 5 : i32
        %add3A_939 = arith.addi %mul3A_937, %add3A_938 : i32
        %get3A_940 = arith.constant 1 : i32
        %get3A_941 = arith.index_cast %get3A_940 : i32 to index
        %get3A_942 = arith.index_cast %add3A_939 : i32 to index
        %get3A_943 = arith.constant 16 : index
        %get3A_944 = tpu.vector_load %arg14[%get3A_941, %get3A_942, %get3A_943] {strides = array<i32>} : memref<2x320x64xf32, #tpu.memory_space<vmem>>, vector<16xf32>,
        %mul3A_945 = arith.mulf %mul3A_421, %get3A_944 : vector<16xf32>
        %add3A_946 = arith.addf %mul3A_935, %mul3A_945 : vector<16xf32>
        %mul3A_947 = arith.constant 10 : i32
        %mul3A_948 = arith.muli %scan3A_198, %mul3A_947 : i32
        %add3A_949 = arith.constant 5 : i32
        %add3A_950 = arith.addi %mul3A_948, %add3A_949 : i32
        %get3A_951 = arith.constant 1 : i32
        %get3A_952 = arith.index_cast %get3A_951 : i32 to index
        %get3A_953 = arith.index_cast %add3A_950 : i32 to index
        %get3A_954 = arith.constant 32 : index
        %get3A_955 = tpu.vector_load %arg14[%get3A_952, %get3A_953, %get3A_954] {strides = array<i32>} : memref<2x320x64xf32, #tpu.memory_space<vmem>>, vector<16xf32>,
        %mul3A_956 = arith.mulf %mul3A_519, %get3A_955 : vector<16xf32>
        %add3A_957 = arith.addf %add3A_946, %mul3A_956 : vector<16xf32>
        %mul3A_958 = arith.constant 10 : i32
        %mul3A_959 = arith.muli %scan3A_198, %mul3A_958 : i32
        %add3A_960 = arith.constant 5 : i32
        %add3A_961 = arith.addi %mul3A_959, %add3A_960 : i32
        %get3A_962 = arith.constant 1 : i32
        %get3A_963 = arith.index_cast %get3A_962 : i32 to index
        %get3A_964 = arith.index_cast %add3A_961 : i32 to index
        %get3A_965 = arith.constant 48 : index
        %get3A_966 = tpu.vector_load %arg14[%get3A_963, %get3A_964, %get3A_965] {strides = array<i32>} : memref<2x320x64xf32, #tpu.memory_space<vmem>>, vector<16xf32>,
        %mul3A_967 = arith.mulf %mul3A_617, %get3A_966 : vector<16xf32>
        %add3A_968 = arith.addf %add3A_957, %mul3A_967 : vector<16xf32>
        %reduce_sum3A_969 = arith.constant true
        %reduce_sum3A_970 = vector.broadcast %reduce_sum3A_969 : i1 to vector<16xi1>
        %reduce_sum3A_971 = tpu.scan <sum>, %add3A_968 masked %reduce_sum3A_970 : vector<16xf32>, vector<16xi1> -> vector<16xf32>
        %reduce_sum3A_972 = vector.extract %reduce_sum3A_971[15] : f32 from vector<16xf32>
        %eq3A_973 = arith.constant 11 : i32
        %eq3A_974 = vector.broadcast %eq3A_973 : i32 to vector<16xi32>
        %eq3A_975 = arith.cmpi eq, %iota3A, %eq3A_974 : vector<16xi32>
        %broadcast_in_dim3A_976 = vector.broadcast %reduce_sum3A_972 : f32 to vector<16xf32>
        %select_n3A_977 = arith.select %eq3A_975, %broadcast_in_dim3A_976, %select_n3A_925 : vector<16xi1>, vector<16xf32>
        %mul3A_978 = arith.constant 10 : i32
        %mul3A_979 = arith.muli %scan3A_198, %mul3A_978 : i32
        %add3A_980 = arith.constant 6 : i32
        %add3A_981 = arith.addi %mul3A_979, %add3A_980 : i32
        %get3A_982 = arith.constant 1 : i32
        %get3A_983 = arith.index_cast %get3A_982 : i32 to index
        %get3A_984 = arith.index_cast %add3A_981 : i32 to index
        %get3A_985 = arith.constant 0 : index
        %get3A_986 = tpu.vector_load %arg14[%get3A_983, %get3A_984, %get3A_985] {strides = array<i32>} : memref<2x320x64xf32, #tpu.memory_space<vmem>>, vector<16xf32>,
        %mul3A_987 = arith.mulf %mul3A_323, %get3A_986 : vector<16xf32>
        %mul3A_988 = arith.constant 10 : i32
        %mul3A_989 = arith.muli %scan3A_198, %mul3A_988 : i32
        %add3A_990 = arith.constant 6 : i32
        %add3A_991 = arith.addi %mul3A_989, %add3A_990 : i32
        %get3A_992 = arith.constant 1 : i32
        %get3A_993 = arith.index_cast %get3A_992 : i32 to index
        %get3A_994 = arith.index_cast %add3A_991 : i32 to index
        %get3A_995 = arith.constant 16 : index
        %get3A_996 = tpu.vector_load %arg14[%get3A_993, %get3A_994, %get3A_995] {strides = array<i32>} : memref<2x320x64xf32, #tpu.memory_space<vmem>>, vector<16xf32>,
        %mul3A_997 = arith.mulf %mul3A_421, %get3A_996 : vector<16xf32>
        %add3A_998 = arith.addf %mul3A_987, %mul3A_997 : vector<16xf32>
        %mul3A_999 = arith.constant 10 : i32
        %mul3A_1000 = arith.muli %scan3A_198, %mul3A_999 : i32
        %add3A_1001 = arith.constant 6 : i32
        %add3A_1002 = arith.addi %mul3A_1000, %add3A_1001 : i32
        %get3A_1003 = arith.constant 1 : i32
        %get3A_1004 = arith.index_cast %get3A_1003 : i32 to index
        %get3A_1005 = arith.index_cast %add3A_1002 : i32 to index
        %get3A_1006 = arith.constant 32 : index
        %get3A_1007 = tpu.vector_load %arg14[%get3A_1004, %get3A_1005, %get3A_1006] {strides = array<i32>} : memref<2x320x64xf32, #tpu.memory_space<vmem>>, vector<16xf32>,
        %mul3A_1008 = arith.mulf %mul3A_519, %get3A_1007 : vector<16xf32>
        %add3A_1009 = arith.addf %add3A_998, %mul3A_1008 : vector<16xf32>
        %mul3A_1010 = arith.constant 10 : i32
        %mul3A_1011 = arith.muli %scan3A_198, %mul3A_1010 : i32
        %add3A_1012 = arith.constant 6 : i32
        %add3A_1013 = arith.addi %mul3A_1011, %add3A_1012 : i32
        %get3A_1014 = arith.constant 1 : i32
        %get3A_1015 = arith.index_cast %get3A_1014 : i32 to index
        %get3A_1016 = arith.index_cast %add3A_1013 : i32 to index
        %get3A_1017 = arith.constant 48 : index
        %get3A_1018 = tpu.vector_load %arg14[%get3A_1015, %get3A_1016, %get3A_1017] {strides = array<i32>} : memref<2x320x64xf32, #tpu.memory_space<vmem>>, vector<16xf32>,
        %mul3A_1019 = arith.mulf %mul3A_617, %get3A_1018 : vector<16xf32>
        %add3A_1020 = arith.addf %add3A_1009, %mul3A_1019 : vector<16xf32>
        %reduce_sum3A_1021 = arith.constant true
        %reduce_sum3A_1022 = vector.broadcast %reduce_sum3A_1021 : i1 to vector<16xi1>
        %reduce_sum3A_1023 = tpu.scan <sum>, %add3A_1020 masked %reduce_sum3A_1022 : vector<16xf32>, vector<16xi1> -> vector<16xf32>
        %reduce_sum3A_1024 = vector.extract %reduce_sum3A_1023[15] : f32 from vector<16xf32>
        %eq3A_1025 = arith.constant 12 : i32
        %eq3A_1026 = vector.broadcast %eq3A_1025 : i32 to vector<16xi32>
        %eq3A_1027 = arith.cmpi eq, %iota3A, %eq3A_1026 : vector<16xi32>
        %broadcast_in_dim3A_1028 = vector.broadcast %reduce_sum3A_1024 : f32 to vector<16xf32>
        %select_n3A_1029 = arith.select %eq3A_1027, %broadcast_in_dim3A_1028, %select_n3A_977 : vector<16xi1>, vector<16xf32>
        %mul3A_1030 = arith.constant 10 : i32
        %mul3A_1031 = arith.muli %scan3A_198, %mul3A_1030 : i32
        %add3A_1032 = arith.constant 7 : i32
        %add3A_1033 = arith.addi %mul3A_1031, %add3A_1032 : i32
        %get3A_1034 = arith.constant 1 : i32
        %get3A_1035 = arith.index_cast %get3A_1034 : i32 to index
        %get3A_1036 = arith.index_cast %add3A_1033 : i32 to index
        %get3A_1037 = arith.constant 0 : index
        %get3A_1038 = tpu.vector_load %arg14[%get3A_1035, %get3A_1036, %get3A_1037] {strides = array<i32>} : memref<2x320x64xf32, #tpu.memory_space<vmem>>, vector<16xf32>,
        %mul3A_1039 = arith.mulf %mul3A_323, %get3A_1038 : vector<16xf32>
        %mul3A_1040 = arith.constant 10 : i32
        %mul3A_1041 = arith.muli %scan3A_198, %mul3A_1040 : i32
        %add3A_1042 = arith.constant 7 : i32
        %add3A_1043 = arith.addi %mul3A_1041, %add3A_1042 : i32
        %get3A_1044 = arith.constant 1 : i32
        %get3A_1045 = arith.index_cast %get3A_1044 : i32 to index
        %get3A_1046 = arith.index_cast %add3A_1043 : i32 to index
        %get3A_1047 = arith.constant 16 : index
        %get3A_1048 = tpu.vector_load %arg14[%get3A_1045, %get3A_1046, %get3A_1047] {strides = array<i32>} : memref<2x320x64xf32, #tpu.memory_space<vmem>>, vector<16xf32>,
        %mul3A_1049 = arith.mulf %mul3A_421, %get3A_1048 : vector<16xf32>
        %add3A_1050 = arith.addf %mul3A_1039, %mul3A_1049 : vector<16xf32>
        %mul3A_1051 = arith.constant 10 : i32
        %mul3A_1052 = arith.muli %scan3A_198, %mul3A_1051 : i32
        %add3A_1053 = arith.constant 7 : i32
        %add3A_1054 = arith.addi %mul3A_1052, %add3A_1053 : i32
        %get3A_1055 = arith.constant 1 : i32
        %get3A_1056 = arith.index_cast %get3A_1055 : i32 to index
        %get3A_1057 = arith.index_cast %add3A_1054 : i32 to index
        %get3A_1058 = arith.constant 32 : index
        %get3A_1059 = tpu.vector_load %arg14[%get3A_1056, %get3A_1057, %get3A_1058] {strides = array<i32>} : memref<2x320x64xf32, #tpu.memory_space<vmem>>, vector<16xf32>,
        %mul3A_1060 = arith.mulf %mul3A_519, %get3A_1059 : vector<16xf32>
        %add3A_1061 = arith.addf %add3A_1050, %mul3A_1060 : vector<16xf32>
        %mul3A_1062 = arith.constant 10 : i32
        %mul3A_1063 = arith.muli %scan3A_198, %mul3A_1062 : i32
        %add3A_1064 = arith.constant 7 : i32
        %add3A_1065 = arith.addi %mul3A_1063, %add3A_1064 : i32
        %get3A_1066 = arith.constant 1 : i32
        %get3A_1067 = arith.index_cast %get3A_1066 : i32 to index
        %get3A_1068 = arith.index_cast %add3A_1065 : i32 to index
        %get3A_1069 = arith.constant 48 : index
        %get3A_1070 = tpu.vector_load %arg14[%get3A_1067, %get3A_1068, %get3A_1069] {strides = array<i32>} : memref<2x320x64xf32, #tpu.memory_space<vmem>>, vector<16xf32>,
        %mul3A_1071 = arith.mulf %mul3A_617, %get3A_1070 : vector<16xf32>
        %add3A_1072 = arith.addf %add3A_1061, %mul3A_1071 : vector<16xf32>
        %reduce_sum3A_1073 = arith.constant true
        %reduce_sum3A_1074 = vector.broadcast %reduce_sum3A_1073 : i1 to vector<16xi1>
        %reduce_sum3A_1075 = tpu.scan <sum>, %add3A_1072 masked %reduce_sum3A_1074 : vector<16xf32>, vector<16xi1> -> vector<16xf32>
        %reduce_sum3A_1076 = vector.extract %reduce_sum3A_1075[15] : f32 from vector<16xf32>
        %eq3A_1077 = arith.constant 13 : i32
        %eq3A_1078 = vector.broadcast %eq3A_1077 : i32 to vector<16xi32>
        %eq3A_1079 = arith.cmpi eq, %iota3A, %eq3A_1078 : vector<16xi32>
        %broadcast_in_dim3A_1080 = vector.broadcast %reduce_sum3A_1076 : f32 to vector<16xf32>
        %select_n3A_1081 = arith.select %eq3A_1079, %broadcast_in_dim3A_1080, %select_n3A_1029 : vector<16xi1>, vector<16xf32>
        %mul3A_1082 = arith.constant 10 : i32
        %mul3A_1083 = arith.muli %scan3A_198, %mul3A_1082 : i32
        %add3A_1084 = arith.constant 8 : i32
        %add3A_1085 = arith.addi %mul3A_1083, %add3A_1084 : i32
        %get3A_1086 = arith.constant 1 : i32
        %get3A_1087 = arith.index_cast %get3A_1086 : i32 to index
        %get3A_1088 = arith.index_cast %add3A_1085 : i32 to index
        %get3A_1089 = arith.constant 0 : index
        %get3A_1090 = tpu.vector_load %arg14[%get3A_1087, %get3A_1088, %get3A_1089] {strides = array<i32>} : memref<2x320x64xf32, #tpu.memory_space<vmem>>, vector<16xf32>,
        %mul3A_1091 = arith.mulf %mul3A_323, %get3A_1090 : vector<16xf32>
        %mul3A_1092 = arith.constant 10 : i32
        %mul3A_1093 = arith.muli %scan3A_198, %mul3A_1092 : i32
        %add3A_1094 = arith.constant 8 : i32
        %add3A_1095 = arith.addi %mul3A_1093, %add3A_1094 : i32
        %get3A_1096 = arith.constant 1 : i32
        %get3A_1097 = arith.index_cast %get3A_1096 : i32 to index
        %get3A_1098 = arith.index_cast %add3A_1095 : i32 to index
        %get3A_1099 = arith.constant 16 : index
        %get3A_1100 = tpu.vector_load %arg14[%get3A_1097, %get3A_1098, %get3A_1099] {strides = array<i32>} : memref<2x320x64xf32, #tpu.memory_space<vmem>>, vector<16xf32>,
        %mul3A_1101 = arith.mulf %mul3A_421, %get3A_1100 : vector<16xf32>
        %add3A_1102 = arith.addf %mul3A_1091, %mul3A_1101 : vector<16xf32>
        %mul3A_1103 = arith.constant 10 : i32
        %mul3A_1104 = arith.muli %scan3A_198, %mul3A_1103 : i32
        %add3A_1105 = arith.constant 8 : i32
        %add3A_1106 = arith.addi %mul3A_1104, %add3A_1105 : i32
        %get3A_1107 = arith.constant 1 : i32
        %get3A_1108 = arith.index_cast %get3A_1107 : i32 to index
        %get3A_1109 = arith.index_cast %add3A_1106 : i32 to index
        %get3A_1110 = arith.constant 32 : index
        %get3A_1111 = tpu.vector_load %arg14[%get3A_1108, %get3A_1109, %get3A_1110] {strides = array<i32>} : memref<2x320x64xf32, #tpu.memory_space<vmem>>, vector<16xf32>,
        %mul3A_1112 = arith.mulf %mul3A_519, %get3A_1111 : vector<16xf32>
        %add3A_1113 = arith.addf %add3A_1102, %mul3A_1112 : vector<16xf32>
        %mul3A_1114 = arith.constant 10 : i32
        %mul3A_1115 = arith.muli %scan3A_198, %mul3A_1114 : i32
        %add3A_1116 = arith.constant 8 : i32
        %add3A_1117 = arith.addi %mul3A_1115, %add3A_1116 : i32
        %get3A_1118 = arith.constant 1 : i32
        %get3A_1119 = arith.index_cast %get3A_1118 : i32 to index
        %get3A_1120 = arith.index_cast %add3A_1117 : i32 to index
        %get3A_1121 = arith.constant 48 : index
        %get3A_1122 = tpu.vector_load %arg14[%get3A_1119, %get3A_1120, %get3A_1121] {strides = array<i32>} : memref<2x320x64xf32, #tpu.memory_space<vmem>>, vector<16xf32>,
        %mul3A_1123 = arith.mulf %mul3A_617, %get3A_1122 : vector<16xf32>
        %add3A_1124 = arith.addf %add3A_1113, %mul3A_1123 : vector<16xf32>
        %reduce_sum3A_1125 = arith.constant true
        %reduce_sum3A_1126 = vector.broadcast %reduce_sum3A_1125 : i1 to vector<16xi1>
        %reduce_sum3A_1127 = tpu.scan <sum>, %add3A_1124 masked %reduce_sum3A_1126 : vector<16xf32>, vector<16xi1> -> vector<16xf32>
        %reduce_sum3A_1128 = vector.extract %reduce_sum3A_1127[15] : f32 from vector<16xf32>
        %eq3A_1129 = arith.constant 14 : i32
        %eq3A_1130 = vector.broadcast %eq3A_1129 : i32 to vector<16xi32>
        %eq3A_1131 = arith.cmpi eq, %iota3A, %eq3A_1130 : vector<16xi32>
        %broadcast_in_dim3A_1132 = vector.broadcast %reduce_sum3A_1128 : f32 to vector<16xf32>
        %select_n3A_1133 = arith.select %eq3A_1131, %broadcast_in_dim3A_1132, %select_n3A_1081 : vector<16xi1>, vector<16xf32>
        %mul3A_1134 = arith.constant 10 : i32
        %mul3A_1135 = arith.muli %scan3A_198, %mul3A_1134 : i32
        %add3A_1136 = arith.constant 9 : i32
        %add3A_1137 = arith.addi %mul3A_1135, %add3A_1136 : i32
        %get3A_1138 = arith.constant 1 : i32
        %get3A_1139 = arith.index_cast %get3A_1138 : i32 to index
        %get3A_1140 = arith.index_cast %add3A_1137 : i32 to index
        %get3A_1141 = arith.constant 0 : index
        %get3A_1142 = tpu.vector_load %arg14[%get3A_1139, %get3A_1140, %get3A_1141] {strides = array<i32>} : memref<2x320x64xf32, #tpu.memory_space<vmem>>, vector<16xf32>,
        %mul3A_1143 = arith.mulf %mul3A_323, %get3A_1142 : vector<16xf32>
        %mul3A_1144 = arith.constant 10 : i32
        %mul3A_1145 = arith.muli %scan3A_198, %mul3A_1144 : i32
        %add3A_1146 = arith.constant 9 : i32
        %add3A_1147 = arith.addi %mul3A_1145, %add3A_1146 : i32
        %get3A_1148 = arith.constant 1 : i32
        %get3A_1149 = arith.index_cast %get3A_1148 : i32 to index
        %get3A_1150 = arith.index_cast %add3A_1147 : i32 to index
        %get3A_1151 = arith.constant 16 : index
        %get3A_1152 = tpu.vector_load %arg14[%get3A_1149, %get3A_1150, %get3A_1151] {strides = array<i32>} : memref<2x320x64xf32, #tpu.memory_space<vmem>>, vector<16xf32>,
        %mul3A_1153 = arith.mulf %mul3A_421, %get3A_1152 : vector<16xf32>
        %add3A_1154 = arith.addf %mul3A_1143, %mul3A_1153 : vector<16xf32>
        %mul3A_1155 = arith.constant 10 : i32
        %mul3A_1156 = arith.muli %scan3A_198, %mul3A_1155 : i32
        %add3A_1157 = arith.constant 9 : i32
        %add3A_1158 = arith.addi %mul3A_1156, %add3A_1157 : i32
        %get3A_1159 = arith.constant 1 : i32
        %get3A_1160 = arith.index_cast %get3A_1159 : i32 to index
        %get3A_1161 = arith.index_cast %add3A_1158 : i32 to index
        %get3A_1162 = arith.constant 32 : index
        %get3A_1163 = tpu.vector_load %arg14[%get3A_1160, %get3A_1161, %get3A_1162] {strides = array<i32>} : memref<2x320x64xf32, #tpu.memory_space<vmem>>, vector<16xf32>,
        %mul3A_1164 = arith.mulf %mul3A_519, %get3A_1163 : vector<16xf32>
        %add3A_1165 = arith.addf %add3A_1154, %mul3A_1164 : vector<16xf32>
        %mul3A_1166 = arith.constant 10 : i32
        %mul3A_1167 = arith.muli %scan3A_198, %mul3A_1166 : i32
        %add3A_1168 = arith.constant 9 : i32
        %add3A_1169 = arith.addi %mul3A_1167, %add3A_1168 : i32
        %get3A_1170 = arith.constant 1 : i32
        %get3A_1171 = arith.index_cast %get3A_1170 : i32 to index
        %get3A_1172 = arith.index_cast %add3A_1169 : i32 to index
        %get3A_1173 = arith.constant 48 : index
        %get3A_1174 = tpu.vector_load %arg14[%get3A_1171, %get3A_1172, %get3A_1173] {strides = array<i32>} : memref<2x320x64xf32, #tpu.memory_space<vmem>>, vector<16xf32>,
        %mul3A_1175 = arith.mulf %mul3A_617, %get3A_1174 : vector<16xf32>
        %add3A_1176 = arith.addf %add3A_1165, %mul3A_1175 : vector<16xf32>
        %reduce_sum3A_1177 = arith.constant true
        %reduce_sum3A_1178 = vector.broadcast %reduce_sum3A_1177 : i1 to vector<16xi1>
        %reduce_sum3A_1179 = tpu.scan <sum>, %add3A_1176 masked %reduce_sum3A_1178 : vector<16xf32>, vector<16xi1> -> vector<16xf32>
        %reduce_sum3A_1180 = vector.extract %reduce_sum3A_1179[15] : f32 from vector<16xf32>
        %eq3A_1181 = arith.constant 15 : i32
        %eq3A_1182 = vector.broadcast %eq3A_1181 : i32 to vector<16xi32>
        %eq3A_1183 = arith.cmpi eq, %iota3A, %eq3A_1182 : vector<16xi32>
        %broadcast_in_dim3A_1184 = vector.broadcast %reduce_sum3A_1180 : f32 to vector<16xf32>
        %select_n3A_1185 = arith.select %eq3A_1183, %broadcast_in_dim3A_1184, %select_n3A_1133 : vector<16xi1>, vector<16xf32>
        %jit3A_1186 = arith.constant 0 : i32
        %broadcast_in_dim3A_1187 = vector.broadcast %jit3A_1186 : i32 to vector<16xi32>
        %select_n3A_1188 = arith.select %ge3A_174, %get3A_225, %broadcast_in_dim3A_1187 : vector<16xi1>, vector<16xi32>
        %convert_element_type3A_1189 = arith.sitofp %select_n3A_1188 : vector<16xi32> to vector<16xf32>
        %neg3A_1190 = arith.constant 0.000000e+00 : f32
        %neg3A_1191 = vector.broadcast %neg3A_1190 : f32 to vector<16xf32>
        %neg3A_1192 = arith.subf %neg3A_1191, %select_n3A_1185 : vector<16xf32>
        %exp3A_1193 = math.exp %neg3A_1192 : vector<16xf32>
        %add3A_1194 = arith.constant 1.000000e+00 : f32
        %add3A_1195 = vector.broadcast %add3A_1194 : f32 to vector<16xf32>
        %add3A_1196 = arith.addf %add3A_1195, %exp3A_1193 : vector<16xf32>
        %div3A_1197 = arith.divf %convert_element_type3A_1189, %add3A_1196 : vector<16xf32>
        %mul3A_1198 = arith.mulf %div3A_1197, %div3A_1197 : vector<16xf32>
        %add3A_1199 = arith.addf %scan3A_200, %mul3A_1198 : vector<16xf32>
        scf.yield %add3A_663, %add3A_1199 : vector<16xf32>, vector<16xf32>
      }
      %scan3A_188 = arith.constant 32 : i32
      %swap3A_189 = arith.constant 0 : i32
      %swap3A_190 = arith.index_cast %swap3A_189 : i32 to index
      %swap3A_191 = arith.constant 0 : index
      %swap3A_192 = tpu.vector_load %arg16[%swap3A_190, %swap3A_191] {strides = array<i32>} : memref<2x16xf32, #tpu.memory_space<vmem>>, vector<16xf32>,
      tpu.vector_store %arg16[%swap3A_190, %swap3A_191], %scan3A_187#0 {strides = array<i32>} : memref<2x16xf32, #tpu.memory_space<vmem>>, vector<16xf32>,
      %swap3A_193 = arith.constant 1 : i32
      %swap3A_194 = arith.index_cast %swap3A_193 : i32 to index
      %swap3A_195 = arith.constant 0 : index
      %swap3A_196 = tpu.vector_load %arg16[%swap3A_194, %swap3A_195] {strides = array<i32>} : memref<2x16xf32, #tpu.memory_space<vmem>>, vector<16xf32>,
      tpu.vector_store %arg16[%swap3A_194, %swap3A_195], %scan3A_187#1 {strides = array<i32>} : memref<2x16xf32, #tpu.memory_space<vmem>>, vector<16xf32>,
      %scan3A_197 = arith.constant 0 : i32
      scf.yield %scan3A_197 : i32
    }
    %scan3A_51 = arith.constant 8 : i32
    "tpu.region"() ({
      %run_scoped3A = tpu.sem_alloc : memref<!tpu.dma_semaphore, #tpu.memory_space<semaphore_mem>>
      %dma_start3A_52 = arith.constant 0 : i32
      %dma_start3A_53 = arith.constant 0 : i32
      %dma_start3A_54 = tpu.memref_slice %arg8[%add3A, %dma_start3A_52, %dma_start3A_53] : memref<32x2x16xf32, #tpu.memory_space<hbm>> -> memref<1x2x16xf32, #tpu.memory_space<hbm>>
      %dma_start3A_55 = tpu.memref_squeeze %dma_start3A_54 : memref<1x2x16xf32, #tpu.memory_space<hbm>> -> memref<2x16xf32, #tpu.memory_space<hbm>>
      %dma_start3A_56 = arith.constant 0 : i32
      %dma_start3A_57 = arith.constant 0 : i32
      %dma_start3A_58 = tpu.memref_slice %arg8[%add3A, %dma_start3A_56, %dma_start3A_57] : memref<32x2x16xf32, #tpu.memory_space<hbm>> -> memref<1x2x16xf32, #tpu.memory_space<hbm>>
      %dma_start3A_59 = tpu.memref_squeeze %dma_start3A_58 : memref<1x2x16xf32, #tpu.memory_space<hbm>> -> memref<2x16xf32, #tpu.memory_space<hbm>>
      tpu.enqueue_dma source(%arg16 : memref<2x16xf32, #tpu.memory_space<vmem>>) target(%dma_start3A_59 : memref<2x16xf32, #tpu.memory_space<hbm>>) target_semaphore(%run_scoped3A : memref<!tpu.dma_semaphore, #tpu.memory_space<semaphore_mem>>)
      %dma_wait3A = arith.constant 0 : i32
      %dma_wait3A_60 = arith.constant 0 : i32
      %dma_wait3A_61 = tpu.memref_slice %arg8[%add3A, %dma_wait3A, %dma_wait3A_60] : memref<32x2x16xf32, #tpu.memory_space<hbm>> -> memref<1x2x16xf32, #tpu.memory_space<hbm>>
      %dma_wait3A_62 = tpu.memref_squeeze %dma_wait3A_61 : memref<1x2x16xf32, #tpu.memory_space<hbm>> -> memref<2x16xf32, #tpu.memory_space<hbm>>
      %dma_wait3A_63 = arith.constant 0 : i32
      %dma_wait3A_64 = arith.constant 0 : i32
      %dma_wait3A_65 = tpu.memref_slice %arg8[%add3A, %dma_wait3A_63, %dma_wait3A_64] : memref<32x2x16xf32, #tpu.memory_space<hbm>> -> memref<1x2x16xf32, #tpu.memory_space<hbm>>
      %dma_wait3A_66 = tpu.memref_squeeze %dma_wait3A_65 : memref<1x2x16xf32, #tpu.memory_space<hbm>> -> memref<2x16xf32, #tpu.memory_space<hbm>>
      tpu.wait_dma2 semaphore(%run_scoped3A : memref<!tpu.dma_semaphore, #tpu.memory_space<semaphore_mem>>) src(%arg16 : memref<2x16xf32, #tpu.memory_space<vmem>>) dst(%dma_wait3A_66 : memref<2x16xf32, #tpu.memory_space<hbm>>)
      tpu.yield
    }) : () -> ()
    return
  }
}

</mosaic_0001>

<sc_bundles>
// kernel: kernel.3.cloned.1.call-start
scs
__scs_entry_jumppad:
0x0: {  	(pc) =	sbr.rel $0x88, $3  }
0x1: {  	(tag) =	ssettag $0x0;
	lr =	simm.s32 $0x1  }
0x2: {  	[smem:$0x3F9E] =	sst lr;
	_ =	strace $0xD0000000  }
0x3: {  	_ = 	snop  }
0x4: {  	_ = 	snop  }
0x5: {  	_ = 	snop  }
0x6: {  	_ = 	snop  }
0x7: {  	_ = 	snop  }
__scs_overlays_trampoline_lowered:
0x8: {  	[smem:$0x3FAD] =	sst s0  }
0x9: {  	[smem:$0x3FAE] =	sst s1  }
0xa: {  	[smem:$0x3FAF] =	sst s2  }
0xb: {  	[smem:$0x3FB0] =	sst s3  }
0xc: {  	[smem:$0x3FB1] =	sst s4  }
0xd: {  	[smem:$0x3FB2] =	sst s5  }
0xe: {  	[smem:$0x3FB3] =	sst s6  }
0xf: {  	[smem:$0x3FB4] =	sst s7  }
0x10: {  	[smem:$0x3FB5] =	sst s8  }
0x11: {  	[smem:$0x3FB6] =	sst s9;
	s0 =	simm.s32 @!p0 $0x0  }
0x12: {  	s1 =	sld [smem:$0x3F9C];
	s0 =	simm.s32 @p0 $0x1  }
0x13: {  	[smem:$0x3FB7] =	sst s0;
	s0 =	simm.s32 @!p1 $0x0  }
0x14: {  	s2 =	sld [smem:$0x3F9B];
	s0 =	simm.s32 @p1 $0x1  }
0x15: {  	[smem:$0x3FB8] =	sst s0;
	s0 =	simm.s32 @!p2 $0x0  }
0x16: {  	s3 =	sld [smem:$0x3FDB];
	s0 =	simm.s32 @p2 $0x1  }
0x17: {  	s4 =	simm.s32 $0x1BF5;
	[smem:$0x3FBA] =	sst s0  }
0x18: {  	s0 =	sld [smem:$0x3F9D];
	_ =	swait.ge [sflag:s4], $0x0  }
0x19: {  	s7 =	sld [smem:$0x3F9E]  }
0x1a: {  	s8 =	sadd.s32 $0xFFFFE003, lr  }
0x1b: {  	s9 =	sadd.s32 $0xFFFFFEF7, lr;
	s5 =	simm.s32 $0xFFFFFFFF;
	p2 =	slt.u32 s8, $0xFFFFF086  }
0x1c: {  	p1 =	slt.u32 s9, $0xF7A;
	s5 =	simm.s32 @!p2 $0x0  }
0x1d: {  	s5 =	simm.s32 @p1 $0x1;
	p0 =	seq.s32 s7, s2  }
0x1e: {  	s7 =	smul.u32 @!p0 $0xF7A, s2;
	p2 =	seq.s32 @!p0 s5, $0x0  }
0x1f: {  	s9 =	smul.u32 $0xF7A, s1;
	s8 =	simm.s32 @!p0 $0x1BF5;
	p2 =	por !p2, p0  }
0x20: {  	[sflag:s8] =	ssyncset.s32 @!p0 $0xFFFFF086;
	s6 =	sadd.s32 @!p0 s3, s7;
	s7 =	simm.s32 @!p0 $0x108  }
0x21: {  	s3 =	sadd.s32 s3, s9;
	s6 =	sadd.s32 @!p0 $0x88, s6;
	s7 =	simm.s32 @p2 $0x1082  }
0x22: {  	[simem:s7], [sflag:s8] =	dma.local @!p0 [hbm:s6], $0xF7A  }
0x23: {  	s9 =	sor.u32 $0xD0000000, s2;
	s6 =	simm.s32 $0x108;
	_ =	swait.ge @!p0 [sflag:s8], $0x0  }
0x24: {  	s3 =	sadd.s32 $0x88, s3;
	s6 =	simm.s32 @!p1 $0x1082;
	[sflag:s4] =	ssyncset.s32 $0xFFFFF086  }
0x25: {  	[simem:s6], [sflag:s4] =	dma.local [hbm:s3], $0xF7A  }
0x26: {  	[smem:$0x3F9E] =	sst s1;
	(tag) =	ssettag s2;
	_ =	strace s9  }
0x27: {  	s1 =	sld [smem:$0x3FAE]  }
0x28: {  	s2 =	sld [smem:$0x3FAF]  }
0x29: {  	s4 =	sld [smem:$0x3FB1]  }
0x2a: {  	p0 =	seq.s32 s5, $0x0;
	s5 =	sld [smem:$0x3FB2]  }
0x2b: {  	s6 =	sld [smem:$0x3FB3]  }
0x2c: {  	s7 =	sld [smem:$0x3FB4]  }
0x2d: {  	s3 =	simm.s32 $0x108;
	s8 =	sld [smem:$0x3FB5]  }
0x2e: {  	s3 =	simm.s32 @!p0 $0x1082;
	s9 =	sld [smem:$0x3FB6]  }
0x2f: {  	lr =	sadd.s32 s0, s3;
	s0 =	sld [smem:$0x3FAD]  }
0x30: {  	s3 =	sld [smem:$0x3FB0]  }
0x31: {  	[smem:$0x3FB9] =	sst s10  }
0x32: {  	s10 =	sld [smem:$0x3FB7];
	_ =	sdelay $0x3  }
0x33: {  	p0 =	seq.s32 s10, $0x1;
	s10 =	sld [smem:$0x3FB9];
	_ =	sdelay $0x3  }
0x34: {  	[smem:$0x3FB9] =	sst s10  }
0x35: {  	s10 =	sld [smem:$0x3FB8];
	_ =	sdelay $0x3  }
0x36: {  	p1 =	seq.s32 s10, $0x1;
	s10 =	sld [smem:$0x3FB9];
	_ =	sdelay $0x3  }
0x37: {  	[smem:$0x3FB9] =	sst s10  }
0x38: {  	s10 =	sld [smem:$0x3FBA]  }
0x39: {  	_ = 	snop;
	(pc) =	sbr.ind lr, $3  }
0x3a: {  	_ = 	snop  }
0x3b: {  	_ = 	snop  }
0x3c: {  	p2 =	seq.s32 s10, $0x1;
	s10 =	sld [smem:$0x3FB9]  }
0x3d: {  	_ =	shalt  }
0x3e: {  	_ =	shalt  }
0x3f: {  	_ =	shalt  }
0x40: {  	_ =	shalt  }
0x41: {  	_ =	shalt  }
0x42: {  	_ =	shalt  }
0x43: {  	_ =	shalt  }
0x44: {  	_ =	shalt  }
0x45: {  	_ =	shalt  }
0x46: {  	_ =	shalt  }
0x47: {  	_ =	shalt  }
0x48: {  	_ =	shalt  }
0x49: {  	_ =	shalt  }
0x4a: {  	_ =	shalt  }
0x4b: {  	_ =	shalt  }
0x4c: {  	_ =	shalt  }
0x4d: {  	_ =	shalt  }
0x4e: {  	_ =	shalt  }
0x4f: {  	_ =	shalt  }
0x50: {  	_ =	shalt  }
0x51: {  	_ =	shalt  }
0x52: {  	_ =	shalt  }
0x53: {  	_ =	shalt  }
0x54: {  	_ =	shalt  }
0x55: {  	_ =	shalt  }
0x56: {  	_ =	shalt  }
0x57: {  	_ =	shalt  }
0x58: {  	_ =	shalt  }
0x59: {  	_ =	shalt  }
0x5a: {  	_ =	shalt  }
0x5b: {  	_ =	shalt  }
0x5c: {  	_ =	shalt  }
0x5d: {  	_ =	shalt  }
0x5e: {  	_ =	shalt  }
0x5f: {  	_ =	shalt  }
0x60: {  	_ =	shalt  }
0x61: {  	_ =	shalt  }
0x62: {  	_ =	shalt  }
0x63: {  	_ =	shalt  }
0x64: {  	_ =	shalt  }
0x65: {  	_ =	shalt  }
0x66: {  	_ =	shalt  }
0x67: {  	_ =	shalt  }
0x68: {  	_ =	shalt  }
0x69: {  	_ =	shalt  }
0x6a: {  	_ =	shalt  }
0x6b: {  	_ =	shalt  }
0x6c: {  	_ =	shalt  }
0x6d: {  	_ =	shalt  }
0x6e: {  	_ =	shalt  }
0x6f: {  	_ =	shalt  }
0x70: {  	_ =	shalt  }
0x71: {  	_ =	shalt  }
0x72: {  	_ =	shalt  }
0x73: {  	_ =	shalt  }
0x74: {  	_ =	shalt  }
0x75: {  	_ =	shalt  }
0x76: {  	_ =	shalt  }
0x77: {  	_ =	shalt  }
0x78: {  	_ =	shalt  }
0x79: {  	_ =	shalt  }
0x7a: {  	_ =	shalt  }
0x7b: {  	_ =	shalt  }
0x7c: {  	_ =	shalt  }
0x7d: {  	_ =	shalt  }
0x7e: {  	_ =	shalt  }
0x7f: {  	_ =	shalt  }
0x80: {  	_ =	shalt  }
0x81: {  	_ =	shalt  }
0x82: {  	_ =	shalt  }
0x83: {  	_ =	shalt  }
0x84: {  	_ =	shalt  }
0x85: {  	_ =	shalt  }
0x86: {  	_ =	shalt  }
0x87: {  	_ =	shalt  }
.Lfunc_end0:
.L_simem_size_0:
called_computation_lowered:
.L_overlay_start_0:
0x88: {  	s2 =	sld [smem:$0x3FD9]  }
0x89: {  	s3 =	sld [smem:$0x3FFE];
	_ =	sdelay $0x1  }
0x8a: {  	s1 =	srdreg.scid  }
0x8b: {  	s0 =	sand.u32 $0x1, s1  }
0x8c: {  	s16 =	sshll.u32 s0, $0xA;
	s2 =	sadd.s32 s3, s2  }
0x8d: {  	s2 =	sadd.s32 s2, s16  }
0x8e: {  	[smem:$0x3FC5] =	sst s2  }
0x8f: {  	_ = 	snop  }
0x90: {  	(tm) =	ssettm $0x1  }
0x91: {  	s17 =	sld [smem:$0x3FFB];
	_ =	sdelay $0x3  }
0x92: {  	_ =	strace s17  }
0x93: {  	s2 =	sld [smem:$0x3FFC];
	_ =	sdelay $0x3  }
0x94: {  	_ =	strace s2  }
0x95: {  	s2 =	sld [smem:$0x3FFD];
	_ =	sdelay $0x3  }
0x96: {  	_ =	strace s2  }
0x97: {  	_ =	strace $0x8FFFFFFF  }
0x98: {  	s18 =	sld [smem:$0x3FDB];
	_ =	sdelay $0x1  }
0x99: {  	s19 =	simm.s32 $_scs_section_size  }
0x9a: {  	s4 =	simm.s32 $_size__tile_overlayer_lowered;
	s5 =	simm.s32 $_tile_overlayer_lowered  }
0x9b: {  	s22 =	simm.s32 $0x1BFF;
	s21 =	sshll.u32 s5, $0x1;
	s2 =	sadd.s32 s19, s18  }
0x9c: {  	s6 =	simm.s32 $0x0;
	s20 =	sshll.u32 s4, $0x1;
	s4 =	sadd.s32 s21, s2  }
0x9d: {  	[timem:s6], [sflag:s22] =	dma.local [hbm:s4], s20  }
0x9e: {  	_ =	swait.ge [sflag:s22], s20  }
0x9f: {  	s3 =	ssub.s32 $0x0, s20;
	[sflag:s22] =	ssyncset.done $0x0  }
0xa0: {  	[sflag:s22] =	ssyncadd.s32 s3;
	_ =	sdelay $0x1  }
0xa1: {  	s23 =	simm.s32 $0x1B8B  }
0xa2: {  	_ =	swait.ge [sflag:s23], $0x1  }
0xa3: {  	[sflag:s23] =	ssyncset.done $0x0  }
0xa4: {  	s25 =	simm.s32 $0x1B8E;
	s24 =	sld [smem:$0x3FFE];
	[sflag:s23] =	ssyncadd.s32 $0xFFFFFFFF  }
0xa5: {  	s26 =	simm.s32 $execute0_lowered;
	[smem:$0x3FD2] =	sst s25  }
0xa6: {  	s4 =	sshll.u32 s26, $0x1;
	_ =	strace $0x80000046;
	[dreg:$0x1] =	wrdreg $0xFFFFFFFF  }
0xa7: {  	s28 =	simm.s32 $_size_execute0_lowered;
	s2 =	sadd.s32 s2, s4;
	[dreg:$0x0] =	wrdreg $0x0  }
0xa8: {  	s4 =	sshll.u32 s28, $0x1;
	[dreg:$0x2] =	wrdreg s2  }
0xa9: {  	[dreg:$0x3] =	wrdreg s4  }
0xaa: {  	[dreg:$0x4] =	wrdreg $0xC0  }
0xab: {  	_ =	task [dreg:s6], $0x5FFFF  }
0xac: {  	[dreg:$0x1] =	wrdreg $0xFFFFFFFF  }
0xad: {  	[dreg:$0x0] =	wrdreg $0x60  }
0xae: {  	[dreg:$0x2] =	wrdreg s24  }
0xaf: {  	[dreg:$0x3] =	wrdreg $0x9  }
0xb0: {  	_ =	task.clear_ibuf [dreg:s6], $0x4FFFF;
	_ =	strace $0x90000046  }
0xb1: {  	s29 =	simm.s32 $0x9;
	_ =	strace $0x80000048  }
0xb2: {  	_ =	swait.ge [sflag:s29], $0x1  }
0xb3: {  	[sflag:s29] =	ssyncadd.s32 $0xFFFFFFFF  }
0xb4: {  	_ =	strace $0x90000048  }
0xb5: {  	_ =	sfence  }
0xb6: {  	s30 =	sld [smem:$0x0];
	_ =	sdelay $0x2  }
0xb7: {  	s31 =	sshll.u32 s1, $0xD;
	s1 =	sshrl.u32 s1, $0x2  }
0xb8: {  	s3 =	sand.u32 $0x4000, s31;
	s1 =	sadd.s32 s1, s30  }
0xb9: {  	s0 =	sor.u32 s3, s0;
	s1 =	sshll.u32 s1, $0x11  }
0xba: {  	s0 =	sor.u32 s1, s0  }
0xbb: {  	s0 =	sadd.s32 $0x8F2B, s0  }
0xbc: {  	[sflag:s0] =	ssyncadd.remote.s32 $0x1  }
0xbd: {  	_ =	sfence.sel $0xFFFF  }
0xbe: {  	[dreg:$0x0] =	wrdreg $0xFFFFFFFF;
	(pc) =	sbr.abs _section_cstart, $3  }
0xbf: {  	[dreg:$0x1] =	wrdreg $0xFFFFFFFF  }
0xc0: {  	_ =	task.clear_ibuf [dreg:s6], $0x2FFFF;
	_ =	strace $0x9FFFFFFF  }
0xc1: {  	(tm) =	ssettm $0x7FFFFFFF  }
tec
execute0_lowered:
.L_overlay_start_1:
0x0: {  	(tag) =	ssettag $0x1  }
0x1: {  	s0 =	srdreg.scid;
	s2 =	stileid.u32  }
0x2: {  	s1 =	rddreg [dreg:$0x0];
	s11 =	simm.s32 $0x3;
	s12 =	simm.s32 $0x4000  }
0x3: {  	s13 =	simm.s32 $0x5400;
	s14 =	simm.s32 $0x6800;
	s15 =	simm.s32 $0x140  }
0x4: {  	s18 =	simm.s32 $0x20;
	s20 =	simm.s32 $0xBA00;
	s21 =	simm.s32 $0x15A00  }
0x5: {  	s22 =	simm.s32 $0x1B200;
	s23 =	simm.s32 $0x1;
	s24 =	simm.s32 $0x2  }
0x6: {  	s25 =	simm.s32 $0x1BA00;
	s0 =	sand.u32 $0x1, s0;
	s3 =	sshll.u32 s2, $0x1  }
0x7: {  	s26 =	simm.s32 $0x0;
	s2 =	simm.s32 $0x0;
	s5 =	sor.u32 s0, s3  }
0x8: {  	[smem:$0x7FF] =	sst s2;
	s0 =	ssub.s32 $0x2, s0;
	s3 =	smul.u32 $0x280, s5  }
0x9: {  	_ =	strace $0x80000047;
	s4 =	sshll.u32 s5, $0xB;
	s31 =	sshll.u32 s5, $0x6  }
0xa: {  	v0 =	vimm.f32 $0.0e+00;
	vm0 =	vcmask $0x70C;
	s5 =	sshll.u32 s5, $0x2;
	s9 =	sshrl.u32 s0, $0x1;
	s6 =	sadd.s32 s4, s1  }
0xb: {  	vm1 =	vmmov $0x1;
	vm2 =	vcmask $0x1B18;
	vm3 =	vmmov $0x7f;
	s8 =	sadd.s32 s31, s1;
	s4 =	sadd.s32 $0x172E800, s1;
	s0 =	ssub.s32 s0, s9  }
0xc: {  	vm4 =	vmmov $0xff;
	vm5 =	vmmov $0x1ff;
	vm6 =	vmmov $0x3ff;
	s7 =	sadd.s32 s3, s1;
	s3 =	sadd.s32 $0xF8D400, s1;
	s1 =	sadd.s32 s5, s1  }
0xd: {  	vm7 =	vmmov $0x7ff;
	vm8 =	vmmov $0xfff;
	vm9 =	vmmov $0x1fff;
	s5 =	sadd.s32 $0x600, s6;
	s8 =	sadd.s32 $0x40600, s8;
	s10 =	smax.u32 s0, $0x1  }
0xe: {  	vm10 =	vmmov $0x3fff;
	vm11 =	vmmov $0x7fff;
	vm12 =	vmmov $0x3f;
	s6 =	sadd.s32 $0x45E00, s7;
	s7 =	sadd.s32 $0x40E00, s7;
	s9 =	sadd.s32 $0x10600, s1  }
.LBB2_1:
0xf: {  	[tilespmem:s2], [sflag:$0x3] =	stream.linear.gather [hbm4b:s5+s2], $0x4000, $0x38;
	[tilespmem:$0x1BA20] =	vst v63  }
0x10: {  	_ =	swait.ge [sflag:s11], $0x4000  }
0x11: {  	[sflag:s11] =	ssyncset.done $0x0  }
0x12: {  	[sflag:s11] =	ssyncadd.s32 $0xFFFFC000  }
0x13: {  	[tilespmem:s12], [sflag:$0x3] =	stream.linear.gather [hbm4b:s6+s2], $0x1400, $0x38;
	[tilespmem:$0x1BA20] =	vst v63  }
0x14: {  	_ =	swait.ge [sflag:s11], $0x1400  }
0x15: {  	[sflag:s11] =	ssyncset.done $0x0  }
0x16: {  	[sflag:s11] =	ssyncadd.s32 $0xFFFFEC00  }
0x17: {  	[tilespmem:s13], [sflag:$0x3] =	stream.linear.gather [hbm4b:s7+s2], $0x1400, $0x38;
	[tilespmem:$0x1BA20] =	vst v63  }
0x18: {  	_ =	swait.ge [sflag:s11], $0x1400  }
0x19: {  	[sflag:s11] =	ssyncset.done $0x0  }
0x1a: {  	[sflag:s11] =	ssyncadd.s32 $0xFFFFEC00  }
0x1b: {  	[tilespmem:s14], [sflag:$0x3] =	stream.linear.gather [hbm4b:s8+s2], $0x200, $0x38;
	[tilespmem:$0x1BA20] =	vst v63  }
0x1c: {  	_ =	swait.ge [sflag:s11], $0x200  }
0x1d: {  	[sflag:s11] =	ssyncset.done $0x0  }
0x1e: {  	[sflag:s11] =	ssyncadd.s32 $0xFFFFFE00  }
0x1f: {  	[tilespmem:$0x1BA00] =	vst v0  }
0x20: {  	s0 =	simm.s32 $0x6A00;
	[tilespmem:$0x1BA10] =	vst v0  }
0x21: {  	[tilespmem:s0], [sflag:$0x1] =	stream.indirect.gather [hbm4b:s3+s15], $0x40, s12, s15, $0xb8;
	[tilespmem:$0x1BA20] =	vst v63  }
0x22: {  	s19 =	simm.s32 $0x10A00;
	s31 =	simm.s32 $0x1AA00  }
0x23: {  	[tilespmem:s19], [sflag:$0x1] =	stream.indirect.gather [hbm4b:s4+s15], $0x40, s13, s15, $0xb8;
	[tilespmem:$0x1BA20] =	vst v63  }
0x24: {  	s28 =	simm.s32 $0x10;
	s29 =	simm.s32 $0x410;
	s30 =	simm.s32 $0x0  }
0x25: {  	[tilespmem:s31], [sflag:$0x1] =	stream.indirect.gather [hbm4b:s4+s18], $0x40, s14, s18, $0xb8;
	[tilespmem:$0x1BA20] =	vst v63  }
.LBB2_2:
0x26: {  	s0 =	sshllo.u32 s30, $0x1  }
0x27: {  	s1 =	smul.u32 $0x140, s0;
	_ =	sdelay $0x1  }
0x28: {  	s0 =	sshll.u32 s0, $0x5;
	s16 =	sadd.s32 $0x4000, s1  }
0x29: {  	[tilespmem:s20], [sflag:$0x2] =	stream.indirect.gather [hbm4b:s3+s15], $0x40, s16, s15, $0xb8;
	[tilespmem:$0x1BA20] =	vst v63  }
0x2a: {  	s0 =	sand.u32 $0x3FFFFFE0, s0;
	s1 =	sadd.s32 $0x5400, s1  }
0x2b: {  	[tilespmem:s21], [sflag:$0x2] =	stream.indirect.gather [hbm4b:s4+s15], $0x40, s1, s15, $0xb8;
	[tilespmem:$0x1BA20] =	vst v63  }
0x2c: {  	s0 =	sadd.s32 $0x6800, s0  }
0x2d: {  	[tilespmem:s22], [sflag:$0x2] =	stream.indirect.gather [hbm4b:s4+s18], $0x40, s0, s18, $0xb8;
	[tilespmem:$0x1BA20] =	vst v63  }
0x2e: {  	_ =	swait.ge [sflag:s23], $0x5000  }
0x2f: {  	[sflag:s23] =	ssyncset.done $0x0  }
0x30: {  	[sflag:s23] =	ssyncadd.s32 $0xFFFFB000  }
0x31: {  	_ =	swait.ge [sflag:s23], $0x5000  }
0x32: {  	[sflag:s23] =	ssyncset.done $0x0  }
0x33: {  	[sflag:s23] =	ssyncadd.s32 $0xFFFFB000  }
0x34: {  	_ =	swait.ge [sflag:s23], $0x800  }
0x35: {  	[sflag:s23] =	ssyncset.done $0x0  }
0x36: {  	[sflag:s23] =	ssyncadd.s32 $0xFFFFF800  }
0x37: {  	s19 =	simm.s32 $0x1AA20;
	v1 =	vld [tilespmem:$0x1BA00]  }
0x38: {  	s0 =	simm.s32 $0x270;
	v3 =	vld [tilespmem:s19+$0xFFFFFFE0]  }
0x39: {  	v4 =	vld [tilespmem:s0+$0x69D0]  }
0x3a: {  	v5 =	vld [tilespmem:s0+$0x69B0]  }
0x3b: {  	v6 =	vld [tilespmem:s28+$0xFFFFFFF8]  }
0x3c: {  	v7 =	vld [tilespmem:s0+$0x6990]  }
0x3d: {  	v8 =	vld [tilespmem:s0+$0x6970]  }
0x3e: {  	v9 =	vld [tilespmem:s0+$0x6950]  }
0x3f: {  	v10 =	vld [tilespmem:s0+$0x6930]  }
0x40: {  	v11 =	vld [tilespmem:s0+$0x6910];
	v6 =	vsel vm0, $0x0, v6  }
0x41: {  	v12 =	vld [tilespmem:s0+$0x68F0];
	(xrf0) =	vadd.scan.msk.s32 $0xffff, v6  }
0x42: {  	v13 =	vld [tilespmem:s0+$0x68B0]  }
0x43: {  	v14 =	vld [tilespmem:s0+$0x6890]  }
0x44: {  	v15 =	vld [tilespmem:s0+$0x6870]  }
0x45: {  	v16 =	vld [tilespmem:s0+$0x6850]  }
0x46: {  	v17 =	vld [tilespmem:s0+$0x67C0]  }
0x47: {  	v19 =	vld [tilespmem:s0+$0x6800];
	v18, _, _ =	vpop (xrf0)  }
0x48: {  	v20 =	vld [tilespmem:s0+$0x67B0];
	(v2sf) =	vpush v18, $0xF  }
0x49: {  	v21 =	vld [tilespmem:s0+$0x6790]  }
0x4a: {  	v22 =	vld [tilespmem:s0+$0x67D0]  }
0x4b: {  	v23 =	vld [tilespmem:s0+$0x67A0]  }
0x4c: {  	v24 =	vld [tilespmem:s0+$0x67E0]  }
0x4d: {  	v25 =	vld [tilespmem:s0+$0x67F0]  }
0x4e: {  	v26 =	vld [tilespmem:s0+$0x6820]  }
0x4f: {  	v27 =	vld [tilespmem:s0+$0x6830]  }
0x50: {  	v18 =	vld [tilespmem:s0+$0x6810]  }
0x51: {  	v28 =	vld [tilespmem:s0+$0x6860]  }
0x52: {  	v44 =	vld [tilespmem:s0+$0x6840]  }
0x53: {  	v45 =	vld [tilespmem:s0+$0x68A0];
	v21 =	vadd.f32 v22, v21;
	v43 =	vadd.f32 v24, v23  }
0x54: {  	v47 =	vld [tilespmem:s0+$0x6880];
	v20 =	vadd.f32 v25, v20;
	v17 =	vadd.f32 v19, v17  }
0x55: {  	v19 =	vld [tilespmem:s0+$0x68E0];
	v46 =	vadd.f32 v26, v43;
	v18 =	vadd.f32 v18, v21  }
0x56: {  	v6 =	vld [tilespmem:s0+$0x68D0];
	v20 =	vadd.f32 v27, v20  }
0x57: {  	v48 =	vld [tilespmem:s0+$0x68C0];
	v16 =	vadd.f32 v16, v18;
	v18 =	vadd.f32 v28, v46;
	s17 =	spop (v2sf)  }
0x58: {  	v49 =	vld [tilespmem:s0+$0x6920];
	v17 =	vadd.f32 v44, v17;
	v15 =	vadd.f32 v15, v20;
	s16 =	scvt.s32.f32 s17  }
0x59: {  	v14 =	vadd.f32 v14, v16;
	v16 =	vadd.f32 v45, v18;
	v18 =	vld [tilespmem:s0+$0x6900]  }
0x5a: {  	v51 =	vld [tilespmem:s0+$0x6960];
	v13 =	vadd.f32 v13, v15;
	v15 =	vadd.f32 v47, v17;
	v50 =	vmov s16  }
0x5b: {  	v6 =	vadd.f32 v6, v14;
	v14 =	vadd.f32 v19, v16;
	v16 =	vld [tilespmem:s0+$0x6940];
	(erf) = vrcp.f32 v50  }
0x5c: {  	v17 =	vld [tilespmem:s0+$0x69A0];
	v12 =	vadd.f32 v12, v13;
	v13 =	vadd.f32 v48, v15  }
0x5d: {  	v6 =	vadd.f32 v11, v6;
	v11 =	vadd.f32 v49, v14;
	v14 =	vld [tilespmem:s0+$0x6980]  }
0x5e: {  	v15 =	vld [tilespmem:s0+$0x69E0];
	v10 =	vadd.f32 v10, v12;
	v12 =	vadd.f32 v18, v13  }
0x5f: {  	v6 =	vadd.f32 v9, v6;
	v9 =	vadd.f32 v51, v11;
	v11 =	vld [tilespmem:s0+$0x69F0]  }
0x60: {  	v8 =	vadd.f32 v8, v10;
	v10 =	vadd.f32 v16, v12;
	v12 =	vld [tilespmem:s0+$0x69C0]  }
0x61: {  	v6 =	vadd.f32 v7, v6;
	v7 =	vadd.f32 v17, v9;
	v9 =	vld [tilespmem:s19+$0xFFFFFFF0]  }
0x62: {  	v5 =	vadd.f32 v5, v8;
	v8 =	vadd.f32 v14, v10;
	v10 =	vld [tilespmem:s0+$0x6A00]  }
0x63: {  	v2 =	vld [tilespmem:$0x1BA10];
	v4 =	vadd.f32 v4, v6;
	v6 =	vadd.f32 v15, v7  }
0x64: {  	v7 =	vadd.f32 v11, v5;
	v11 =	vld [tilespmem:s19+$0x0];
	v14 =	vpop (erf)  }
0x65: {  	v52 =	vld [tilespmem:s0+$0x108A0];
	v4 =	vmul.f32 v4, v14;
	v5 =	vmul.f32 v6, v14;
	v6 =	vadd.f32 v12, v8  }
0x66: {  	v15 =	vld [tilespmem:s19+$0x10];
	v7 =	vmul.f32 v7, v14  }
0x67: {  	v53 =	vld [tilespmem:s0+$0x10870];
	v6 =	vadd.f32 v10, v6;
	v3 =	vmul.f32 v3, v4;
	v9 =	vmul.f32 v9, v5  }
0x68: {  	v55 =	vld [tilespmem:s0+$0x108C0]  }
0x69: {  	v13 =	vld [tilespmem:s0+$0x10790];
	v8 =	vmul.f32 v6, v14;
	v3 =	vadd.f32 v9, v3;
	v6 =	vmul.f32 v11, v7  }
0x6a: {  	v18 =	vld [tilespmem:s0+$0x107C0]  }
0x6b: {  	v12 =	vld [tilespmem:s0+$0x107A0];
	v3 =	vadd.f32 v6, v3;
	v6 =	vmul.f32 v15, v8  }
0x6c: {  	v16 =	vld [tilespmem:s0+$0x107E0]  }
0x6d: {  	v9 =	vld [tilespmem:s0+$0x107B0];
	v3 =	vadd.f32 v6, v3  }
0x6e: {  	v10 =	vld [tilespmem:s0+$0x107D0]  }
0x6f: {  	v14 =	vld [tilespmem:s0+$0x10820];
	(xrf2) =	vadd.scan.msk.f32 $0xffff, v3  }
0x70: {  	v13 =	vmul.f32 v13, v4;
	v12 =	vmul.f32 v12, v5;
	v15 =	vld [tilespmem:s0+$0x107F0]  }
0x71: {  	v11 =	vld [tilespmem:s0+$0x10810]  }
0x72: {  	v12 =	vadd.f32 v12, v13;
	v13 =	vld [tilespmem:s0+$0x10800];
	v9 =	vmul.f32 v9, v7  }
0x73: {  	v17 =	vld [tilespmem:s0+$0x10860];
	v16 =	vmul.f32 v16, v5;
	v10 =	vmul.f32 v10, v4  }
0x74: {  	v3 =	vld [tilespmem:s0+$0x10830];
	v9 =	vadd.f32 v9, v12;
	v12 =	vmul.f32 v18, v8  }
0x75: {  	v6 =	vld [tilespmem:s0+$0x10850];
	v10 =	vadd.f32 v16, v10;
	v14 =	vmul.f32 v14, v5;
	v15 =	vmul.f32 v15, v7  }
0x76: {  	v9 =	vadd.f32 v12, v9;
	v12 =	vld [tilespmem:s0+$0x10840]  }
0x77: {  	v19 =	vld [tilespmem:s0+$0x10890];
	v11 =	vmul.f32 v11, v4;
	v13 =	vmul.f32 v13, v8;
	v10 =	vadd.f32 v15, v10  }
0x78: {  	v16 =	vld [tilespmem:s0+$0x108E0]  }
0x79: {  	v18 =	vld [tilespmem:s0+$0x108D0];
	v11 =	vadd.f32 v14, v11;
	(xrf2) =	vadd.scan.msk.f32 $0xffff, v9;
	v3 =	vmul.f32 v3, v7;
	v10 =	vadd.f32 v13, v10;
	v14, _, _ =	vpop (xrf2)  }
0x7a: {  	v6 =	vmul.f32 v6, v4;
	(v2sf) =	vpush v14, $0xF;
	v14 =	vld [tilespmem:s0+$0x10880]  }
0x7b: {  	v15 =	vld [tilespmem:s0+$0x108B0];
	v3 =	vadd.f32 v3, v11;
	v11 =	vmul.f32 v12, v8;
	(xrf2) =	vadd.scan.msk.f32 $0xffff, v10;
	v10 =	vmul.f32 v17, v5  }
0x7c: {  	v19 =	vmul.f32 v19, v4;
	v9 =	vld [tilespmem:s0+$0x10910]  }
0x7d: {  	v54 =	vmul.f32 v53, v7;
	v12 =	vld [tilespmem:s0+$0x108F0];
	v3 =	vadd.f32 v11, v3;
	v6 =	vadd.f32 v10, v6  }
0x7e: {  	v16 =	vmul.f32 v16, v5;
	v13 =	vld [tilespmem:s0+$0x10920];
	v10 =	vmul.f32 v52, v5  }
0x7f: {  	v18 =	vmul.f32 v18, v4;
	v17 =	vld [tilespmem:s0+$0x10950];
	(xrf2) =	vadd.scan.msk.f32 $0xffff, v3;
	v3 =	vadd.f32 v54, v6;
	v6 =	vmul.f32 v14, v8  }
0x80: {  	v15 =	vmul.f32 v15, v7;
	v11 =	vld [tilespmem:s0+$0x10960];
	v10 =	vadd.f32 v10, v19  }
0x81: {  	v16 =	vadd.f32 v16, v18;
	v18 =	vld [tilespmem:s0+$0x109A0];
	v3 =	vadd.f32 v6, v3  }
0x82: {  	v12 =	vmul.f32 v12, v7;
	v10 =	vadd.f32 v15, v10;
	v15 =	vld [tilespmem:s0+$0x10970]  }
0x83: {  	v9 =	vmul.f32 v9, v4;
	v13 =	vmul.f32 v13, v5;
	v19 =	vld [tilespmem:s0+$0x10900];
	v6, _, _ =	vpop (xrf2);
	(xrf2) =	vadd.scan.msk.f32 $0xffff, v3  }
0x84: {  	v12 =	vadd.f32 v12, v16;
	v16 =	vmul.f32 v55, v8;
	v14 =	vld [tilespmem:s0+$0x10990]  }
0x85: {  	v56 =	vld [tilespmem:s0+$0x10930];
	v9 =	vadd.f32 v13, v9;
	v13 =	vmul.f32 v17, v4;
	v11 =	vmul.f32 v11, v5  }
0x86: {  	v59 =	vld [tilespmem:s0+$0x10980];
	v10 =	vadd.f32 v16, v10;
	v16 =	vmul.f32 v18, v5  }
0x87: {  	v11 =	vadd.f32 v11, v13;
	v3 =	vld [tilespmem:s0+$0x10940];
	v6 =	vbroadcast v6, $0xF;
	v57, _, _ =	vpop (xrf2);
	v15 =	vmul.f32 v15, v7  }
0x88: {  	v17 =	vld [tilespmem:s0+$0x109B0];
	v19 =	vmul.f32 v19, v8;
	v13 =	vbroadcast v57, $0xF  }
0x89: {  	v18 =	vld [tilespmem:s0+$0x109D0];
	v14 =	vmul.f32 v14, v4;
	(xrf2) =	vadd.scan.msk.f32 $0xffff, v10;
	v6 =	vnsel vm2, $0x0, v6;
	v11 =	vadd.f32 v15, v11  }
0x8a: {  	v58 =	vmul.f32 v56, v7;
	v6 =	vsel vm3, v6, v13;
	v13 =	vld [tilespmem:s0+$0x109E0];
	s19 =	spop (v2sf)  }
0x8b: {  	v20 =	vmul.f32 v59, v8;
	v12 =	vadd.f32 v19, v12;
	v14 =	vadd.f32 v16, v14;
	v16 =	vld [tilespmem:s0+$0x109C0];
	s1 =	ssub.f32 $0.0e+00, s19  }
0x8c: {  	v61 =	vld [tilespmem:s0+$0x109F0];
	v9 =	vadd.f32 v58, v9;
	v60, _, _ =	vpop (xrf2);
	v3 =	vmul.f32 v3, v8  }
0x8d: {  	v63 =	vld [tilespmem:s0+$0x10A00];
	v17 =	vmul.f32 v17, v7;
	v10 =	vadd.f32 v20, v11;
	v15 =	vmov s1;
	v11, _, _ =	vpop (xrf2);
	(xrf2) =	vadd.scan.msk.f32 $0xffff, v12  }
0x8e: {  	s16 =	simm.s32 $0x1AA60;
	v19 =	vbroadcast v60, $0xF;
	v62 =	vadd.f32 v3, v9;
	v3 =	vld [tilespmem:s28+$0x0];
	v15 =	vmul.f32 $1.442695020e+00, v15  }
0x8f: {  	s0 =	simm.s32 $0x4F0;
	v14 =	vadd.f32 v17, v14;
	v17 =	vmul.f32 v18, v4;
	v4 =	vld [tilespmem:s16+$0xFFFFFFE0];
	v13 =	vmul.f32 v13, v5  }
0x90: {  	v9 =	vsel vm4, v6, v19;
	v6 =	vld [tilespmem:s0+$0x69B0];
	v19 =	vmul.f32 v16, v8;
	(xrf2) =	vadd.scan.msk.f32 $0xffff, v62;
	v18 =	vbroadcast v15, $0x0  }
0x91: {  	v16 =	vmul.f32 v61, v7;
	v5 =	vld [tilespmem:s0+$0x69D0];
	s1 =	sadd.s32 $0x20, s28;
	v11 =	vbroadcast v11, $0xF;
	v13 =	vadd.f32 v13, v17  }
0x92: {  	s31 =	sshll.u32 s30, $0x1;
	s17 =	simm.s32 $0x1DC0;
	v12 =	vadd.f32 v19, v14;
	v14 =	vmul.f32 v63, v8;
	v15 =	vld [tilespmem:s1+$0xFFFFFFF8];
	(erf) = vpow2.f32 v18  }
.LBB2_3:
0x93: {  	p0 =	sne.s32 s17, $0x13FC0;
	v7 =	vld [tilespmem:s0+$0x6990];
	v9 =	vsel vm5, v9, v11;
	v11 =	vadd.f32 v16, v13;
	v3 =	vsel vm12, $0x0, v3;
	v13, _, _ =	vpop (xrf2);
	(xrf2) =	vadd.scan.msk.f32 $0xffff, v10  }
0x94: {  	v8 =	vld [tilespmem:s0+$0x6970];
	v10 =	vbroadcast v13, $0xF;
	v3 =	vcvt.s32.f32 v3  }
0x95: {  	v13 =	vld [tilespmem:s0+$0x6950];
	v11 =	vadd.f32 v14, v11  }
0x96: {  	v14 =	vld [tilespmem:s0+$0x6930];
	v9 =	vsel vm6, v9, v10;
	(xrf2) =	vadd.scan.msk.f32 $0xffff, v12  }
0x97: {  	v10 =	vsel vm0, $0x0, v15;
	v12 =	vld [tilespmem:s0+$0x6910];
	v15, _, _ =	vpop (xrf2)  }
0x98: {  	v16 =	vld [tilespmem:s0+$0x68F0];
	(xrf0) =	vadd.scan.msk.s32 $0xffff, v10;
	v17 =	vbroadcast v15, $0xF  }
0x99: {  	v15 =	vld [tilespmem:s0+$0x68D0];
	(xrf2) =	vadd.scan.msk.f32 $0xffff, v11  }
0x9a: {  	v11 =	vld [tilespmem:s0+$0x68B0];
	v9 =	vsel vm7, v9, v17;
	v10, _, _ =	vpop (xrf2)  }
0x9b: {  	v17 =	vld [tilespmem:s0+$0x6890];
	v21 =	vbroadcast v10, $0xF;
	v18 =	vpop (erf)  }
0x9c: {  	v19 =	vld [tilespmem:s0+$0x6870];
	v18 =	vadd.f32 $1.000000000e+00, v18  }
0x9d: {  	v20 =	vld [tilespmem:s0+$0x6850];
	v9 =	vsel vm8, v9, v21;
	v10, _, _ =	vpop (xrf2)  }
0x9e: {  	v21 =	vld [tilespmem:s0+$0x67C0];
	v22, _, _ =	vpop (xrf0);
	v23 =	vbroadcast v10, $0xF;
	(erf) = vrcp.f32 v18  }
0x9f: {  	v18 =	vld [tilespmem:s0+$0x6800];
	(v2sf) =	vpush v22, $0xF  }
0xa0: {  	v22 =	vld [tilespmem:s0+$0x6810];
	v9 =	vsel vm9, v9, v23;
	v10, _, _ =	vpop (xrf2)  }
0xa1: {  	v23 =	vld [tilespmem:s0+$0x67B0];
	v26 =	vbroadcast v10, $0xF  }
0xa2: {  	v24 =	vld [tilespmem:s0+$0x6790]  }
0xa3: {  	v25 =	vld [tilespmem:s0+$0x67D0];
	v9 =	vsel vm10, v9, v26;
	v10, _, _ =	vpop (xrf2)  }
0xa4: {  	v26 =	vld [tilespmem:s0+$0x67A0];
	v9 =	vsel vm11, v9, v10  }
0xa5: {  	v10 =	vld [tilespmem:s0+$0x67E0];
	v9 =	vsub.f32 $0.0e+00, v9  }
0xa6: {  	v27 =	vld [tilespmem:s0+$0x67F0]  }
0xa7: {  	v28 =	vld [tilespmem:s0+$0x6820];
	v9 =	vmul.f32 $1.442695020e+00, v9;
	v29 =	vpop (erf)  }
0xa8: {  	v30 =	vld [tilespmem:s0+$0x6830];
	v29 =	vsub.f32 $1.000000000e+00, v29  }
0xa9: {  	v31 =	vld [tilespmem:s0+$0x6860];
	(erf) = vpow2.f32 v9  }
0xaa: {  	v9 =	vadd.f32 v25, v24;
	v10 =	vadd.f32 v10, v26;
	v24 =	vld [tilespmem:s0+$0x6840];
	v25 =	vnsel vm1, $0x0, v29  }
0xab: {  	v18 =	vadd.f32 v18, v21;
	v26 =	vld [tilespmem:s0+$0x68A0];
	v23 =	vadd.f32 v27, v23;
	v21 =	vmul.f32 v25, v25  }
0xac: {  	v9 =	vadd.f32 v22, v9;
	v10 =	vadd.f32 v28, v10;
	v22 =	vld [tilespmem:s0+$0x6880]  }
0xad: {  	v25 =	vld [tilespmem:s0+$0x68E0];
	v23 =	vadd.f32 v30, v23;
	v1 =	vadd.f32 v21, v1  }
0xae: {  	v9 =	vadd.f32 v20, v9;
	v10 =	vadd.f32 v31, v10;
	v20 =	vld [tilespmem:s0+$0x68C0];
	s19 =	spop (v2sf)  }
0xaf: {  	s19 =	scvt.s32.f32 s19;
	v21 =	vld [tilespmem:s0+$0x6920];
	v27 =	vadd.f32 v19, v23;
	v18 =	vadd.f32 v24, v18  }
0xb0: {  	v9 =	vadd.f32 v17, v9;
	v10 =	vadd.f32 v26, v10;
	v17 =	vld [tilespmem:s0+$0x6900]  }
0xb1: {  	v23 =	vmov s19;
	v24 =	vld [tilespmem:s0+$0x6960];
	v11 =	vadd.f32 v11, v27;
	v18 =	vadd.f32 v22, v18  }
0xb2: {  	v9 =	vadd.f32 v15, v9;
	v10 =	vadd.f32 v25, v10;
	v15 =	vld [tilespmem:s0+$0x6940];
	(erf) = vrcp.f32 v23;
	v19 =	vpop (erf)  }
0xb3: {  	v22 =	vld [tilespmem:s0+$0x69A0];
	v11 =	vadd.f32 v16, v11;
	v16 =	vadd.f32 v20, v18  }
0xb4: {  	v9 =	vadd.f32 v12, v9;
	v10 =	vadd.f32 v21, v10;
	v12 =	vld [tilespmem:s0+$0x6980]  }
0xb5: {  	v18 =	vld [tilespmem:s0+$0x69E0];
	v11 =	vadd.f32 v14, v11;
	v14 =	vadd.f32 v17, v16  }
0xb6: {  	v9 =	vadd.f32 v13, v9;
	v10 =	vadd.f32 v24, v10;
	v13 =	vld [tilespmem:s0+$0x69F0]  }
0xb7: {  	v8 =	vadd.f32 v8, v11;
	v11 =	vadd.f32 v15, v14;
	v14 =	vld [tilespmem:s0+$0x69C0]  }
0xb8: {  	v7 =	vadd.f32 v7, v9;
	v9 =	vadd.f32 v22, v10;
	v10 =	vld [tilespmem:s16+$0xFFFFFFF0]  }
0xb9: {  	v6 =	vadd.f32 v6, v8;
	v8 =	vadd.f32 v12, v11;
	v11 =	vld [tilespmem:s0+$0x6A00]  }
0xba: {  	v5 =	vadd.f32 v5, v7;
	v7 =	vadd.f32 v18, v9;
	v9 =	vld [tilespmem:s0+$0x10790]  }
0xbb: {  	v16 =	vadd.f32 $1.000000000e+00, v19;
	v12 =	vadd.f32 v13, v6;
	v13 =	vld [tilespmem:s16+$0x0];
	v15 =	vpop (erf)  }
0xbc: {  	v6 =	vmul.f32 v5, v15;
	v5 =	vmul.f32 v7, v15;
	v8 =	vadd.f32 v14, v8;
	v14 =	vld [tilespmem:s0+$0x107A0]  }
0xbd: {  	v7 =	vmul.f32 v12, v15;
	v12 =	vld [tilespmem:s16+$0x10];
	(erf) = vrcp.f32 v16  }
0xbe: {  	v8 =	vadd.f32 v11, v8;
	v4 =	vmul.f32 v4, v6;
	v10 =	vmul.f32 v10, v5;
	v11 =	vld [tilespmem:s0+$0x107D0]  }
0xbf: {  	v9 =	vmul.f32 v9, v6;
	v16 =	vld [tilespmem:s0+$0x107E0]  }
0xc0: {  	v8 =	vmul.f32 v8, v15;
	v4 =	vadd.f32 v10, v4;
	v10 =	vmul.f32 v13, v7;
	v13 =	vld [tilespmem:s0+$0x107B0]  }
0xc1: {  	v14 =	vmul.f32 v14, v5;
	v15 =	vld [tilespmem:s0+$0x10810]  }
0xc2: {  	v4 =	vadd.f32 v10, v4;
	v10 =	vmul.f32 v12, v8;
	v12 =	vld [tilespmem:s0+$0x10820]  }
0xc3: {  	v9 =	vadd.f32 v14, v9;
	v11 =	vmul.f32 v11, v6;
	v14 =	vld [tilespmem:s0+$0x107F0]  }
0xc4: {  	v19 =	vadd.f32 v10, v4;
	v10 =	vmul.f32 v16, v5;
	v16 =	vld [tilespmem:s0+$0x10850]  }
0xc5: {  	v13 =	vmul.f32 v13, v7;
	v17 =	vld [tilespmem:s0+$0x10860]  }
0xc6: {  	v18 =	vld [tilespmem:s0+$0x107C0];
	v10 =	vadd.f32 v10, v11;
	v11 =	vmul.f32 v15, v6;
	(xrf2) =	vadd.scan.msk.f32 $0xffff, v19;
	v4 =	vpop (erf)  }
0xc7: {  	v9 =	vadd.f32 v13, v9;
	v12 =	vmul.f32 v12, v5;
	v13 =	vld [tilespmem:s0+$0x10830];
	v3 =	vmul.f32 v3, v4  }
0xc8: {  	v4 =	vmul.f32 v14, v7;
	v14 =	vld [tilespmem:s0+$0x10890]  }
0xc9: {  	v11 =	vadd.f32 v12, v11;
	v12 =	vmul.f32 v16, v6;
	v15 =	vld [tilespmem:s0+$0x108A0];
	v3 =	vmul.f32 v3, v3  }
0xca: {  	v4 =	vadd.f32 v4, v10;
	v10 =	vld [tilespmem:s0+$0x10800];
	v16 =	vmul.f32 v17, v5  }
0xcb: {  	v17 =	vmul.f32 v18, v8;
	v18 =	vld [tilespmem:s0+$0x10870];
	v2 =	vadd.f32 v3, v2  }
0xcc: {  	v3 =	vmul.f32 v13, v7;
	v12 =	vadd.f32 v16, v12;
	v13 =	vld [tilespmem:s0+$0x108D0]  }
0xcd: {  	v9 =	vadd.f32 v17, v9;
	v14 =	vmul.f32 v14, v6;
	v16 =	vld [tilespmem:s0+$0x108E0]  }
0xce: {  	v3 =	vadd.f32 v3, v11;
	v11 =	vld [tilespmem:s0+$0x10840];
	v15 =	vmul.f32 v15, v5  }
0xcf: {  	v10 =	vmul.f32 v10, v8;
	v17 =	vld [tilespmem:s0+$0x108B0];
	(xrf2) =	vadd.scan.msk.f32 $0xffff, v9  }
0xd0: {  	v9 =	vmul.f32 v18, v7;
	v14 =	vadd.f32 v15, v14;
	v15 =	vld [tilespmem:s0+$0x10910];
	v18, _, _ =	vpop (xrf2)  }
0xd1: {  	v4 =	vadd.f32 v10, v4;
	v10 =	vmul.f32 v13, v6;
	v13 =	vld [tilespmem:s0+$0x10920];
	(v2sf) =	vpush v18, $0xF  }
0xd2: {  	v9 =	vadd.f32 v9, v12;
	v12 =	vld [tilespmem:s0+$0x10880];
	v16 =	vmul.f32 v16, v5  }
0xd3: {  	v11 =	vmul.f32 v11, v8;
	v18 =	vld [tilespmem:s0+$0x108F0];
	(xrf2) =	vadd.scan.msk.f32 $0xffff, v4  }
0xd4: {  	v4 =	vmul.f32 v17, v7;
	v10 =	vadd.f32 v16, v10;
	v16 =	vld [tilespmem:s0+$0x10950]  }
0xd5: {  	v3 =	vadd.f32 v11, v3;
	v11 =	vmul.f32 v15, v6;
	v15 =	vld [tilespmem:s0+$0x10960]  }
0xd6: {  	v4 =	vadd.f32 v4, v14;
	v14 =	vld [tilespmem:s0+$0x108C0];
	v13 =	vmul.f32 v13, v5  }
0xd7: {  	v12 =	vmul.f32 v12, v8;
	v17 =	vld [tilespmem:s0+$0x10930];
	(xrf2) =	vadd.scan.msk.f32 $0xffff, v3  }
0xd8: {  	v3 =	vmul.f32 v18, v7;
	v11 =	vadd.f32 v13, v11;
	v13 =	vld [tilespmem:s0+$0x10990]  }
0xd9: {  	v9 =	vadd.f32 v12, v9;
	v12 =	vmul.f32 v16, v6;
	v16 =	vld [tilespmem:s0+$0x109A0];
	v18, _, _ =	vpop (xrf2)  }
0xda: {  	v18 =	vbroadcast v18, $0xF;
	v3 =	vadd.f32 v3, v10;
	v10 =	vld [tilespmem:s0+$0x10900];
	v20 =	vmul.f32 v15, v5  }
0xdb: {  	v14 =	vmul.f32 v14, v8;
	v19 =	vld [tilespmem:s0+$0x10970];
	(xrf2) =	vadd.scan.msk.f32 $0xffff, v9  }
0xdc: {  	v9 =	vnsel vm2, $0x0, v18;
	v17 =	vmul.f32 v17, v7;
	v18 =	vld [tilespmem:s0+$0x10940];
	v12 =	vadd.f32 v20, v12  }
0xdd: {  	v4 =	vadd.f32 v14, v4;
	v13 =	vmul.f32 v13, v6;
	v14 =	vld [tilespmem:s0+$0x109B0];
	v15, _, _ =	vpop (xrf2)  }
0xde: {  	v15 =	vbroadcast v15, $0xF;
	v11 =	vadd.f32 v17, v11;
	v17 =	vld [tilespmem:s0+$0x10980];
	v16 =	vmul.f32 v16, v5  }
0xdf: {  	v10 =	vmul.f32 v10, v8;
	v20 =	vld [tilespmem:s0+$0x109D0];
	(xrf2) =	vadd.scan.msk.f32 $0xffff, v4  }
0xe0: {  	v9 =	vsel vm3, v9, v15;
	v4 =	vmul.f32 v19, v7;
	v13 =	vadd.f32 v16, v13;
	v15 =	vld [tilespmem:s0+$0x109E0];
	s19 =	spop (v2sf)  }
0xe1: {  	s19 =	ssub.f32 $0.0e+00, s19;
	v3 =	vadd.f32 v10, v3;
	v10 =	vmul.f32 v18, v8;
	v16 =	vld [tilespmem:s0+$0x109C0];
	v18, _, _ =	vpop (xrf2)  }
0xe2: {  	v18 =	vbroadcast v18, $0xF;
	v12 =	vadd.f32 v4, v12;
	v4 =	vmul.f32 v14, v7;
	v14 =	vld [tilespmem:s0+$0x109F0]  }
0xe3: {  	v19 =	vmov s19;
	v11 =	vadd.f32 v10, v11;
	v10 =	vmul.f32 v17, v8;
	v17 =	vld [tilespmem:s0+$0x10A00];
	(xrf2) =	vadd.scan.msk.f32 $0xffff, v3  }
.Ltmp0:
0xe4: {  	s16 =	sadd.s32 $0x40, s16;
	v3 =	vld [tilespmem:s1+$0x0];
	v19 =	vmul.f32 $1.442695020e+00, v19;
	v21 =	vadd.f32 v4, v13;
	v13 =	vmul.f32 v20, v6;
	(pc) =	sbr.rel @p0 .LBB2_3-.Ltmp0, $4  }
0xe5: {  	s0 =	sshra.s32 s17, $0x2;
	v9 =	vsel vm4, v9, v18;
	v4 =	vld [tilespmem:s16+$0xFFFFFFE0];
	v10 =	vadd.f32 v10, v12;
	v12 =	vmul.f32 v15, v5;
	v15, _, _ =	vpop (xrf2)  }
0xe6: {  	v5 =	vld [tilespmem:s0+$0x69D0];
	v18 =	vbroadcast v19, $0x0;
	v19 =	vmul.f32 v16, v8;
	(xrf2) =	vadd.scan.msk.f32 $0xffff, v11  }
0xe7: {  	s1 =	sadd.s32 $0x20, s1;
	v11 =	vbroadcast v15, $0xF;
	v6 =	vld [tilespmem:s0+$0x69B0];
	v13 =	vadd.f32 v12, v13;
	v16 =	vmul.f32 v14, v7  }
0xe8: {  	s17 =	sadd.s32 $0xA00, s17;
	v15 =	vld [tilespmem:s1+$0xFFFFFFF8];
	v12 =	vadd.f32 v19, v21;
	v14 =	vmul.f32 v17, v8;
	(erf) = vpow2.f32 v18  }
0xe9: {  	v7 =	vld [tilespmem:s0+$0x6990]  }
0xea: {  	v8 =	vld [tilespmem:s0+$0x6970]  }
0xeb: {  	v17 =	vld [tilespmem:s0+$0x6950]  }
0xec: {  	v18 =	vld [tilespmem:s0+$0x6930]  }
0xed: {  	v19 =	vld [tilespmem:s0+$0x6910]  }
0xee: {  	v20 =	vld [tilespmem:s0+$0x68F0]  }
0xef: {  	v21 =	vld [tilespmem:s0+$0x68D0]  }
0xf0: {  	v22 =	vld [tilespmem:s0+$0x68B0]  }
0xf1: {  	v23 =	vld [tilespmem:s0+$0x6890]  }
0xf2: {  	v24 =	vld [tilespmem:s0+$0x6870]  }
0xf3: {  	v25 =	vld [tilespmem:s0+$0x6850]  }
0xf4: {  	v26 =	vld [tilespmem:s0+$0x67C0]  }
0xf5: {  	v27 =	vld [tilespmem:s0+$0x6800];
	v15 =	vsel vm0, $0x0, v15  }
0xf6: {  	v28 =	vld [tilespmem:s0+$0x67B0];
	(xrf0) =	vadd.scan.msk.s32 $0xffff, v15  }
0xf7: {  	v29 =	vld [tilespmem:s0+$0x6790]  }
0xf8: {  	v30 =	vld [tilespmem:s0+$0x67D0]  }
0xf9: {  	(xrf2) =	vadd.scan.msk.f32 $0xffff, v10;
	v10 =	vld [tilespmem:s0+$0x67A0]  }
0xfa: {  	v13 =	vadd.f32 v16, v13;
	v16 =	vld [tilespmem:s0+$0x67F0]  }
0xfb: {  	v31 =	vld [tilespmem:s0+$0x6860];
	(xrf2) =	vadd.scan.msk.f32 $0xffff, v12  }
0xfc: {  	v32 =	vld [tilespmem:s0+$0x6840];
	v13 =	vadd.f32 v14, v13;
	v14, _, _ =	vpop (xrf0)  }
0xfd: {  	v34 =	vld [tilespmem:s0+$0x68A0];
	(v2sf) =	vpush v14, $0xF  }
0xfe: {  	v36 =	vld [tilespmem:s0+$0x6880];
	(xrf2) =	vadd.scan.msk.f32 $0xffff, v13  }
0xff: {  	v37 =	vld [tilespmem:s0+$0x68E0]  }
0x100: {  	v38 =	vld [tilespmem:s0+$0x68C0]  }
0x101: {  	v33, _, _ =	vpop (xrf2);
	v39 =	vld [tilespmem:s0+$0x6920]  }
0x102: {  	v12 =	vld [tilespmem:s0+$0x67E0];
	v33 =	vbroadcast v33, $0xF;
	v35, _, _ =	vpop (xrf2)  }
0x103: {  	v9 =	vsel vm5, v9, v11;
	v13 =	vld [tilespmem:s0+$0x6830];
	v11 =	vbroadcast v35, $0xF;
	v48, _, _ =	vpop (xrf2)  }
0x104: {  	v9 =	vsel vm6, v9, v33;
	v15 =	vld [tilespmem:s0+$0x6810];
	v49 =	vbroadcast v48, $0xF;
	v50, _, _ =	vpop (xrf2)  }
0x105: {  	v9 =	vsel vm7, v9, v11;
	v11 =	vbroadcast v50, $0xF;
	v51, _, _ =	vpop (xrf2);
	v14 =	vld [tilespmem:s0+$0x6820]  }
0x106: {  	v53 =	vld [tilespmem:s0+$0x6900];
	v9 =	vsel vm8, v9, v49;
	v52 =	vbroadcast v51, $0xF  }
0x107: {  	v54 =	vld [tilespmem:s0+$0x6960];
	v16 =	vadd.f32 v16, v28;
	v9 =	vsel vm9, v9, v11;
	v11 =	vadd.f32 v30, v29  }
0x108: {  	v55 =	vld [tilespmem:s0+$0x6940];
	v10 =	vadd.f32 v12, v10;
	v9 =	vsel vm10, v9, v52;
	v12, _, _ =	vpop (xrf2)  }
0x109: {  	v57 =	vld [tilespmem:s0+$0x69F0];
	v13 =	vadd.f32 v13, v16;
	v9 =	vsel vm11, v9, v12;
	v11 =	vadd.f32 v15, v11  }
0x10a: {  	v58 =	vld [tilespmem:s0+$0x69C0];
	v56 =	vpop (erf);
	v9 =	vsub.f32 $0.0e+00, v9;
	v10 =	vadd.f32 v14, v10  }
0x10b: {  	v60 =	vld [tilespmem:s0+$0x6A00];
	v12 =	vadd.f32 v27, v26;
	v26 =	vadd.f32 $1.000000000e+00, v56  }
0x10c: {  	v61 =	vld [tilespmem:s0+$0x10790];
	v11 =	vadd.f32 v25, v11;
	v9 =	vmul.f32 $1.442695020e+00, v9;
	v10 =	vadd.f32 v31, v10;
	s17 =	spop (v2sf)  }
0x10d: {  	v62 =	vld [tilespmem:s16+$0x0];
	v13 =	vadd.f32 v24, v13;
	(erf) = vrcp.f32 v26;
	v12 =	vadd.f32 v32, v12;
	s17 =	scvt.s32.f32 s17  }
0x10e: {  	v63 =	vld [tilespmem:s0+$0x107F0];
	(erf) = vpow2.f32 v9;
	v9 =	vadd.f32 v23, v11;
	v10 =	vadd.f32 v34, v10  }
0x10f: {  	v40 =	vld [tilespmem:s0+$0x108A0];
	v13 =	vadd.f32 v22, v13;
	v12 =	vadd.f32 v36, v12;
	v59 =	vmov s17  }
0x110: {  	v41 =	vld [tilespmem:s0+$0x10870];
	v9 =	vadd.f32 v21, v9;
	v10 =	vadd.f32 v37, v10;
	(erf) = vrcp.f32 v59  }
0x111: {  	v15 =	vld [tilespmem:s0+$0x69A0];
	v13 =	vadd.f32 v20, v13;
	v12 =	vadd.f32 v38, v12  }
0x112: {  	v14 =	vld [tilespmem:s0+$0x6980];
	v9 =	vadd.f32 v19, v9;
	v10 =	vadd.f32 v39, v10  }
0x113: {  	v16 =	vld [tilespmem:s0+$0x69E0];
	v13 =	vadd.f32 v18, v13;
	v12 =	vadd.f32 v53, v12  }
0x114: {  	v42 =	vld [tilespmem:s0+$0x108E0];
	v9 =	vadd.f32 v17, v9;
	v10 =	vadd.f32 v54, v10  }
0x115: {  	v43 =	vld [tilespmem:s0+$0x108B0];
	v8 =	vadd.f32 v8, v13;
	v12 =	vadd.f32 v55, v12  }
0x116: {  	v44 =	vld [tilespmem:s0+$0x10910];
	v9 =	vadd.f32 v7, v9;
	v10 =	vadd.f32 v15, v10  }
0x117: {  	v11 =	vld [tilespmem:s16+$0xFFFFFFF0];
	v8 =	vadd.f32 v6, v8;
	v12 =	vadd.f32 v14, v12;
	v7 =	vpop (erf)  }
0x118: {  	v45 =	vld [tilespmem:s0+$0x10920];
	v6 =	vpop (erf);
	v5 =	vadd.f32 v5, v9;
	v9 =	vadd.f32 v16, v10  }
0x119: {  	v46 =	vld [tilespmem:s0+$0x10880];
	v8 =	vadd.f32 v57, v8;
	v16 =	vpop (erf)  }
0x11a: {  	v47 =	vld [tilespmem:s0+$0x108F0];
	v12 =	vadd.f32 v58, v12;
	v5 =	vmul.f32 v5, v16;
	v9 =	vmul.f32 v9, v16  }
0x11b: {  	v18 =	vld [tilespmem:s16+$0x10];
	v8 =	vmul.f32 v8, v16  }
0x11c: {  	v49 =	vld [tilespmem:s0+$0x10950];
	v12 =	vadd.f32 v60, v12;
	v4 =	vmul.f32 v4, v5;
	v11 =	vmul.f32 v11, v9  }
0x11d: {  	v13 =	vld [tilespmem:s0+$0x107E0]  }
0x11e: {  	v36 =	vld [tilespmem:s0+$0x10850];
	v12 =	vmul.f32 v12, v16;
	v4 =	vadd.f32 v11, v4;
	v11 =	vmul.f32 v62, v8  }
0x11f: {  	v19 =	vld [tilespmem:s0+$0x107A0]  }
0x120: {  	v17 =	vld [tilespmem:s0+$0x107D0];
	v4 =	vadd.f32 v11, v4;
	v11 =	vmul.f32 v18, v12  }
0x121: {  	v14 =	vld [tilespmem:s0+$0x10810]  }
0x122: {  	v15 =	vld [tilespmem:s0+$0x107B0];
	v4 =	vadd.f32 v11, v4  }
0x123: {  	v10 =	vld [tilespmem:s0+$0x10820]  }
0x124: {  	v38 =	vld [tilespmem:s0+$0x107C0];
	(xrf2) =	vadd.scan.msk.f32 $0xffff, v4  }
0x125: {  	v50 =	vld [tilespmem:s0+$0x10960];
	v21 =	vmul.f32 v61, v5  }
0x126: {  	v53 =	vld [tilespmem:s0+$0x10990];
	v19 =	vmul.f32 v19, v9;
	v17 =	vmul.f32 v17, v5  }
0x127: {  	v55 =	vld [tilespmem:s0+$0x109A0];
	v13 =	vmul.f32 v13, v9;
	v15 =	vmul.f32 v15, v8  }
0x128: {  	v39 =	vld [tilespmem:s0+$0x10830];
	v14 =	vmul.f32 v14, v5;
	v10 =	vmul.f32 v10, v9  }
0x129: {  	v16 =	vld [tilespmem:s0+$0x10890];
	v48 =	vmul.f32 v36, v5;
	v22 =	vmul.f32 v38, v12  }
0x12a: {  	v51 =	vld [tilespmem:s0+$0x10930];
	v54 =	vmul.f32 v41, v8;
	v58 =	vmul.f32 v44, v5  }
0x12b: {  	v59 =	vmul.f32 v45, v9;
	v23 =	vmul.f32 v53, v5;
	v18 =	vld [tilespmem:s0+$0x10800]  }
0x12c: {  	v37 =	vld [tilespmem:s0+$0x10860];
	v20 =	vmul.f32 v55, v9;
	v19 =	vadd.f32 v19, v21;
	v13 =	vadd.f32 v13, v17  }
0x12d: {  	v17 =	vmul.f32 v63, v8;
	v10 =	vadd.f32 v10, v14;
	v14 =	vmul.f32 v39, v8;
	v11 =	vld [tilespmem:s0+$0x108D0]  }
0x12e: {  	v61 =	vadd.f32 v59, v58;
	v63 =	vmul.f32 v50, v9;
	v16 =	vmul.f32 v16, v5;
	v4 =	vld [tilespmem:s0+$0x10840];
	v52, _, _ =	vpop (xrf2)  }
0x12f: {  	v29 =	vld [tilespmem:s0+$0x109D0];
	v10 =	vadd.f32 v14, v10;
	v14 =	vmul.f32 v40, v9;
	(v2sf) =	vpush v52, $0xF  }
0x130: {  	v15 =	vadd.f32 v15, v19;
	v13 =	vadd.f32 v17, v13;
	v17 =	vld [tilespmem:s0+$0x108C0];
	v18 =	vmul.f32 v18, v12  }
0x131: {  	v56 =	vld [tilespmem:s0+$0x10900];
	v19 =	vmul.f32 v37, v9;
	v14 =	vadd.f32 v14, v16;
	v16 =	vmul.f32 v42, v9  }
0x132: {  	v31 =	vld [tilespmem:s0+$0x109E0];
	v11 =	vmul.f32 v11, v5;
	v13 =	vadd.f32 v18, v13;
	v18 =	vmul.f32 v43, v8  }
0x133: {  	v32 =	vld [tilespmem:s0+$0x109C0];
	v19 =	vadd.f32 v19, v48;
	v15 =	vadd.f32 v22, v15;
	v4 =	vmul.f32 v4, v12  }
0x134: {  	v57 =	vld [tilespmem:s0+$0x10970];
	v11 =	vadd.f32 v16, v11;
	v14 =	vadd.f32 v18, v14;
	v18 =	vmul.f32 v47, v8  }
0x135: {  	v19 =	vadd.f32 v54, v19;
	v17 =	vmul.f32 v17, v12;
	v16 =	vld [tilespmem:s0+$0x109B0];
	v4 =	vadd.f32 v4, v10  }
0x136: {  	v60 =	vld [tilespmem:s0+$0x10940];
	v10 =	vmul.f32 v46, v12;
	v11 =	vadd.f32 v18, v11;
	v18 =	vmul.f32 v51, v8  }
0x137: {  	v62 =	vld [tilespmem:s0+$0x10980];
	v9 =	vmul.f32 v31, v9;
	v14 =	vadd.f32 v17, v14;
	v17 =	vmul.f32 v56, v12  }
0x138: {  	(xrf2) =	vadd.scan.msk.f32 $0xffff, v15;
	v10 =	vadd.f32 v10, v19;
	v19 =	vmul.f32 v49, v5;
	v15 =	vadd.f32 v18, v61;
	v18 =	vld [tilespmem:s0+$0x109F0]  }
0x139: {  	v20 =	vadd.f32 v20, v23;
	(xrf2) =	vadd.scan.msk.f32 $0xffff, v13;
	v13 =	vmul.f32 v57, v8;
	v5 =	vmul.f32 v29, v5  }
0x13a: {  	(xrf2) =	vadd.scan.msk.f32 $0xffff, v4;
	v4 =	vadd.f32 v17, v11;
	v17 =	vld [tilespmem:s0+$0x10A00];
	v11 =	vmul.f32 v16, v8;
	v19 =	vadd.f32 v63, v19  }
0x13b: {  	v33 =	vmul.f32 v60, v12;
	v5 =	vadd.f32 v9, v5  }
0x13c: {  	v16 =	vmul.f32 v62, v12;
	(xrf2) =	vadd.scan.msk.f32 $0xffff, v10;
	v11 =	vadd.f32 v11, v20;
	v10 =	vadd.f32 v13, v19  }
0x13d: {  	(xrf2) =	vadd.scan.msk.f32 $0xffff, v14;
	v14 =	vmul.f32 v32, v12;
	v13 =	vadd.f32 v33, v15;
	v8 =	vmul.f32 v18, v8  }
0x13e: {  	(xrf2) =	vadd.scan.msk.f32 $0xffff, v4;
	v4 =	vadd.f32 v16, v10;
	s19 =	spop (v2sf)  }
0x13f: {  	v9 =	vadd.f32 v14, v11;
	(xrf2) =	vadd.scan.msk.f32 $0xffff, v13;
	v10 =	vmul.f32 v17, v12;
	v5 =	vadd.f32 v8, v5;
	s0 =	ssub.f32 $0.0e+00, s19  }
0x140: {  	(xrf2) =	vadd.scan.msk.f32 $0xffff, v4  }
0x141: {  	(xrf2) =	vadd.scan.msk.f32 $0xffff, v9;
	v5 =	vadd.f32 v10, v5;
	v4 =	vmov s0  }
0x142: {  	v8, _, _ =	vpop (xrf2);
	v4 =	vmul.f32 $1.442695020e+00, v4  }
0x143: {  	v8 =	vbroadcast v8, $0xF  }
0x144: {  	v6 =	vadd.f32 $1.000000000e+00, v6;
	v9, _, _ =	vpop (xrf2);
	v4 =	vbroadcast v4, $0x0  }
0x145: {  	(xrf2) =	vadd.scan.msk.f32 $0xffff, v5;
	v9 =	vbroadcast v9, $0xF;
	v5, _, _ =	vpop (xrf2)  }
0x146: {  	(erf) = vrcp.f32 v6;
	v6 =	vnsel vm2, $0x0, v8;
	v10, _, _ =	vpop (xrf2);
	v5 =	vbroadcast v5, $0xF  }
0x147: {  	v6 =	vsel vm3, v6, v9;
	v8, _, _ =	vpop (xrf2);
	v9 =	vbroadcast v10, $0xF  }
0x148: {  	v5 =	vsel vm4, v6, v5;
	v6 =	vbroadcast v8, $0xF;
	(erf) = vpow2.f32 v4;
	v4, _, _ =	vpop (xrf2)  }
0x149: {  	v5 =	vsel vm5, v5, v9;
	v4 =	vbroadcast v4, $0xF;
	v8, _, _ =	vpop (xrf2)  }
0x14a: {  	v5 =	vsel vm6, v5, v6;
	v6 =	vbroadcast v8, $0xF;
	v8, _, _ =	vpop (xrf2)  }
0x14b: {  	v4 =	vsel vm7, v5, v4;
	v5 =	vbroadcast v8, $0xF;
	v8, _, _ =	vpop (xrf2)  }
0x14c: {  	v4 =	vsel vm8, v4, v6;
	v6 =	vbroadcast v8, $0xF;
	_ =	sdelay $0x1  }
0x14d: {  	v4 =	vsel vm9, v4, v5  }
0x14e: {  	v4 =	vsel vm10, v4, v6;
	v5, _, _ =	vpop (xrf2)  }
0x14f: {  	v6 =	vpop (erf);
	v4 =	vsel vm11, v4, v5  }
0x150: {  	v5 =	vpop (erf);
	v4 =	vsub.f32 $0.0e+00, v4  }
0x151: {  	v5 =	vadd.f32 $1.000000000e+00, v5  }
0x152: {  	v4 =	vmul.f32 $1.442695020e+00, v4  }
0x153: {  	(erf) = vrcp.f32 v5  }
0x154: {  	(erf) = vpow2.f32 v4;
	_ =	sdelay $0x7  }
0x155: {  	v4 =	vpop (erf)  }
0x156: {  	v5 =	vpop (erf)  }
0x157: {  	v5 =	vadd.f32 $1.000000000e+00, v5;
	_ =	sdelay $0x1  }
0x158: {  	(erf) = vrcp.f32 v5;
	_ =	sdelay $0x1  }
0x159: {  	v5 =	vld [tilespmem:s1+$0x0];
	_ =	sdelay $0x1  }
0x15a: {  	v7 =	vsub.f32 $1.000000000e+00, v7  }
0x15b: {  	v3 =	vsel vm12, $0x0, v3  }
0x15c: {  	v3 =	vcvt.s32.f32 v3;
	v7 =	vnsel vm1, $0x0, v7  }
0x15d: {  	v5 =	vsel vm12, $0x0, v5  }
0x15e: {  	v3 =	vmul.f32 v3, v6;
	v4 =	vsub.f32 $1.000000000e+00, v4;
	v5 =	vcvt.s32.f32 v5  }
0x15f: {  	v6 =	vmul.f32 v7, v7;
	v7 =	vpop (erf)  }
0x160: {  	v3 =	vmul.f32 v3, v3;
	v4 =	vnsel vm1, $0x0, v4;
	v5 =	vmul.f32 v5, v7  }
0x161: {  	v1 =	vadd.f32 v6, v1;
	v4 =	vmul.f32 v4, v4  }
0x162: {  	p0 =	seq.s32 s30, $0x7;
	v2 =	vadd.f32 v3, v2;
	v3 =	vmul.f32 v5, v5  }
0x163: {  	s0 =	sadd.s32 @!p0 $0x2, s31;
	v1 =	vadd.f32 v4, v1  }
0x164: {  	s1 =	smul.u32 @!p0 $0x140, s0;
	v2 =	vadd.f32 v3, v2  }
0x165: {  	s17 =	simm.s32 @!p0 $0x140;
	[tilespmem:$0x1BA00] =	vst v1  }
0x166: {  	s19 =	simm.s32 @!p0 $0x6A00;
	s0 =	sshll.u32 @!p0 s0, $0x5;
	s16 =	sadd.s32 @!p0 $0x4000, s1;
	[tilespmem:$0x1BA10] =	vst v2  }
0x167: {  	[tilespmem:s19], [sflag:$0x1] =	stream.indirect.gather @!p0 [hbm4b:s3+s17], $0x40, s16, s17, $0xb8;
	[tilespmem:$0x1BA20] =	vst v63  }
0x168: {  	s0 =	sand.u32 @!p0 $0x3FFFFFE0, s0;
	s1 =	sadd.s32 @!p0 $0x5400, s1;
	s16 =	simm.s32 @!p0 $0x10A00  }
0x169: {  	[tilespmem:s16], [sflag:$0x1] =	stream.indirect.gather @!p0 [hbm4b:s4+s17], $0x40, s1, s17, $0xb8;
	[tilespmem:$0x1BA20] =	vst v63  }
0x16a: {  	s0 =	sadd.s32 @!p0 $0x6800, s0;
	s1 =	simm.s32 @!p0 $0x20;
	s16 =	simm.s32 @!p0 $0x1AA00  }
0x16b: {  	[tilespmem:s16], [sflag:$0x1] =	stream.indirect.gather @!p0 [hbm4b:s4+s1], $0x40, s0, s1, $0xb8;
	[tilespmem:$0x1BA20] =	vst v63  }
0x16c: {  	_ =	swait.ge [sflag:s24], $0x5000  }
0x16d: {  	[sflag:s24] =	ssyncset.done $0x0  }
0x16e: {  	[sflag:s24] =	ssyncadd.s32 $0xFFFFB000  }
0x16f: {  	_ =	swait.ge [sflag:s24], $0x5000  }
0x170: {  	[sflag:s24] =	ssyncset.done $0x0  }
0x171: {  	[sflag:s24] =	ssyncadd.s32 $0xFFFFB000  }
0x172: {  	_ =	swait.ge [sflag:s24], $0x800  }
0x173: {  	[sflag:s24] =	ssyncset.done $0x0  }
0x174: {  	[sflag:s24] =	ssyncadd.s32 $0xFFFFF800  }
0x175: {  	s0 =	simm.s32 $0x1B230;
	v1 =	vld [tilespmem:$0x1BA00]  }
0x176: {  	s17 =	simm.s32 $0x0;
	v3 =	vld [tilespmem:s0+$0xFFFFFFD0]  }
0x177: {  	v4 =	vld [tilespmem:s17+$0xBC40]  }
0x178: {  	v5 =	vld [tilespmem:s17+$0xBC20]  }
0x179: {  	v6 =	vld [tilespmem:s29+$0xFFFFFFF8]  }
0x17a: {  	v7 =	vld [tilespmem:s17+$0xBC00]  }
0x17b: {  	v8 =	vld [tilespmem:s17+$0xBBE0]  }
0x17c: {  	v9 =	vld [tilespmem:s17+$0xBBC0]  }
0x17d: {  	v10 =	vld [tilespmem:s17+$0xBBA0]  }
0x17e: {  	v11 =	vld [tilespmem:s17+$0xBB80];
	v6 =	vsel vm0, $0x0, v6  }
0x17f: {  	v12 =	vld [tilespmem:s17+$0xBB60];
	(xrf0) =	vadd.scan.msk.s32 $0xffff, v6  }
0x180: {  	v13 =	vld [tilespmem:s17+$0xBB20]  }
0x181: {  	v14 =	vld [tilespmem:s17+$0xBB00]  }
0x182: {  	v15 =	vld [tilespmem:s17+$0xBAE0]  }
0x183: {  	v16 =	vld [tilespmem:s17+$0xBAC0]  }
0x184: {  	v17 =	vld [tilespmem:s17+$0xBA30]  }
0x185: {  	v19 =	vld [tilespmem:s17+$0xBA70];
	v18, _, _ =	vpop (xrf0)  }
0x186: {  	v34 =	vld [tilespmem:s17+$0xBA20];
	(v2sf) =	vpush v18, $0xF  }
0x187: {  	v35 =	vld [tilespmem:s17+$0xBA00]  }
0x188: {  	v36 =	vld [tilespmem:s17+$0xBA40]  }
0x189: {  	v37 =	vld [tilespmem:s17+$0xBA10]  }
0x18a: {  	v38 =	vld [tilespmem:s17+$0xBA50]  }
0x18b: {  	v39 =	vld [tilespmem:s17+$0xBA60]  }
0x18c: {  	v40 =	vld [tilespmem:s17+$0xBA90]  }
0x18d: {  	v41 =	vld [tilespmem:s17+$0xBAA0]  }
0x18e: {  	v18 =	vld [tilespmem:s17+$0xBA80]  }
0x18f: {  	v42 =	vld [tilespmem:s17+$0xBAD0]  }
0x190: {  	v44 =	vld [tilespmem:s17+$0xBAB0]  }
0x191: {  	v45 =	vld [tilespmem:s17+$0xBB10];
	v21 =	vadd.f32 v36, v35;
	v43 =	vadd.f32 v38, v37  }
0x192: {  	v47 =	vld [tilespmem:s17+$0xBAF0];
	v20 =	vadd.f32 v39, v34;
	v17 =	vadd.f32 v19, v17  }
0x193: {  	v19 =	vld [tilespmem:s17+$0xBB50];
	v46 =	vadd.f32 v40, v43;
	v18 =	vadd.f32 v18, v21  }
0x194: {  	v6 =	vld [tilespmem:s17+$0xBB40];
	v20 =	vadd.f32 v41, v20  }
0x195: {  	v48 =	vld [tilespmem:s17+$0xBB30];
	v16 =	vadd.f32 v16, v18;
	v18 =	vadd.f32 v42, v46;
	s19 =	spop (v2sf)  }
0x196: {  	v49 =	vld [tilespmem:s17+$0xBB90];
	v17 =	vadd.f32 v44, v17;
	v15 =	vadd.f32 v15, v20;
	s16 =	scvt.s32.f32 s19  }
0x197: {  	v14 =	vadd.f32 v14, v16;
	v16 =	vadd.f32 v45, v18;
	v18 =	vld [tilespmem:s17+$0xBB70]  }
0x198: {  	v51 =	vld [tilespmem:s17+$0xBBD0];
	v13 =	vadd.f32 v13, v15;
	v15 =	vadd.f32 v47, v17;
	v50 =	vmov s16  }
0x199: {  	v6 =	vadd.f32 v6, v14;
	v14 =	vadd.f32 v19, v16;
	v16 =	vld [tilespmem:s17+$0xBBB0];
	(erf) = vrcp.f32 v50  }
0x19a: {  	v17 =	vld [tilespmem:s17+$0xBC10];
	v12 =	vadd.f32 v12, v13;
	v13 =	vadd.f32 v48, v15  }
0x19b: {  	v6 =	vadd.f32 v11, v6;
	v11 =	vadd.f32 v49, v14;
	v14 =	vld [tilespmem:s17+$0xBBF0]  }
0x19c: {  	v15 =	vld [tilespmem:s17+$0xBC50];
	v10 =	vadd.f32 v10, v12;
	v12 =	vadd.f32 v18, v13  }
0x19d: {  	v6 =	vadd.f32 v9, v6;
	v9 =	vadd.f32 v51, v11;
	v11 =	vld [tilespmem:s17+$0xBC60]  }
0x19e: {  	v8 =	vadd.f32 v8, v10;
	v10 =	vadd.f32 v16, v12;
	v12 =	vld [tilespmem:s17+$0xBC30]  }
0x19f: {  	v6 =	vadd.f32 v7, v6;
	v7 =	vadd.f32 v17, v9;
	v9 =	vld [tilespmem:s0+$0xFFFFFFE0]  }
0x1a0: {  	v5 =	vadd.f32 v5, v8;
	v8 =	vadd.f32 v14, v10;
	v10 =	vld [tilespmem:s17+$0xBC70]  }
0x1a1: {  	v2 =	vld [tilespmem:$0x1BA10];
	v4 =	vadd.f32 v4, v6;
	v6 =	vadd.f32 v15, v7  }
0x1a2: {  	v7 =	vadd.f32 v11, v5;
	v11 =	vld [tilespmem:s0+$0xFFFFFFF0];
	v14 =	vpop (erf)  }
0x1a3: {  	v52 =	vld [tilespmem:s17+$0x15B10];
	v4 =	vmul.f32 v4, v14;
	v5 =	vmul.f32 v6, v14;
	v6 =	vadd.f32 v12, v8  }
0x1a4: {  	v15 =	vld [tilespmem:s0+$0x0];
	v7 =	vmul.f32 v7, v14  }
0x1a5: {  	v53 =	vld [tilespmem:s17+$0x15AE0];
	v6 =	vadd.f32 v10, v6;
	v3 =	vmul.f32 v3, v4;
	v9 =	vmul.f32 v9, v5  }
0x1a6: {  	v19 =	vld [tilespmem:s17+$0x15B00]  }
0x1a7: {  	v13 =	vld [tilespmem:s17+$0x15A00];
	v8 =	vmul.f32 v6, v14;
	v3 =	vadd.f32 v9, v3;
	v6 =	vmul.f32 v11, v7  }
0x1a8: {  	v18 =	vld [tilespmem:s17+$0x15A30]  }
0x1a9: {  	v12 =	vld [tilespmem:s17+$0x15A10];
	v3 =	vadd.f32 v6, v3;
	v6 =	vmul.f32 v15, v8  }
0x1aa: {  	v16 =	vld [tilespmem:s17+$0x15A50]  }
0x1ab: {  	v9 =	vld [tilespmem:s17+$0x15A20];
	v3 =	vadd.f32 v6, v3  }
0x1ac: {  	v10 =	vld [tilespmem:s17+$0x15A40]  }
0x1ad: {  	v14 =	vld [tilespmem:s17+$0x15A90];
	(xrf2) =	vadd.scan.msk.f32 $0xffff, v3  }
0x1ae: {  	v13 =	vmul.f32 v13, v4;
	v12 =	vmul.f32 v12, v5;
	v15 =	vld [tilespmem:s17+$0x15A60]  }
0x1af: {  	v11 =	vld [tilespmem:s17+$0x15A80]  }
0x1b0: {  	v12 =	vadd.f32 v12, v13;
	v13 =	vld [tilespmem:s17+$0x15A70];
	v9 =	vmul.f32 v9, v7  }
0x1b1: {  	v17 =	vld [tilespmem:s17+$0x15AD0];
	v16 =	vmul.f32 v16, v5;
	v10 =	vmul.f32 v10, v4  }
0x1b2: {  	v3 =	vld [tilespmem:s17+$0x15AA0];
	v9 =	vadd.f32 v9, v12;
	v12 =	vmul.f32 v18, v8  }
0x1b3: {  	v6 =	vld [tilespmem:s17+$0x15AC0];
	v10 =	vadd.f32 v16, v10;
	v14 =	vmul.f32 v14, v5;
	v15 =	vmul.f32 v15, v7  }
0x1b4: {  	v9 =	vadd.f32 v12, v9;
	v12 =	vld [tilespmem:s17+$0x15AB0]  }
0x1b5: {  	v16 =	vld [tilespmem:s17+$0x15B50];
	v11 =	vmul.f32 v11, v4;
	v13 =	vmul.f32 v13, v8;
	v10 =	vadd.f32 v15, v10  }
0x1b6: {  	v18 =	vld [tilespmem:s17+$0x15B40]  }
0x1b7: {  	v11 =	vadd.f32 v14, v11;
	v15 =	vld [tilespmem:s17+$0x15B20];
	(xrf2) =	vadd.scan.msk.f32 $0xffff, v9;
	v3 =	vmul.f32 v3, v7;
	v10 =	vadd.f32 v13, v10;
	v14, _, _ =	vpop (xrf2)  }
0x1b8: {  	v6 =	vmul.f32 v6, v4;
	(v2sf) =	vpush v14, $0xF;
	v14 =	vld [tilespmem:s17+$0x15AF0]  }
0x1b9: {  	v9 =	vld [tilespmem:s17+$0x15B80];
	v3 =	vadd.f32 v3, v11;
	(xrf2) =	vadd.scan.msk.f32 $0xffff, v10;
	v10 =	vmul.f32 v17, v5;
	v11 =	vmul.f32 v12, v8  }
0x1ba: {  	v13 =	vld [tilespmem:s17+$0x15B90]  }
0x1bb: {  	v54 =	vmul.f32 v53, v7;
	v17 =	vld [tilespmem:s17+$0x15BC0];
	v6 =	vadd.f32 v10, v6;
	v3 =	vadd.f32 v11, v3  }
0x1bc: {  	v19 =	vmul.f32 v19, v4;
	v12 =	vld [tilespmem:s17+$0x15B60];
	v10 =	vmul.f32 v52, v5  }
0x1bd: {  	v11 =	vld [tilespmem:s17+$0x15BD0];
	(xrf2) =	vadd.scan.msk.f32 $0xffff, v3;
	v3 =	vadd.f32 v54, v6;
	v6 =	vmul.f32 v14, v8  }
0x1be: {  	v55 =	vld [tilespmem:s17+$0x15B30];
	v15 =	vmul.f32 v15, v7;
	v10 =	vadd.f32 v10, v19  }
0x1bf: {  	v16 =	vmul.f32 v16, v5;
	v18 =	vmul.f32 v18, v4;
	v19 =	vld [tilespmem:s17+$0x15B70];
	v3 =	vadd.f32 v6, v3  }
0x1c0: {  	v9 =	vmul.f32 v9, v4;
	v13 =	vmul.f32 v13, v5;
	v10 =	vadd.f32 v15, v10;
	v15 =	vld [tilespmem:s17+$0x15BE0]  }
0x1c1: {  	v16 =	vadd.f32 v16, v18;
	v18 =	vld [tilespmem:s17+$0x15C10];
	v12 =	vmul.f32 v12, v7;
	v6, _, _ =	vpop (xrf2);
	(xrf2) =	vadd.scan.msk.f32 $0xffff, v3  }
0x1c2: {  	v9 =	vadd.f32 v13, v9;
	v13 =	vmul.f32 v17, v4;
	v11 =	vmul.f32 v11, v5;
	v14 =	vld [tilespmem:s17+$0x15C00]  }
0x1c3: {  	v56 =	vld [tilespmem:s17+$0x15BA0];
	v12 =	vadd.f32 v12, v16;
	v16 =	vmul.f32 v55, v8  }
0x1c4: {  	v59 =	vld [tilespmem:s17+$0x15BF0];
	v19 =	vmul.f32 v19, v8;
	v11 =	vadd.f32 v11, v13  }
0x1c5: {  	v10 =	vadd.f32 v16, v10;
	v15 =	vmul.f32 v15, v7;
	v3 =	vld [tilespmem:s17+$0x15BB0];
	v6 =	vbroadcast v6, $0xF;
	v57, _, _ =	vpop (xrf2)  }
0x1c6: {  	v17 =	vld [tilespmem:s17+$0x15C20];
	v16 =	vmul.f32 v18, v5;
	v13 =	vbroadcast v57, $0xF  }
0x1c7: {  	v18 =	vld [tilespmem:s17+$0x15C40];
	v11 =	vadd.f32 v15, v11;
	v14 =	vmul.f32 v14, v4;
	(xrf2) =	vadd.scan.msk.f32 $0xffff, v10;
	v6 =	vnsel vm2, $0x0, v6  }
0x1c8: {  	v58 =	vmul.f32 v56, v7;
	v6 =	vsel vm3, v6, v13;
	v13 =	vld [tilespmem:s17+$0x15C50];
	s31 =	spop (v2sf)  }
0x1c9: {  	v20 =	vmul.f32 v59, v8;
	v12 =	vadd.f32 v19, v12;
	v14 =	vadd.f32 v16, v14;
	v16 =	vld [tilespmem:s17+$0x15C30];
	s1 =	ssub.f32 $0.0e+00, s31  }
0x1ca: {  	v61 =	vld [tilespmem:s17+$0x15C60];
	v9 =	vadd.f32 v58, v9;
	v60, _, _ =	vpop (xrf2);
	v3 =	vmul.f32 v3, v8  }
0x1cb: {  	v63 =	vld [tilespmem:s17+$0x15C70];
	v17 =	vmul.f32 v17, v7;
	v10 =	vadd.f32 v20, v11;
	v15 =	vmov s1;
	v11, _, _ =	vpop (xrf2);
	(xrf2) =	vadd.scan.msk.f32 $0xffff, v12  }
0x1cc: {  	s16 =	simm.s32 $0x1B270;
	v19 =	vbroadcast v60, $0xF;
	v62 =	vadd.f32 v3, v9;
	v3 =	vld [tilespmem:s29+$0x0];
	v15 =	vmul.f32 $1.442695020e+00, v15  }
0x1cd: {  	s0 =	simm.s32 $0x280;
	v17 =	vadd.f32 v17, v14;
	v14 =	vmul.f32 v18, v4;
	v4 =	vld [tilespmem:s16+$0xFFFFFFD0];
	v13 =	vmul.f32 v13, v5  }
0x1ce: {  	v9 =	vsel vm4, v6, v19;
	v6 =	vld [tilespmem:s0+$0xBC20];
	v19 =	vmul.f32 v16, v8;
	(xrf2) =	vadd.scan.msk.f32 $0xffff, v62;
	v18 =	vbroadcast v15, $0x0  }
0x1cf: {  	v16 =	vmul.f32 v61, v7;
	v5 =	vld [tilespmem:s0+$0xBC40];
	s1 =	sadd.s32 $0x20, s29;
	v11 =	vbroadcast v11, $0xF;
	v15 =	vadd.f32 v13, v14  }
0x1d0: {  	s17 =	simm.s32 $0x1400;
	v12 =	vadd.f32 v19, v17;
	v14 =	vld [tilespmem:s1+$0xFFFFFFF8];
	v13 =	vmul.f32 v63, v8;
	(erf) = vpow2.f32 v18  }
.LBB2_5:
0x1d1: {  	p0 =	sne.s32 s17, $0x13600;
	v7 =	vld [tilespmem:s0+$0xBC00];
	v9 =	vsel vm5, v9, v11;
	v11 =	vadd.f32 v16, v15;
	v3 =	vsel vm12, $0x0, v3;
	v15, _, _ =	vpop (xrf2);
	(xrf2) =	vadd.scan.msk.f32 $0xffff, v10  }
0x1d2: {  	v8 =	vld [tilespmem:s0+$0xBBE0];
	v10 =	vbroadcast v15, $0xF;
	v3 =	vcvt.s32.f32 v3  }
0x1d3: {  	v15 =	vld [tilespmem:s0+$0xBBC0];
	v11 =	vadd.f32 v13, v11  }
0x1d4: {  	v13 =	vld [tilespmem:s0+$0xBBA0];
	v9 =	vsel vm6, v9, v10;
	(xrf2) =	vadd.scan.msk.f32 $0xffff, v12  }
0x1d5: {  	v10 =	vsel vm0, $0x0, v14;
	v12 =	vld [tilespmem:s0+$0xBB80];
	v14, _, _ =	vpop (xrf2)  }
0x1d6: {  	v16 =	vld [tilespmem:s0+$0xBB60];
	(xrf0) =	vadd.scan.msk.s32 $0xffff, v10;
	v17 =	vbroadcast v14, $0xF  }
0x1d7: {  	v14 =	vld [tilespmem:s0+$0xBB40];
	(xrf2) =	vadd.scan.msk.f32 $0xffff, v11  }
0x1d8: {  	v11 =	vld [tilespmem:s0+$0xBB20];
	v9 =	vsel vm7, v9, v17;
	v10, _, _ =	vpop (xrf2)  }
0x1d9: {  	v17 =	vld [tilespmem:s0+$0xBB00];
	v21 =	vbroadcast v10, $0xF;
	v18 =	vpop (erf)  }
0x1da: {  	v19 =	vld [tilespmem:s0+$0xBAE0];
	v18 =	vadd.f32 $1.000000000e+00, v18  }
0x1db: {  	v20 =	vld [tilespmem:s0+$0xBAC0];
	v9 =	vsel vm8, v9, v21;
	v10, _, _ =	vpop (xrf2)  }
0x1dc: {  	v21 =	vld [tilespmem:s0+$0xBA30];
	v22, _, _ =	vpop (xrf0);
	v23 =	vbroadcast v10, $0xF;
	(erf) = vrcp.f32 v18  }
0x1dd: {  	v18 =	vld [tilespmem:s0+$0xBA70];
	(v2sf) =	vpush v22, $0xF  }
0x1de: {  	v22 =	vld [tilespmem:s0+$0xBA80];
	v9 =	vsel vm9, v9, v23;
	v10, _, _ =	vpop (xrf2)  }
0x1df: {  	v23 =	vld [tilespmem:s0+$0xBA20];
	v26 =	vbroadcast v10, $0xF  }
0x1e0: {  	v24 =	vld [tilespmem:s0+$0xBA00]  }
0x1e1: {  	v25 =	vld [tilespmem:s0+$0xBA40];
	v9 =	vsel vm10, v9, v26;
	v10, _, _ =	vpop (xrf2)  }
0x1e2: {  	v26 =	vld [tilespmem:s0+$0xBA10];
	v9 =	vsel vm11, v9, v10  }
0x1e3: {  	v10 =	vld [tilespmem:s0+$0xBA50];
	v9 =	vsub.f32 $0.0e+00, v9  }
0x1e4: {  	v27 =	vld [tilespmem:s0+$0xBA60]  }
0x1e5: {  	v28 =	vld [tilespmem:s0+$0xBA90];
	v9 =	vmul.f32 $1.442695020e+00, v9;
	v29 =	vpop (erf)  }
0x1e6: {  	v30 =	vld [tilespmem:s0+$0xBAA0];
	v29 =	vsub.f32 $1.000000000e+00, v29  }
0x1e7: {  	v31 =	vld [tilespmem:s0+$0xBAD0];
	(erf) = vpow2.f32 v9  }
0x1e8: {  	v9 =	vadd.f32 v25, v24;
	v10 =	vadd.f32 v10, v26;
	v24 =	vld [tilespmem:s0+$0xBAB0];
	v25 =	vnsel vm1, $0x0, v29  }
0x1e9: {  	v18 =	vadd.f32 v18, v21;
	v26 =	vld [tilespmem:s0+$0xBB10];
	v23 =	vadd.f32 v27, v23;
	v21 =	vmul.f32 v25, v25  }
0x1ea: {  	v9 =	vadd.f32 v22, v9;
	v10 =	vadd.f32 v28, v10;
	v22 =	vld [tilespmem:s0+$0xBAF0]  }
0x1eb: {  	v25 =	vld [tilespmem:s0+$0xBB50];
	v23 =	vadd.f32 v30, v23;
	v1 =	vadd.f32 v21, v1  }
0x1ec: {  	v9 =	vadd.f32 v20, v9;
	v10 =	vadd.f32 v31, v10;
	v20 =	vld [tilespmem:s0+$0xBB30];
	s19 =	spop (v2sf)  }
0x1ed: {  	s19 =	scvt.s32.f32 s19;
	v21 =	vld [tilespmem:s0+$0xBB90];
	v27 =	vadd.f32 v19, v23;
	v18 =	vadd.f32 v24, v18  }
0x1ee: {  	v9 =	vadd.f32 v17, v9;
	v10 =	vadd.f32 v26, v10;
	v17 =	vld [tilespmem:s0+$0xBB70]  }
0x1ef: {  	v23 =	vmov s19;
	v24 =	vld [tilespmem:s0+$0xBBD0];
	v11 =	vadd.f32 v11, v27;
	v18 =	vadd.f32 v22, v18  }
0x1f0: {  	v9 =	vadd.f32 v14, v9;
	v10 =	vadd.f32 v25, v10;
	v14 =	vld [tilespmem:s0+$0xBBB0];
	(erf) = vrcp.f32 v23;
	v19 =	vpop (erf)  }
0x1f1: {  	v22 =	vld [tilespmem:s0+$0xBC10];
	v11 =	vadd.f32 v16, v11;
	v16 =	vadd.f32 v20, v18  }
0x1f2: {  	v9 =	vadd.f32 v12, v9;
	v10 =	vadd.f32 v21, v10;
	v12 =	vld [tilespmem:s0+$0xBBF0]  }
0x1f3: {  	v18 =	vld [tilespmem:s0+$0xBC50];
	v11 =	vadd.f32 v13, v11;
	v13 =	vadd.f32 v17, v16  }
0x1f4: {  	v9 =	vadd.f32 v15, v9;
	v10 =	vadd.f32 v24, v10;
	v15 =	vld [tilespmem:s0+$0xBC60]  }
0x1f5: {  	v8 =	vadd.f32 v8, v11;
	v11 =	vadd.f32 v14, v13;
	v13 =	vld [tilespmem:s0+$0xBC30]  }
0x1f6: {  	v7 =	vadd.f32 v7, v9;
	v9 =	vadd.f32 v22, v10;
	v10 =	vld [tilespmem:s16+$0xFFFFFFE0]  }
0x1f7: {  	v6 =	vadd.f32 v6, v8;
	v8 =	vadd.f32 v12, v11;
	v11 =	vld [tilespmem:s0+$0xBC70]  }
0x1f8: {  	v5 =	vadd.f32 v5, v7;
	v7 =	vadd.f32 v18, v9;
	v9 =	vld [tilespmem:s0+$0x15A00]  }
0x1f9: {  	v16 =	vadd.f32 $1.000000000e+00, v19;
	v12 =	vadd.f32 v15, v6;
	v14 =	vld [tilespmem:s16+$0xFFFFFFF0];
	v15 =	vpop (erf)  }
0x1fa: {  	v6 =	vmul.f32 v5, v15;
	v5 =	vmul.f32 v7, v15;
	v8 =	vadd.f32 v13, v8;
	v13 =	vld [tilespmem:s0+$0x15A10]  }
0x1fb: {  	v7 =	vmul.f32 v12, v15;
	v12 =	vld [tilespmem:s16+$0x0];
	(erf) = vrcp.f32 v16  }
0x1fc: {  	v8 =	vadd.f32 v11, v8;
	v4 =	vmul.f32 v4, v6;
	v10 =	vmul.f32 v10, v5;
	v11 =	vld [tilespmem:s0+$0x15A40]  }
0x1fd: {  	v9 =	vmul.f32 v9, v6;
	v16 =	vld [tilespmem:s0+$0x15A50]  }
0x1fe: {  	v8 =	vmul.f32 v8, v15;
	v4 =	vadd.f32 v10, v4;
	v10 =	vmul.f32 v14, v7;
	v14 =	vld [tilespmem:s0+$0x15A20]  }
0x1ff: {  	v13 =	vmul.f32 v13, v5;
	v15 =	vld [tilespmem:s0+$0x15A80]  }
0x200: {  	v4 =	vadd.f32 v10, v4;
	v10 =	vmul.f32 v12, v8;
	v12 =	vld [tilespmem:s0+$0x15A90]  }
0x201: {  	v9 =	vadd.f32 v13, v9;
	v11 =	vmul.f32 v11, v6;
	v13 =	vld [tilespmem:s0+$0x15A60]  }
0x202: {  	v19 =	vadd.f32 v10, v4;
	v10 =	vmul.f32 v16, v5;
	v16 =	vld [tilespmem:s0+$0x15AC0]  }
0x203: {  	v14 =	vmul.f32 v14, v7;
	v17 =	vld [tilespmem:s0+$0x15AD0]  }
0x204: {  	v18 =	vld [tilespmem:s0+$0x15A30];
	v10 =	vadd.f32 v10, v11;
	v11 =	vmul.f32 v15, v6;
	(xrf2) =	vadd.scan.msk.f32 $0xffff, v19;
	v4 =	vpop (erf)  }
0x205: {  	v9 =	vadd.f32 v14, v9;
	v12 =	vmul.f32 v12, v5;
	v14 =	vld [tilespmem:s0+$0x15AA0];
	v3 =	vmul.f32 v3, v4  }
0x206: {  	v4 =	vmul.f32 v13, v7;
	v13 =	vld [tilespmem:s0+$0x15B00]  }
0x207: {  	v11 =	vadd.f32 v12, v11;
	v12 =	vmul.f32 v16, v6;
	v15 =	vld [tilespmem:s0+$0x15B10];
	v3 =	vmul.f32 v3, v3  }
0x208: {  	v4 =	vadd.f32 v4, v10;
	v10 =	vld [tilespmem:s0+$0x15A70];
	v16 =	vmul.f32 v17, v5  }
0x209: {  	v17 =	vmul.f32 v18, v8;
	v18 =	vld [tilespmem:s0+$0x15AE0];
	v2 =	vadd.f32 v3, v2  }
0x20a: {  	v3 =	vmul.f32 v14, v7;
	v12 =	vadd.f32 v16, v12;
	v14 =	vld [tilespmem:s0+$0x15B40]  }
0x20b: {  	v9 =	vadd.f32 v17, v9;
	v13 =	vmul.f32 v13, v6;
	v16 =	vld [tilespmem:s0+$0x15B50]  }
0x20c: {  	v3 =	vadd.f32 v3, v11;
	v11 =	vld [tilespmem:s0+$0x15AB0];
	v15 =	vmul.f32 v15, v5  }
0x20d: {  	v10 =	vmul.f32 v10, v8;
	v17 =	vld [tilespmem:s0+$0x15B20];
	(xrf2) =	vadd.scan.msk.f32 $0xffff, v9  }
0x20e: {  	v9 =	vmul.f32 v18, v7;
	v13 =	vadd.f32 v15, v13;
	v15 =	vld [tilespmem:s0+$0x15B80];
	v18, _, _ =	vpop (xrf2)  }
0x20f: {  	v4 =	vadd.f32 v10, v4;
	v10 =	vmul.f32 v14, v6;
	v14 =	vld [tilespmem:s0+$0x15B90];
	(v2sf) =	vpush v18, $0xF  }
0x210: {  	v9 =	vadd.f32 v9, v12;
	v12 =	vld [tilespmem:s0+$0x15AF0];
	v16 =	vmul.f32 v16, v5  }
0x211: {  	v11 =	vmul.f32 v11, v8;
	v18 =	vld [tilespmem:s0+$0x15B60];
	(xrf2) =	vadd.scan.msk.f32 $0xffff, v4  }
0x212: {  	v4 =	vmul.f32 v17, v7;
	v10 =	vadd.f32 v16, v10;
	v16 =	vld [tilespmem:s0+$0x15BC0]  }
0x213: {  	v3 =	vadd.f32 v11, v3;
	v11 =	vmul.f32 v15, v6;
	v15 =	vld [tilespmem:s0+$0x15BD0]  }
0x214: {  	v4 =	vadd.f32 v4, v13;
	v13 =	vld [tilespmem:s0+$0x15B30];
	v14 =	vmul.f32 v14, v5  }
0x215: {  	v12 =	vmul.f32 v12, v8;
	v17 =	vld [tilespmem:s0+$0x15BA0];
	(xrf2) =	vadd.scan.msk.f32 $0xffff, v3  }
0x216: {  	v3 =	vmul.f32 v18, v7;
	v11 =	vadd.f32 v14, v11;
	v14 =	vld [tilespmem:s0+$0x15C00]  }
0x217: {  	v9 =	vadd.f32 v12, v9;
	v12 =	vmul.f32 v16, v6;
	v16 =	vld [tilespmem:s0+$0x15C10];
	v18, _, _ =	vpop (xrf2)  }
0x218: {  	v18 =	vbroadcast v18, $0xF;
	v3 =	vadd.f32 v3, v10;
	v10 =	vld [tilespmem:s0+$0x15B70];
	v20 =	vmul.f32 v15, v5  }
0x219: {  	v13 =	vmul.f32 v13, v8;
	v19 =	vld [tilespmem:s0+$0x15BE0];
	(xrf2) =	vadd.scan.msk.f32 $0xffff, v9  }
0x21a: {  	v9 =	vnsel vm2, $0x0, v18;
	v17 =	vmul.f32 v17, v7;
	v18 =	vld [tilespmem:s0+$0x15BB0];
	v12 =	vadd.f32 v20, v12  }
0x21b: {  	v4 =	vadd.f32 v13, v4;
	v13 =	vmul.f32 v14, v6;
	v14 =	vld [tilespmem:s0+$0x15C20];
	v15, _, _ =	vpop (xrf2)  }
0x21c: {  	v15 =	vbroadcast v15, $0xF;
	v11 =	vadd.f32 v17, v11;
	v17 =	vld [tilespmem:s0+$0x15BF0];
	v16 =	vmul.f32 v16, v5  }
0x21d: {  	v10 =	vmul.f32 v10, v8;
	v20 =	vld [tilespmem:s0+$0x15C40];
	(xrf2) =	vadd.scan.msk.f32 $0xffff, v4  }
0x21e: {  	v9 =	vsel vm3, v9, v15;
	v4 =	vmul.f32 v19, v7;
	v13 =	vadd.f32 v16, v13;
	v15 =	vld [tilespmem:s0+$0x15C50];
	s19 =	spop (v2sf)  }
0x21f: {  	s19 =	ssub.f32 $0.0e+00, s19;
	v3 =	vadd.f32 v10, v3;
	v10 =	vmul.f32 v18, v8;
	v16 =	vld [tilespmem:s0+$0x15C30];
	v18, _, _ =	vpop (xrf2)  }
0x220: {  	v18 =	vbroadcast v18, $0xF;
	v12 =	vadd.f32 v4, v12;
	v4 =	vmul.f32 v14, v7;
	v14 =	vld [tilespmem:s0+$0x15C60]  }
0x221: {  	v19 =	vmov s19;
	v11 =	vadd.f32 v10, v11;
	v10 =	vmul.f32 v17, v8;
	v17 =	vld [tilespmem:s0+$0x15C70];
	(xrf2) =	vadd.scan.msk.f32 $0xffff, v3  }
.Ltmp1:
0x222: {  	s16 =	sadd.s32 $0x40, s16;
	v3 =	vld [tilespmem:s1+$0x0];
	v19 =	vmul.f32 $1.442695020e+00, v19;
	v13 =	vadd.f32 v4, v13;
	v20 =	vmul.f32 v20, v6;
	(pc) =	sbr.rel @p0 .LBB2_5-.Ltmp1, $4  }
0x223: {  	s0 =	sshra.s32 s17, $0x2;
	v9 =	vsel vm4, v9, v18;
	v4 =	vld [tilespmem:s16+$0xFFFFFFD0];
	v10 =	vadd.f32 v10, v12;
	v12 =	vmul.f32 v15, v5;
	v15, _, _ =	vpop (xrf2)  }
0x224: {  	v5 =	vld [tilespmem:s0+$0xBC40];
	v18 =	vbroadcast v19, $0x0;
	v19 =	vmul.f32 v16, v8;
	(xrf2) =	vadd.scan.msk.f32 $0xffff, v11  }
0x225: {  	s1 =	sadd.s32 $0x20, s1;
	v11 =	vbroadcast v15, $0xF;
	v6 =	vld [tilespmem:s0+$0xBC20];
	v15 =	vadd.f32 v12, v20;
	v16 =	vmul.f32 v14, v7  }
0x226: {  	s17 =	sadd.s32 $0xA00, s17;
	v14 =	vld [tilespmem:s1+$0xFFFFFFF8];
	v12 =	vadd.f32 v19, v13;
	v13 =	vmul.f32 v17, v8;
	(erf) = vpow2.f32 v18  }
0x227: {  	v7 =	vld [tilespmem:s0+$0xBC00]  }
0x228: {  	v8 =	vld [tilespmem:s0+$0xBBE0]  }
0x229: {  	v17 =	vld [tilespmem:s0+$0xBBC0]  }
0x22a: {  	v18 =	vld [tilespmem:s0+$0xBBA0]  }
0x22b: {  	v19 =	vld [tilespmem:s0+$0xBB80]  }
0x22c: {  	v20 =	vld [tilespmem:s0+$0xBB60]  }
0x22d: {  	v21 =	vld [tilespmem:s0+$0xBB40]  }
0x22e: {  	v22 =	vld [tilespmem:s0+$0xBB20]  }
0x22f: {  	v23 =	vld [tilespmem:s0+$0xBB00]  }
0x230: {  	v24 =	vld [tilespmem:s0+$0xBAE0]  }
0x231: {  	v25 =	vld [tilespmem:s0+$0xBAC0]  }
0x232: {  	v26 =	vld [tilespmem:s0+$0xBA30]  }
0x233: {  	v27 =	vld [tilespmem:s0+$0xBA70];
	v14 =	vsel vm0, $0x0, v14  }
0x234: {  	v57 =	vld [tilespmem:s0+$0xBA80];
	(xrf0) =	vadd.scan.msk.s32 $0xffff, v14  }
0x235: {  	v28 =	vld [tilespmem:s0+$0xBA20]  }
0x236: {  	v29 =	vld [tilespmem:s0+$0xBA00]  }
0x237: {  	v30 =	vld [tilespmem:s0+$0xBA40]  }
0x238: {  	v58 =	vld [tilespmem:s0+$0xBA10]  }
0x239: {  	v15 =	vadd.f32 v16, v15;
	(xrf2) =	vadd.scan.msk.f32 $0xffff, v10;
	v59 =	vld [tilespmem:s0+$0xBA50]  }
0x23a: {  	v61 =	vld [tilespmem:s0+$0xBA60];
	(xrf2) =	vadd.scan.msk.f32 $0xffff, v12;
	v60, _, _ =	vpop (xrf0)  }
0x23b: {  	v62 =	vld [tilespmem:s0+$0xBA90];
	v13 =	vadd.f32 v13, v15;
	(v2sf) =	vpush v60, $0xF  }
0x23c: {  	v63 =	vld [tilespmem:s0+$0xBAA0]  }
0x23d: {  	v31 =	vld [tilespmem:s0+$0xBAD0];
	(xrf2) =	vadd.scan.msk.f32 $0xffff, v13  }
0x23e: {  	v32 =	vld [tilespmem:s0+$0xBAB0]  }
0x23f: {  	v34 =	vld [tilespmem:s0+$0xBB10]  }
0x240: {  	v33, _, _ =	vpop (xrf2);
	v36 =	vld [tilespmem:s0+$0xBAF0]  }
0x241: {  	v37 =	vld [tilespmem:s0+$0xBB50];
	v33 =	vbroadcast v33, $0xF;
	v35, _, _ =	vpop (xrf2)  }
0x242: {  	v9 =	vsel vm5, v9, v11;
	v38 =	vld [tilespmem:s0+$0xBB30];
	v40 =	vbroadcast v35, $0xF;
	v41, _, _ =	vpop (xrf2)  }
0x243: {  	v39 =	vld [tilespmem:s0+$0xBB90];
	v9 =	vsel vm6, v9, v33;
	v42 =	vbroadcast v41, $0xF;
	v43, _, _ =	vpop (xrf2)  }
0x244: {  	v47 =	vld [tilespmem:s0+$0xBB70];
	v48 =	vadd.f32 v30, v29;
	v9 =	vsel vm7, v9, v40;
	v44 =	vbroadcast v43, $0xF;
	v45, _, _ =	vpop (xrf2)  }
0x245: {  	v49 =	vld [tilespmem:s0+$0xBBD0];
	v10 =	vadd.f32 v59, v58;
	v9 =	vsel vm8, v9, v42;
	v46 =	vbroadcast v45, $0xF  }
0x246: {  	v51 =	vld [tilespmem:s0+$0xBBB0];
	v16 =	vadd.f32 v61, v28;
	v52 =	vadd.f32 v27, v26;
	v9 =	vsel vm9, v9, v44  }
0x247: {  	v53 =	vld [tilespmem:s0+$0xBC10];
	v11 =	vadd.f32 v57, v48;
	v10 =	vadd.f32 v62, v10;
	v9 =	vsel vm10, v9, v46;
	v50, _, _ =	vpop (xrf2)  }
0x248: {  	v55 =	vld [tilespmem:s0+$0xBBF0];
	v13 =	vadd.f32 v63, v16;
	v12 =	vadd.f32 v32, v52;
	v54 =	vpop (erf);
	v9 =	vsel vm11, v9, v50  }
0x249: {  	v56 =	vld [tilespmem:s0+$0xBC50];
	v26 =	vadd.f32 $1.000000000e+00, v54;
	v9 =	vsub.f32 $0.0e+00, v9  }
0x24a: {  	v33 =	vld [tilespmem:s0+$0x15A10];
	v11 =	vadd.f32 v25, v11;
	v10 =	vadd.f32 v31, v10;
	s17 =	spop (v2sf)  }
0x24b: {  	v58 =	vld [tilespmem:s0+$0xBC30];
	v13 =	vadd.f32 v24, v13;
	v12 =	vadd.f32 v36, v12;
	v9 =	vmul.f32 $1.442695020e+00, v9;
	s17 =	scvt.s32.f32 s17  }
0x24c: {  	v35 =	vld [tilespmem:s0+$0x15A40];
	(erf) = vrcp.f32 v26;
	v59 =	vadd.f32 v23, v11;
	v10 =	vadd.f32 v34, v10  }
0x24d: {  	v57 =	vld [tilespmem:s0+$0xBC60];
	v13 =	vadd.f32 v22, v13;
	(erf) = vpow2.f32 v9;
	v61 =	vmov s17  }
0x24e: {  	v62 =	vld [tilespmem:s0+$0xBC70];
	v10 =	vadd.f32 v37, v10;
	v9 =	vadd.f32 v21, v59;
	(erf) = vrcp.f32 v61  }
0x24f: {  	v63 =	vld [tilespmem:s0+$0x15A00];
	v12 =	vadd.f32 v38, v12;
	v13 =	vadd.f32 v20, v13  }
0x250: {  	v32 =	vld [tilespmem:s16+$0xFFFFFFF0];
	v10 =	vadd.f32 v39, v10;
	v9 =	vadd.f32 v19, v9  }
0x251: {  	v40 =	vld [tilespmem:s0+$0x15A90];
	v12 =	vadd.f32 v47, v12;
	v13 =	vadd.f32 v18, v13  }
0x252: {  	v48 =	vld [tilespmem:s0+$0x15B00];
	v10 =	vadd.f32 v49, v10;
	v9 =	vadd.f32 v17, v9  }
0x253: {  	v52 =	vld [tilespmem:s0+$0x15AE0];
	v12 =	vadd.f32 v51, v12;
	v8 =	vadd.f32 v8, v13  }
0x254: {  	v36 =	vld [tilespmem:s0+$0x15A50];
	v10 =	vadd.f32 v53, v10;
	v9 =	vadd.f32 v7, v9  }
0x255: {  	v60 =	vld [tilespmem:s16+$0xFFFFFFE0];
	v12 =	vadd.f32 v55, v12;
	v8 =	vadd.f32 v6, v8;
	v7 =	vpop (erf)  }
0x256: {  	v54 =	vld [tilespmem:s0+$0x15B50];
	v39 =	vadd.f32 v56, v10;
	v5 =	vadd.f32 v5, v9;
	v6 =	vpop (erf)  }
0x257: {  	v42 =	vld [tilespmem:s0+$0x15A60];
	v8 =	vadd.f32 v57, v8;
	v41 =	vpop (erf)  }
0x258: {  	v34 =	vld [tilespmem:s16+$0x0];
	v12 =	vadd.f32 v58, v12;
	v5 =	vmul.f32 v5, v41;
	v9 =	vmul.f32 v39, v41  }
0x259: {  	v38 =	vld [tilespmem:s0+$0x15A80];
	v8 =	vmul.f32 v8, v41  }
0x25a: {  	v43 =	vld [tilespmem:s0+$0x15AC0];
	v12 =	vadd.f32 v62, v12;
	v4 =	vmul.f32 v4, v5;
	v11 =	vmul.f32 v60, v9  }
0x25b: {  	v45 =	vld [tilespmem:s0+$0x15A30]  }
0x25c: {  	v37 =	vld [tilespmem:s0+$0x15A20];
	v12 =	vmul.f32 v12, v41;
	v47 =	vmul.f32 v32, v8;
	v4 =	vadd.f32 v11, v4  }
0x25d: {  	v44 =	vld [tilespmem:s0+$0x15AD0]  }
0x25e: {  	v46 =	vld [tilespmem:s0+$0x15AA0];
	v50 =	vmul.f32 v34, v12;
	v4 =	vadd.f32 v47, v4  }
0x25f: {  	v51 =	vld [tilespmem:s0+$0x15A70]  }
0x260: {  	v49 =	vld [tilespmem:s0+$0x15B10];
	v4 =	vadd.f32 v50, v4  }
0x261: {  	v55 =	vld [tilespmem:s0+$0x15AB0]  }
0x262: {  	v53 =	vld [tilespmem:s0+$0x15B40];
	(xrf2) =	vadd.scan.msk.f32 $0xffff, v4  }
0x263: {  	v58 =	vld [tilespmem:s0+$0x15B90];
	v21 =	vmul.f32 v63, v5;
	v19 =	vmul.f32 v33, v9  }
0x264: {  	v56 =	vld [tilespmem:s0+$0x15B20];
	v17 =	vmul.f32 v35, v5;
	v13 =	vmul.f32 v36, v9  }
0x265: {  	v57 =	vld [tilespmem:s0+$0x15B80];
	v14 =	vmul.f32 v37, v8;
	v15 =	vmul.f32 v38, v5  }
0x266: {  	v10 =	vmul.f32 v40, v9;
	v60 =	vld [tilespmem:s0+$0x15B60];
	v61 =	vmul.f32 v42, v8  }
0x267: {  	v62 =	vmul.f32 v43, v5;
	v33 =	vmul.f32 v44, v9;
	v34 =	vld [tilespmem:s0+$0x15BD0]  }
0x268: {  	v22 =	vmul.f32 v45, v12;
	v35 =	vmul.f32 v46, v8;
	v36 =	vld [tilespmem:s0+$0x15B30]  }
0x269: {  	v37 =	vld [tilespmem:s0+$0x15BA0];
	v16 =	vmul.f32 v48, v5;
	v38 =	vmul.f32 v49, v9  }
0x26a: {  	v40 =	vld [tilespmem:s0+$0x15C00];
	v18 =	vmul.f32 v51, v12;
	v41 =	vmul.f32 v52, v8  }
0x26b: {  	v42 =	vld [tilespmem:s0+$0x15C10];
	v43 =	vmul.f32 v54, v9;
	v45 =	vmul.f32 v56, v8;
	v19 =	vadd.f32 v19, v21  }
0x26c: {  	v46 =	vld [tilespmem:s0+$0x15BE0];
	v48 =	vmul.f32 v58, v9;
	v13 =	vadd.f32 v13, v17;
	v10 =	vadd.f32 v10, v15;
	v39, _, _ =	vpop (xrf2)  }
0x26d: {  	v49 =	vld [tilespmem:s0+$0x15BB0];
	v15 =	vadd.f32 v38, v16;
	v11 =	vmul.f32 v53, v5;
	(v2sf) =	vpush v39, $0xF  }
0x26e: {  	v51 =	vld [tilespmem:s0+$0x15C20];
	v14 =	vadd.f32 v14, v19;
	v13 =	vadd.f32 v61, v13;
	v47 =	vmul.f32 v57, v5  }
0x26f: {  	v59 =	vld [tilespmem:s0+$0x15AF0];
	v19 =	vadd.f32 v33, v62;
	v52 =	vmul.f32 v60, v8;
	v56 =	vmul.f32 v34, v9  }
0x270: {  	v63 =	vld [tilespmem:s0+$0x15BC0];
	v10 =	vadd.f32 v35, v10;
	v17 =	vmul.f32 v36, v12;
	v58 =	vmul.f32 v37, v8  }
0x271: {  	v54 =	vld [tilespmem:s0+$0x15BF0];
	v11 =	vadd.f32 v43, v11;
	v23 =	vmul.f32 v40, v5;
	v20 =	vmul.f32 v42, v9  }
0x272: {  	v44 =	vld [tilespmem:s0+$0x15B70];
	v15 =	vadd.f32 v45, v15;
	v28 =	vmul.f32 v46, v8;
	v29 =	vmul.f32 v49, v12  }
0x273: {  	v57 =	vld [tilespmem:s0+$0x15C40];
	v31 =	vmul.f32 v51, v8;
	v14 =	vadd.f32 v22, v14;
	v13 =	vadd.f32 v18, v13  }
0x274: {  	v19 =	vadd.f32 v41, v19;
	v50 =	vmul.f32 v59, v12;
	v59 =	vld [tilespmem:s0+$0x15C50];
	v4 =	vmul.f32 v55, v12  }
0x275: {  	v60 =	vld [tilespmem:s0+$0x15C30];
	v53 =	vadd.f32 v48, v47;
	v11 =	vadd.f32 v52, v11;
	v55 =	vmul.f32 v63, v5  }
0x276: {  	v27 =	vld [tilespmem:s0+$0x15C60];
	v32 =	vmul.f32 v54, v12;
	v61 =	vadd.f32 v17, v15;
	(xrf2) =	vadd.scan.msk.f32 $0xffff, v14;
	v4 =	vadd.f32 v4, v10  }
0x277: {  	v63 =	vmul.f32 v44, v12;
	v10 =	vadd.f32 v50, v19;
	v19 =	vadd.f32 v56, v55;
	(xrf2) =	vadd.scan.msk.f32 $0xffff, v13  }
0x278: {  	v33 =	vld [tilespmem:s0+$0x15C70];
	v20 =	vadd.f32 v20, v23;
	v62 =	vadd.f32 v58, v53;
	v5 =	vmul.f32 v57, v5;
	(xrf2) =	vadd.scan.msk.f32 $0xffff, v4  }
0x279: {  	v30 =	vadd.f32 v63, v11;
	v9 =	vmul.f32 v59, v9;
	v34 =	vadd.f32 v28, v19;
	(xrf2) =	vadd.scan.msk.f32 $0xffff, v10  }
0x27a: {  	v35 =	vadd.f32 v29, v62;
	v11 =	vadd.f32 v31, v20;
	v36 =	vmul.f32 v60, v12;
	(xrf2) =	vadd.scan.msk.f32 $0xffff, v61  }
0x27b: {  	v8 =	vmul.f32 v27, v8;
	v5 =	vadd.f32 v9, v5;
	v37 =	vadd.f32 v32, v34;
	(xrf2) =	vadd.scan.msk.f32 $0xffff, v30  }
0x27c: {  	v38 =	vadd.f32 v36, v11;
	(xrf2) =	vadd.scan.msk.f32 $0xffff, v35;
	s31 =	spop (v2sf)  }
0x27d: {  	v5 =	vadd.f32 v8, v5;
	(xrf2) =	vadd.scan.msk.f32 $0xffff, v37;
	v39 =	vmul.f32 v33, v12;
	s0 =	ssub.f32 $0.0e+00, s31  }
0x27e: {  	(xrf2) =	vadd.scan.msk.f32 $0xffff, v38  }
0x27f: {  	v5 =	vadd.f32 v39, v5;
	v40 =	vmov s0  }
0x280: {  	v41, _, _ =	vpop (xrf2);
	v4 =	vmul.f32 $1.442695020e+00, v40  }
0x281: {  	v6 =	vadd.f32 $1.000000000e+00, v6;
	v8 =	vbroadcast v41, $0xF;
	v42, _, _ =	vpop (xrf2);
	(xrf2) =	vadd.scan.msk.f32 $0xffff, v5  }
0x282: {  	v9 =	vbroadcast v42, $0xF;
	v43, _, _ =	vpop (xrf2);
	v4 =	vbroadcast v4, $0x0  }
0x283: {  	(erf) = vrcp.f32 v6;
	v45 =	vnsel vm2, $0x0, v8;
	v44, _, _ =	vpop (xrf2);
	v5 =	vbroadcast v43, $0xF  }
0x284: {  	v6 =	vsel vm3, v45, v9;
	v46, _, _ =	vpop (xrf2);
	v47 =	vbroadcast v44, $0xF;
	(erf) = vpow2.f32 v4  }
0x285: {  	v48, _, _ =	vpop (xrf2);
	v5 =	vsel vm4, v6, v5;
	v49 =	vbroadcast v46, $0xF  }
0x286: {  	v5 =	vsel vm5, v5, v47;
	v50, _, _ =	vpop (xrf2);
	v4 =	vbroadcast v48, $0xF  }
0x287: {  	v5 =	vsel vm6, v5, v49;
	v51 =	vbroadcast v50, $0xF;
	v52, _, _ =	vpop (xrf2)  }
0x288: {  	v53 =	vbroadcast v52, $0xF;
	v54, _, _ =	vpop (xrf2);
	v4 =	vsel vm7, v5, v4  }
0x289: {  	v55 =	vbroadcast v54, $0xF;
	v4 =	vsel vm8, v4, v51  }
0x28a: {  	v4 =	vsel vm9, v4, v53  }
0x28b: {  	v56, _, _ =	vpop (xrf2);
	v4 =	vsel vm10, v4, v55  }
0x28c: {  	v57 =	vpop (erf);
	v4 =	vsel vm11, v4, v56  }
0x28d: {  	v4 =	vsub.f32 $0.0e+00, v4;
	v58 =	vpop (erf)  }
0x28e: {  	v5 =	vadd.f32 $1.000000000e+00, v58  }
0x28f: {  	v4 =	vmul.f32 $1.442695020e+00, v4  }
0x290: {  	(erf) = vrcp.f32 v5  }
0x291: {  	(erf) = vpow2.f32 v4;
	_ =	sdelay $0x7  }
0x292: {  	v59 =	vpop (erf)  }
0x293: {  	v60 =	vpop (erf)  }
0x294: {  	v5 =	vadd.f32 $1.000000000e+00, v60;
	_ =	sdelay $0x1  }
0x295: {  	(erf) = vrcp.f32 v5;
	_ =	sdelay $0x1  }
0x296: {  	v61 =	vld [tilespmem:s1+$0x0];
	_ =	sdelay $0x2  }
0x297: {  	v3 =	vsel vm12, $0x0, v3;
	v7 =	vsub.f32 $1.000000000e+00, v7  }
0x298: {  	v3 =	vcvt.s32.f32 v3  }
0x299: {  	v7 =	vnsel vm1, $0x0, v7;
	v5 =	vsel vm12, $0x0, v61  }
0x29a: {  	v3 =	vmul.f32 v3, v57;
	v4 =	vsub.f32 $1.000000000e+00, v59;
	v5 =	vcvt.s32.f32 v5  }
0x29b: {  	v62 =	vmul.f32 v7, v7;
	v63 =	vpop (erf)  }
0x29c: {  	s30 =	sadd.s32 $0x1, s30;
	v3 =	vmul.f32 v3, v3;
	v4 =	vnsel vm1, $0x0, v4;
	v5 =	vmul.f32 v5, v63  }
0x29d: {  	p0 =	sne.s32 s30, $0x8;
	v1 =	vadd.f32 v62, v1;
	v4 =	vmul.f32 v4, v4  }
.Ltmp2:
0x29e: {  	v2 =	vadd.f32 v3, v2;
	v3 =	vmul.f32 v5, v5;
	(pc) =	sbr.rel @p0 .LBB2_2-.Ltmp2, $4  }
0x29f: {  	v1 =	vadd.f32 v4, v1  }
0x2a0: {  	v2 =	vadd.f32 v3, v2  }
0x2a1: {  	[tilespmem:$0x1BA00] =	vst v1  }
0x2a2: {  	s28 =	sadd.s32 $0x800, s28;
	s29 =	sadd.s32 $0x800, s29;
	[tilespmem:$0x1BA10] =	vst v2  }
0x2a3: {  	s26 =	sadd.s32 $0x1, s26  }
0x2a4: {  	p0 =	sne.s32 s26, s10  }
.Ltmp3:
0x2a5: {  	_ = 	snop;
	(pc) =	sbr.rel @p0 .LBB2_1-.Ltmp3, $4  }
0x2a6: {  	[hbm4b:s9+s2] =	stream.linear.scatter [tilespmem:s25], [sflag:$0x3], $0x20, $0x38;
	[tilespmem:$0x1BA20] =	vst v63  }
0x2a7: {  	_ =	swait.ge [sflag:s11], $0x20  }
0x2a8: {  	[sflag:s11] =	ssyncset.done $0x0  }
0x2a9: {  	[sflag:s11] =	ssyncadd.s32 $0xFFFFFFE0  }
0x2aa: {  	_ =	sfence.sel $0x180000  }
0x2ab: {  	[bflag:$0x0] =	sbarrier.arrive $0xFFFF  }
0x2ac: {  	_ =	strace $0x90000047  }
0x2ad: {  	s0 =	stileid.u32;
	[bflag:$0x2] =	sbarrier.arrive $0xFFFF  }
0x2ae: {  	p0 =	sne.s32 s0, $0x0;
	s0 =	rddreg [dreg:$0x1]  }
0x2af: {  	s0 =	sadd.s32 @!p0 $0x100000, s0  }
0x2b0: {  	[sflag:s0] =	ssyncadd.tile.s32 @!p0 $0x1;
	_ =	shalt  }
.Lfunc_end2:
_tile_overlayer_lowered:
.L_overlay_start_2:
0x2b1: {  	(tag) =	ssettag $0x2  }
0x2b2: {  	s0 =	rddreg [dreg:$0x0];
	s2 =	stileid.u32  }
0x2b3: {  	s1 =	rddreg [dreg:$0x1];
	p0 =	sne.s32 s2, $0x0  }
0x2b4: {  	s3 =	rddreg [dreg:$0x2];
	[bflag:$0x3] =	sbarrier.arrive $0xFFFF;
	s2 =	simm.s32 @!p0 $0x1C03  }
0x2b5: {  	[timem:s3], [sflag:s2] =	dma.local @!p0 [hbm:s0], s1  }
0x2b6: {  	s0 =	simm.s32 @!p0 $0x3  }
0x2b7: {  	_ =	swait.ge @!p0 [sflag:s0], s1  }
0x2b8: {  	s1 =	ssub.s32 @!p0 $0x0, s1;
	[sflag:s0] =	ssyncset.done @!p0 $0x0  }
0x2b9: {  	[sflag:s0] =	ssyncadd.s32 @!p0 s1  }
0x2ba: {  	[bflag:$0x3] =	sbarrier.arrive $0xFFFF  }
0x2bb: {  	_ =	shalt  }

</sc_bundles>
